<compile_context>
chip_gen: v7x
topology: tpu7x:2x2x1
jax: 0.10.2.dev20260603
libtpu: 0.0.44.dev20260713+nightly
codegen_flags: <defaults>
</compile_context>

<pallas_src>
import functools

import jax
import jax.numpy as jnp
from jax import lax
from jax.experimental import pallas as pl
from jax.experimental.pallas import tpu as pltpu
from jax.experimental.pallas import tpu_sc as plsc

_R_BINS = 32
_N = 4_000_000
_NC, _NS, _L = 2, 16, 16
_NW = _NC * _NS
_B = 128
_NBLK = _N // _B
_CBLK = 50
_CHUNK = _CBLK * _B
_PC = _CBLK * 3 * _B
_NCHUNKS = _NBLK // _CBLK
_CPW = (_NCHUNKS + _NW - 1) // _NW
_GROUPS = _CHUNK // _L
_NVAL = 7
_HIST = _NVAL * _R_BINS * _L
_ROWS = _NVAL * _R_BINS


def _sc_body(pos_hbm, vel_hbm, m_hbm, out_hbm,
             pos_v0, vel_v0, m_v0, pos_v1, vel_v1, m_v1,
             h0, h1, h2, h3, h4, h5, h6, acc_v, sem0, sem1):
    hists = (h0, h1, h2, h3, h4, h5, h6)
    cid = lax.axis_index("c")
    sid = lax.axis_index("s")
    wid = sid * _NC + cid

    lane = lax.iota(jnp.int32, _L)
    zero16 = jnp.zeros((_L,), jnp.float32)

    def _zero(j, carry):
        for hv in hists:
            hv[pl.ds(j * _L, _L)] = zero16
        return carry

    lax.fori_loop(0, _R_BINS * _L // _L, _zero, 0)

    bufs = ((pos_v0, vel_v0, m_v0, sem0), (pos_v1, vel_v1, m_v1, sem1))

    def _issue(c, buf):
        pv, vv, mv, sem = buf

        @pl.when(c < _NCHUNKS)
        def _():
            pltpu.async_copy(pos_hbm.at[pl.ds(c * _PC, _PC)], pv, sem)
            pltpu.async_copy(vel_hbm.at[pl.ds(c * _PC, _PC)], vv, sem)
            pltpu.async_copy(m_hbm.at[pl.ds(c * _CHUNK, _CHUNK)], mv, sem)

    def _process(c, buf):
        pv, vv, mv, sem = buf

        @pl.when(c < _NCHUNKS)
        def _():
            pltpu.make_async_copy(pos_hbm.at[pl.ds(0, _PC)], pv, sem).wait()
            pltpu.make_async_copy(vel_hbm.at[pl.ds(0, _PC)], vv, sem).wait()
            pltpu.make_async_copy(m_hbm.at[pl.ds(0, _CHUNK)], mv, sem).wait()

            @plsc.parallel_loop(0, _GROUPS, unroll=4)
            def group_body(g):
                po = (g >> 3) * (3 * _B) + (g & 7) * _L
                x = pv[pl.ds(po, _L)]
                y = pv[pl.ds(po + _B, _L)]
                vx = vv[pl.ds(po, _L)]
                vy = vv[pl.ds(po + _B, _L)]
                vz = vv[pl.ds(po + 2 * _B, _L)]
                m = mv[pl.ds(g * _L, _L)]

                s = x * x + y * y
                inv = plsc.bitcast(
                    jnp.int32(0x5F3759DF) - (plsc.bitcast(s, jnp.int32) >> 1),
                    jnp.float32)
                h = -0.5 * s
                inv = inv * (1.5 + h * inv * inv)
                inv = inv * (1.5 + h * inv * inv)

                u = (s * inv) * 8.00016
                i0 = u.astype(jnp.int32)
                fi = i0.astype(jnp.float32)
                s64 = s * 64.0
                i1 = jnp.where(s64 < fi * fi, i0 - 1, i0)
                w = jnp.where(i1 < _R_BINS, m, 0.0)
                ic = jnp.minimum(i1, _R_BINS - 1)

                nr = x * vx + y * vy
                nphi = y * vx - x * vy
                vr = nr * inv
                vphi = nphi * inv
                wvr = w * vr
                wvphi = w * vphi
                wvz = w * vz
                bidx = ic * _L + lane
                plsc.addupdate_scatter(h0, [bidx], w)
                plsc.addupdate_scatter(h1, [bidx], wvr)
                plsc.addupdate_scatter(h2, [bidx], wvr * vr)
                plsc.addupdate_scatter(h3, [bidx], wvphi)
                plsc.addupdate_scatter(h4, [bidx], wvphi * vphi)
                plsc.addupdate_scatter(h5, [bidx], wvz)
                plsc.addupdate_scatter(h6, [bidx], wvz * vz)

    _issue(wid, bufs[0])

    def chunk_pair(u, carry):
        t0 = u * 2
        c0 = wid + t0 * _NW
        c1 = c0 + _NW
        _issue(c1, bufs[1])
        _process(c0, bufs[0])
        _issue(c1 + _NW, bufs[0])
        _process(c1, bufs[1])
        return carry

    lax.fori_loop(0, _CPW // 2, chunk_pair, 0)

    lidx = lane * _L
    for k, hv in enumerate(hists):
        for j in range(_R_BINS // _L):
            b = j * (_L * _L)
            accv = zero16
            for l in range(_L):
                accv = accv + plsc.load_gather(hv, [lidx + (b + l)])
            acc_v[pl.ds(k * _R_BINS + j * _L, _L)] = accv

    pltpu.sync_copy(acc_v, out_hbm.at[wid])


_sc_hist = functools.partial(
    pl.kernel,
    out_type=jax.ShapeDtypeStruct((_NW, _ROWS), jnp.float32),
    mesh=plsc.VectorSubcoreMesh(
        core_axis_name="c", subcore_axis_name="s",
        num_cores=_NC, num_subcores=_NS),
    compiler_params=pltpu.CompilerParams(needs_layout_passes=False),
    scratch_types=[
        pltpu.VMEM((_PC,), jnp.float32),
        pltpu.VMEM((_PC,), jnp.float32),
        pltpu.VMEM((_CHUNK,), jnp.float32),
        pltpu.VMEM((_PC,), jnp.float32),
        pltpu.VMEM((_PC,), jnp.float32),
        pltpu.VMEM((_CHUNK,), jnp.float32),
        pltpu.VMEM((_R_BINS * _L,), jnp.float32),
        pltpu.VMEM((_R_BINS * _L,), jnp.float32),
        pltpu.VMEM((_R_BINS * _L,), jnp.float32),
        pltpu.VMEM((_R_BINS * _L,), jnp.float32),
        pltpu.VMEM((_R_BINS * _L,), jnp.float32),
        pltpu.VMEM((_R_BINS * _L,), jnp.float32),
        pltpu.VMEM((_R_BINS * _L,), jnp.float32),
        pltpu.VMEM((_ROWS,), jnp.float32),
        pltpu.SemaphoreType.DMA,
        pltpu.SemaphoreType.DMA,
    ],
)(_sc_body)


def _epi_body(p_ref, o_ref):
    s = jnp.sum(p_ref[:], axis=0)
    mass = s[0:1, :]
    vr = s[1:2] / mass
    vr2 = s[2:3] / mass
    vphi = s[3:4] / mass
    vphi2 = s[4:5] / mass
    vz = s[5:6] / mass
    vz2 = s[6:7] / mass
    o_ref[:] = jnp.concatenate([
        vphi, jnp.sqrt(vphi2 - vphi * vphi),
        vr, jnp.sqrt(vr2 - vr * vr),
        vz, jnp.sqrt(vz2 - vz * vz)], axis=0)


def _to_block_major(a):
    return a.reshape(_NBLK, _B, 3).transpose(0, 2, 1).reshape(-1)


def kernel(positions, velocities, masses):
    partials = _sc_hist(
        _to_block_major(positions), _to_block_major(velocities), masses)
    p3 = partials.reshape(_NW, _NVAL, _R_BINS)
    return pl.pallas_call(
        _epi_body,
        out_shape=jax.ShapeDtypeStruct((6, _R_BINS), jnp.float32),
    )(p3)

# --- scband reference (transcript-rebuilt; emitter-appended) ---
"""Pipeline reference for scband-disk-kinematics-4741643894785 (READ-ONLY COPY).

The authoritative reference and input builder live on the scoring server;
editing this copy changes nothing except your own understanding.
"""

import jax, jax.numpy as jnp
import numpy as np

R_MIN = 0.0
R_MAX = 4.0
R_BINS = 32
DR = (R_MAX - R_MIN) / R_BINS
N = 4000000


def setup_inputs(seed: int = 0) -> dict:
    key = jax.random.key(seed)
    k1, k2, k3 = jax.random.split(key, 3)
    positions = jax.random.normal(k1, (N, 3), dtype=jnp.float32)
    velocities = jax.random.normal(k2, (N, 3), dtype=jnp.float32)
    masses = jax.random.uniform(k3, (N,), dtype=jnp.float32)
    return {"positions": positions, "velocities": velocities, "masses": masses}


def reference(positions, velocities, masses):
    r_cyl = jnp.sqrt(positions[:, 0] ** 2 + positions[:, 1] ** 2)
    i = jnp.floor((r_cyl - R_MIN) / DR).astype(jnp.int32)
    gd = (i >= 0) & (i < R_BINS)
    ic = jnp.clip(i, 0, R_BINS - 1)
    w = jnp.where(gd, masses, jnp.zeros_like(masses))
    v_r_cyl = (positions[:, 0] * velocities[:, 0] + positions[:, 1] * velocities[:, 1]) / r_cyl
    v_phi = (positions[:, 1] * velocities[:, 0] - positions[:, 0] * velocities[:, 1]) / r_cyl
    v_z = velocities[:, 2]

    def in_bin(x):
        return jnp.zeros((R_BINS,), dtype=jnp.float32).at[ic].add(w * x)

    hist_mass = in_bin(jnp.ones_like(masses))
    hist_vr = in_bin(v_r_cyl) / hist_mass
    hist_vr2 = in_bin(v_r_cyl ** 2) / hist_mass
    hist_vphi = in_bin(v_phi) / hist_mass
    hist_vphi2 = in_bin(v_phi ** 2) / hist_mass
    hist_vz = in_bin(v_z) / hist_mass
    hist_vz2 = in_bin(v_z ** 2) / hist_mass
    hist_vz_sig = jnp.sqrt(hist_vz2 - hist_vz ** 2)
    hist_vr_sig = jnp.sqrt(hist_vr2 - hist_vr ** 2)
    hist_vphi_sig = jnp.sqrt(hist_vphi2 - hist_vphi ** 2)
    kin = jnp.stack((hist_vphi, hist_vphi_sig, hist_vr, hist_vr_sig, hist_vz, hist_vz_sig))
    return kin

if __name__ == "__main__":
    import jax
    _d = setup_inputs()
    print(jax.jit(kernel)(*tuple(_d.values())))

</pallas_src>

<mosaic_0001>
#map = affine_map<(d0, d1) -> (0)>
#map1 = affine_map<(d0, d1) -> (0, 0)>
module attributes {stable_mosaic.version = 14 : i64} {
  func.func @_sc_body(%arg0: i32, %arg1: i32, %arg2: memref<12000000xf32, #tpu.memory_space<hbm>>, %arg3: memref<12000000xf32, #tpu.memory_space<hbm>>, %arg4: memref<4000000xf32, #tpu.memory_space<hbm>>, %arg5: memref<32x224xf32, #tpu.memory_space<hbm>>, %arg6: memref<19200xf32, #tpu.memory_space<vmem>>, %arg7: memref<19200xf32, #tpu.memory_space<vmem>>, %arg8: memref<6400xf32, #tpu.memory_space<vmem>>, %arg9: memref<19200xf32, #tpu.memory_space<vmem>>, %arg10: memref<19200xf32, #tpu.memory_space<vmem>>, %arg11: memref<6400xf32, #tpu.memory_space<vmem>>, %arg12: memref<512xf32, #tpu.memory_space<vmem>>, %arg13: memref<512xf32, #tpu.memory_space<vmem>>, %arg14: memref<512xf32, #tpu.memory_space<vmem>>, %arg15: memref<512xf32, #tpu.memory_space<vmem>>, %arg16: memref<512xf32, #tpu.memory_space<vmem>>, %arg17: memref<512xf32, #tpu.memory_space<vmem>>, %arg18: memref<512xf32, #tpu.memory_space<vmem>>, %arg19: memref<224xf32, #tpu.memory_space<vmem>>, %arg20: memref<!tpu.dma_semaphore, #tpu.memory_space<semaphore_mem>>, %arg21: memref<!tpu.dma_semaphore, #tpu.memory_space<semaphore_mem>>) attributes {dimension_semantics = [#tpu.dimension_semantics<core_parallel>, #tpu.dimension_semantics<subcore_parallel>], iteration_bounds = array<i64: 2, 16>, scalar_prefetch = 0 : i64, scratch_operands = 16 : i64, tpu.core_type = #tpu.core_type<sc_vector_subcore>, window_params = [{transform_indices = #map}, {transform_indices = #map}, {transform_indices = #map}, {transform_indices = #map1}]} {
    %mul3A = arith.constant 2 : i32
    %mul3A_0 = arith.muli %arg1, %mul3A : i32
    %add3A = arith.addi %mul3A_0, %arg0 : i32
    %iota3A = tpu.iota {dimensions = array<i32: 0>} : vector<16xi32>
    %broadcast_in_dim3A = arith.constant 0.000000e+00 : f32
    %broadcast_in_dim3A_1 = vector.broadcast %broadcast_in_dim3A : f32 to vector<16xf32>
    %scan3A = arith.constant 0 : i32
    %scan3A_2 = arith.constant 0 : i32
    %scan3A_3 = arith.constant 32 : i32
    %scan3A_4 = arith.addi %scan3A_2, %scan3A_3 : i32
    %scan3A_5 = arith.constant 1 : i32
    scf.for %scan3A_1164 = %scan3A_2 to %scan3A_4 step %scan3A_5  : i32 {
      %mul3A_1165 = arith.constant 16 : i32
      %mul3A_1166 = arith.muli %scan3A_1164, %mul3A_1165 : i32
      %swap3A_1167 = arith.index_cast %mul3A_1166 : i32 to index
      %swap3A_1168 = tpu.vector_load %arg12[%swap3A_1167] {strides = array<i32>} : memref<512xf32, #tpu.memory_space<vmem>>, vector<16xf32>,
      tpu.vector_store %arg12[%swap3A_1167], %broadcast_in_dim3A_1 {strides = array<i32>} : memref<512xf32, #tpu.memory_space<vmem>>, vector<16xf32>,
      %mul3A_1169 = arith.constant 16 : i32
      %mul3A_1170 = arith.muli %scan3A_1164, %mul3A_1169 : i32
      %swap3A_1171 = arith.index_cast %mul3A_1170 : i32 to index
      %swap3A_1172 = tpu.vector_load %arg13[%swap3A_1171] {strides = array<i32>} : memref<512xf32, #tpu.memory_space<vmem>>, vector<16xf32>,
      tpu.vector_store %arg13[%swap3A_1171], %broadcast_in_dim3A_1 {strides = array<i32>} : memref<512xf32, #tpu.memory_space<vmem>>, vector<16xf32>,
      %mul3A_1173 = arith.constant 16 : i32
      %mul3A_1174 = arith.muli %scan3A_1164, %mul3A_1173 : i32
      %swap3A_1175 = arith.index_cast %mul3A_1174 : i32 to index
      %swap3A_1176 = tpu.vector_load %arg14[%swap3A_1175] {strides = array<i32>} : memref<512xf32, #tpu.memory_space<vmem>>, vector<16xf32>,
      tpu.vector_store %arg14[%swap3A_1175], %broadcast_in_dim3A_1 {strides = array<i32>} : memref<512xf32, #tpu.memory_space<vmem>>, vector<16xf32>,
      %mul3A_1177 = arith.constant 16 : i32
      %mul3A_1178 = arith.muli %scan3A_1164, %mul3A_1177 : i32
      %swap3A_1179 = arith.index_cast %mul3A_1178 : i32 to index
      %swap3A_1180 = tpu.vector_load %arg15[%swap3A_1179] {strides = array<i32>} : memref<512xf32, #tpu.memory_space<vmem>>, vector<16xf32>,
      tpu.vector_store %arg15[%swap3A_1179], %broadcast_in_dim3A_1 {strides = array<i32>} : memref<512xf32, #tpu.memory_space<vmem>>, vector<16xf32>,
      %mul3A_1181 = arith.constant 16 : i32
      %mul3A_1182 = arith.muli %scan3A_1164, %mul3A_1181 : i32
      %swap3A_1183 = arith.index_cast %mul3A_1182 : i32 to index
      %swap3A_1184 = tpu.vector_load %arg16[%swap3A_1183] {strides = array<i32>} : memref<512xf32, #tpu.memory_space<vmem>>, vector<16xf32>,
      tpu.vector_store %arg16[%swap3A_1183], %broadcast_in_dim3A_1 {strides = array<i32>} : memref<512xf32, #tpu.memory_space<vmem>>, vector<16xf32>,
      %mul3A_1185 = arith.constant 16 : i32
      %mul3A_1186 = arith.muli %scan3A_1164, %mul3A_1185 : i32
      %swap3A_1187 = arith.index_cast %mul3A_1186 : i32 to index
      %swap3A_1188 = tpu.vector_load %arg17[%swap3A_1187] {strides = array<i32>} : memref<512xf32, #tpu.memory_space<vmem>>, vector<16xf32>,
      tpu.vector_store %arg17[%swap3A_1187], %broadcast_in_dim3A_1 {strides = array<i32>} : memref<512xf32, #tpu.memory_space<vmem>>, vector<16xf32>,
      %mul3A_1189 = arith.constant 16 : i32
      %mul3A_1190 = arith.muli %scan3A_1164, %mul3A_1189 : i32
      %swap3A_1191 = arith.index_cast %mul3A_1190 : i32 to index
      %swap3A_1192 = tpu.vector_load %arg18[%swap3A_1191] {strides = array<i32>} : memref<512xf32, #tpu.memory_space<vmem>>, vector<16xf32>,
      tpu.vector_store %arg18[%swap3A_1191], %broadcast_in_dim3A_1 {strides = array<i32>} : memref<512xf32, #tpu.memory_space<vmem>>, vector<16xf32>,
    }
    %scan3A_6 = arith.constant 32 : i32
    %lt3A = arith.constant 625 : i32
    %lt3A_7 = arith.cmpi slt, %add3A, %lt3A : i32
    %convert_element_type3A = arith.extui %lt3A_7 : i1 to i32
    %cond3A = arith.constant 0 : i32
    %cond3A_8 = arith.cmpi ne, %convert_element_type3A, %cond3A : i32
    scf.if %cond3A_8 {
      %mul3A_1164 = arith.constant 19200 : i32
      %mul3A_1165 = arith.muli %add3A, %mul3A_1164 : i32
      %dma_start3A = tpu.memref_slice %arg2[%mul3A_1165] : memref<12000000xf32, #tpu.memory_space<hbm>> -> memref<19200xf32, #tpu.memory_space<hbm>>
      %dma_start3A_1166 = tpu.memref_slice %arg2[%mul3A_1165] : memref<12000000xf32, #tpu.memory_space<hbm>> -> memref<19200xf32, #tpu.memory_space<hbm>>
      tpu.enqueue_dma source(%dma_start3A_1166 : memref<19200xf32, #tpu.memory_space<hbm>>) target(%arg6 : memref<19200xf32, #tpu.memory_space<vmem>>) target_semaphore(%arg20 : memref<!tpu.dma_semaphore, #tpu.memory_space<semaphore_mem>>)
      %mul3A_1167 = arith.constant 19200 : i32
      %mul3A_1168 = arith.muli %add3A, %mul3A_1167 : i32
      %dma_start3A_1169 = tpu.memref_slice %arg3[%mul3A_1168] : memref<12000000xf32, #tpu.memory_space<hbm>> -> memref<19200xf32, #tpu.memory_space<hbm>>
      %dma_start3A_1170 = tpu.memref_slice %arg3[%mul3A_1168] : memref<12000000xf32, #tpu.memory_space<hbm>> -> memref<19200xf32, #tpu.memory_space<hbm>>
      tpu.enqueue_dma source(%dma_start3A_1170 : memref<19200xf32, #tpu.memory_space<hbm>>) target(%arg7 : memref<19200xf32, #tpu.memory_space<vmem>>) target_semaphore(%arg20 : memref<!tpu.dma_semaphore, #tpu.memory_space<semaphore_mem>>)
      %mul3A_1171 = arith.constant 6400 : i32
      %mul3A_1172 = arith.muli %add3A, %mul3A_1171 : i32
      %dma_start3A_1173 = tpu.memref_slice %arg4[%mul3A_1172] : memref<4000000xf32, #tpu.memory_space<hbm>> -> memref<6400xf32, #tpu.memory_space<hbm>>
      %dma_start3A_1174 = tpu.memref_slice %arg4[%mul3A_1172] : memref<4000000xf32, #tpu.memory_space<hbm>> -> memref<6400xf32, #tpu.memory_space<hbm>>
      tpu.enqueue_dma source(%dma_start3A_1174 : memref<6400xf32, #tpu.memory_space<hbm>>) target(%arg8 : memref<6400xf32, #tpu.memory_space<vmem>>) target_semaphore(%arg20 : memref<!tpu.dma_semaphore, #tpu.memory_space<semaphore_mem>>)
    } else {
    }
    %scan3A_9 = arith.constant 0 : i32
    %scan3A_10 = arith.constant 0 : i32
    %scan3A_11 = arith.constant 10 : i32
    %scan3A_12 = arith.addi %scan3A_10, %scan3A_11 : i32
    %scan3A_13 = arith.constant 1 : i32
    scf.for %scan3A_1164 = %scan3A_10 to %scan3A_12 step %scan3A_13  : i32 {
      %mul3A_1165 = arith.constant 2 : i32
      %mul3A_1166 = arith.muli %scan3A_1164, %mul3A_1165 : i32
      %mul3A_1167 = arith.constant 32 : i32
      %mul3A_1168 = arith.muli %mul3A_1166, %mul3A_1167 : i32
      %add3A_1169 = arith.addi %add3A, %mul3A_1168 : i32
      %add3A_1170 = arith.constant 32 : i32
      %add3A_1171 = arith.addi %add3A_1169, %add3A_1170 : i32
      %lt3A_1172 = arith.constant 625 : i32
      %lt3A_1173 = arith.cmpi slt, %add3A_1171, %lt3A_1172 : i32
      %convert_element_type3A_1174 = arith.extui %lt3A_1173 : i1 to i32
      %cond3A_1175 = arith.constant 0 : i32
      %cond3A_1176 = arith.cmpi ne, %convert_element_type3A_1174, %cond3A_1175 : i32
      scf.if %cond3A_1176 {
        %mul3A_1194 = arith.constant 19200 : i32
        %mul3A_1195 = arith.muli %add3A_1171, %mul3A_1194 : i32
        %dma_start3A = tpu.memref_slice %arg2[%mul3A_1195] : memref<12000000xf32, #tpu.memory_space<hbm>> -> memref<19200xf32, #tpu.memory_space<hbm>>
        %dma_start3A_1196 = tpu.memref_slice %arg2[%mul3A_1195] : memref<12000000xf32, #tpu.memory_space<hbm>> -> memref<19200xf32, #tpu.memory_space<hbm>>
        tpu.enqueue_dma source(%dma_start3A_1196 : memref<19200xf32, #tpu.memory_space<hbm>>) target(%arg9 : memref<19200xf32, #tpu.memory_space<vmem>>) target_semaphore(%arg21 : memref<!tpu.dma_semaphore, #tpu.memory_space<semaphore_mem>>)
        %mul3A_1197 = arith.constant 19200 : i32
        %mul3A_1198 = arith.muli %add3A_1171, %mul3A_1197 : i32
        %dma_start3A_1199 = tpu.memref_slice %arg3[%mul3A_1198] : memref<12000000xf32, #tpu.memory_space<hbm>> -> memref<19200xf32, #tpu.memory_space<hbm>>
        %dma_start3A_1200 = tpu.memref_slice %arg3[%mul3A_1198] : memref<12000000xf32, #tpu.memory_space<hbm>> -> memref<19200xf32, #tpu.memory_space<hbm>>
        tpu.enqueue_dma source(%dma_start3A_1200 : memref<19200xf32, #tpu.memory_space<hbm>>) target(%arg10 : memref<19200xf32, #tpu.memory_space<vmem>>) target_semaphore(%arg21 : memref<!tpu.dma_semaphore, #tpu.memory_space<semaphore_mem>>)
        %mul3A_1201 = arith.constant 6400 : i32
        %mul3A_1202 = arith.muli %add3A_1171, %mul3A_1201 : i32
        %dma_start3A_1203 = tpu.memref_slice %arg4[%mul3A_1202] : memref<4000000xf32, #tpu.memory_space<hbm>> -> memref<6400xf32, #tpu.memory_space<hbm>>
        %dma_start3A_1204 = tpu.memref_slice %arg4[%mul3A_1202] : memref<4000000xf32, #tpu.memory_space<hbm>> -> memref<6400xf32, #tpu.memory_space<hbm>>
        tpu.enqueue_dma source(%dma_start3A_1204 : memref<6400xf32, #tpu.memory_space<hbm>>) target(%arg11 : memref<6400xf32, #tpu.memory_space<vmem>>) target_semaphore(%arg21 : memref<!tpu.dma_semaphore, #tpu.memory_space<semaphore_mem>>)
      } else {
      }
      %lt3A_1177 = arith.constant 625 : i32
      %lt3A_1178 = arith.cmpi slt, %add3A_1169, %lt3A_1177 : i32
      %convert_element_type3A_1179 = arith.extui %lt3A_1178 : i1 to i32
      %cond3A_1180 = arith.constant 0 : i32
      %cond3A_1181 = arith.cmpi ne, %convert_element_type3A_1179, %cond3A_1180 : i32
      scf.if %cond3A_1181 {
        %dma_wait3A = arith.constant 0 : i32
        %dma_wait3A_1194 = tpu.memref_slice %arg2[%dma_wait3A] : memref<12000000xf32, #tpu.memory_space<hbm>> -> memref<19200xf32, #tpu.memory_space<hbm>>
        %dma_wait3A_1195 = arith.constant 0 : i32
        %dma_wait3A_1196 = tpu.memref_slice %arg2[%dma_wait3A_1195] : memref<12000000xf32, #tpu.memory_space<hbm>> -> memref<19200xf32, #tpu.memory_space<hbm>>
        tpu.wait_dma2 semaphore(%arg20 : memref<!tpu.dma_semaphore, #tpu.memory_space<semaphore_mem>>) src(%dma_wait3A_1196 : memref<19200xf32, #tpu.memory_space<hbm>>) dst(%arg6 : memref<19200xf32, #tpu.memory_space<vmem>>)
        %dma_wait3A_1197 = arith.constant 0 : i32
        %dma_wait3A_1198 = tpu.memref_slice %arg3[%dma_wait3A_1197] : memref<12000000xf32, #tpu.memory_space<hbm>> -> memref<19200xf32, #tpu.memory_space<hbm>>
        %dma_wait3A_1199 = arith.constant 0 : i32
        %dma_wait3A_1200 = tpu.memref_slice %arg3[%dma_wait3A_1199] : memref<12000000xf32, #tpu.memory_space<hbm>> -> memref<19200xf32, #tpu.memory_space<hbm>>
        tpu.wait_dma2 semaphore(%arg20 : memref<!tpu.dma_semaphore, #tpu.memory_space<semaphore_mem>>) src(%dma_wait3A_1200 : memref<19200xf32, #tpu.memory_space<hbm>>) dst(%arg7 : memref<19200xf32, #tpu.memory_space<vmem>>)
        %dma_wait3A_1201 = arith.constant 0 : i32
        %dma_wait3A_1202 = tpu.memref_slice %arg4[%dma_wait3A_1201] : memref<4000000xf32, #tpu.memory_space<hbm>> -> memref<6400xf32, #tpu.memory_space<hbm>>
        %dma_wait3A_1203 = arith.constant 0 : i32
        %dma_wait3A_1204 = tpu.memref_slice %arg4[%dma_wait3A_1203] : memref<4000000xf32, #tpu.memory_space<hbm>> -> memref<6400xf32, #tpu.memory_space<hbm>>
        tpu.wait_dma2 semaphore(%arg20 : memref<!tpu.dma_semaphore, #tpu.memory_space<semaphore_mem>>) src(%dma_wait3A_1204 : memref<6400xf32, #tpu.memory_space<hbm>>) dst(%arg8 : memref<6400xf32, #tpu.memory_space<vmem>>)
        %parallel_loop3A = arith.constant 0 : i32
        %parallel_loop3A_1205 = arith.constant 400 : i32
        %parallel_loop3A_1206 = arith.constant 1 : i32
        scf.for %parallel_loop3A_1207 = %parallel_loop3A to %parallel_loop3A_1205 step %parallel_loop3A_1206  : i32 {
          %parallel_loop3A_1208 = arith.constant 3 : i32
          %parallel_loop3A_1209 = arith.shrsi %parallel_loop3A_1207, %parallel_loop3A_1208 : i32
          %parallel_loop3A_1210 = arith.constant 384 : i32
          %parallel_loop3A_1211 = arith.muli %parallel_loop3A_1209, %parallel_loop3A_1210 : i32
          %parallel_loop3A_1212 = arith.constant 7 : i32
          %parallel_loop3A_1213 = arith.andi %parallel_loop3A_1207, %parallel_loop3A_1212 : i32
          %parallel_loop3A_1214 = arith.constant 16 : i32
          %parallel_loop3A_1215 = arith.muli %parallel_loop3A_1213, %parallel_loop3A_1214 : i32
          %parallel_loop3A_1216 = arith.addi %parallel_loop3A_1211, %parallel_loop3A_1215 : i32
          %parallel_loop3A_1217 = arith.index_cast %parallel_loop3A_1216 : i32 to index
          %parallel_loop3A_1218 = tpu.vector_load %arg6[%parallel_loop3A_1217] {strides = array<i32>} : memref<19200xf32, #tpu.memory_space<vmem>>, vector<16xf32>,
          %parallel_loop3A_1219 = arith.constant 128 : i32
          %parallel_loop3A_1220 = arith.addi %parallel_loop3A_1216, %parallel_loop3A_1219 : i32
          %parallel_loop3A_1221 = arith.index_cast %parallel_loop3A_1220 : i32 to index
          %parallel_loop3A_1222 = tpu.vector_load %arg6[%parallel_loop3A_1221] {strides = array<i32>} : memref<19200xf32, #tpu.memory_space<vmem>>, vector<16xf32>,
          %parallel_loop3A_1223 = arith.index_cast %parallel_loop3A_1216 : i32 to index
          %parallel_loop3A_1224 = tpu.vector_load %arg7[%parallel_loop3A_1223] {strides = array<i32>} : memref<19200xf32, #tpu.memory_space<vmem>>, vector<16xf32>,
          %parallel_loop3A_1225 = arith.constant 128 : i32
          %parallel_loop3A_1226 = arith.addi %parallel_loop3A_1216, %parallel_loop3A_1225 : i32
          %parallel_loop3A_1227 = arith.index_cast %parallel_loop3A_1226 : i32 to index
          %parallel_loop3A_1228 = tpu.vector_load %arg7[%parallel_loop3A_1227] {strides = array<i32>} : memref<19200xf32, #tpu.memory_space<vmem>>, vector<16xf32>,
          %parallel_loop3A_1229 = arith.constant 256 : i32
          %parallel_loop3A_1230 = arith.addi %parallel_loop3A_1216, %parallel_loop3A_1229 : i32
          %parallel_loop3A_1231 = arith.index_cast %parallel_loop3A_1230 : i32 to index
          %parallel_loop3A_1232 = tpu.vector_load %arg7[%parallel_loop3A_1231] {strides = array<i32>} : memref<19200xf32, #tpu.memory_space<vmem>>, vector<16xf32>,
          %parallel_loop3A_1233 = arith.constant 16 : i32
          %parallel_loop3A_1234 = arith.muli %parallel_loop3A_1207, %parallel_loop3A_1233 : i32
          %parallel_loop3A_1235 = arith.index_cast %parallel_loop3A_1234 : i32 to index
          %parallel_loop3A_1236 = tpu.vector_load %arg8[%parallel_loop3A_1235] {strides = array<i32>} : memref<6400xf32, #tpu.memory_space<vmem>>, vector<16xf32>,
          %parallel_loop3A_1237 = arith.mulf %parallel_loop3A_1218, %parallel_loop3A_1218 : vector<16xf32>
          %parallel_loop3A_1238 = arith.mulf %parallel_loop3A_1222, %parallel_loop3A_1222 : vector<16xf32>
          %parallel_loop3A_1239 = arith.addf %parallel_loop3A_1237, %parallel_loop3A_1238 : vector<16xf32>
          %parallel_loop3A_1240 = vector.bitcast %parallel_loop3A_1239 : vector<16xf32> to vector<16xi32>
          %parallel_loop3A_1241 = arith.constant 1 : i32
          %parallel_loop3A_1242 = vector.broadcast %parallel_loop3A_1241 : i32 to vector<16xi32>
          %parallel_loop3A_1243 = arith.shrsi %parallel_loop3A_1240, %parallel_loop3A_1242 : vector<16xi32>
          %parallel_loop3A_1244 = arith.constant 1597463007 : i32
          %parallel_loop3A_1245 = vector.broadcast %parallel_loop3A_1244 : i32 to vector<16xi32>
          %parallel_loop3A_1246 = arith.subi %parallel_loop3A_1245, %parallel_loop3A_1243 : vector<16xi32>
          %parallel_loop3A_1247 = vector.bitcast %parallel_loop3A_1246 : vector<16xi32> to vector<16xf32>
          %parallel_loop3A_1248 = arith.constant -5.000000e-01 : f32
          %parallel_loop3A_1249 = vector.broadcast %parallel_loop3A_1248 : f32 to vector<16xf32>
          %parallel_loop3A_1250 = arith.mulf %parallel_loop3A_1249, %parallel_loop3A_1239 : vector<16xf32>
          %parallel_loop3A_1251 = arith.mulf %parallel_loop3A_1250, %parallel_loop3A_1247 : vector<16xf32>
          %parallel_loop3A_1252 = arith.mulf %parallel_loop3A_1251, %parallel_loop3A_1247 : vector<16xf32>
          %parallel_loop3A_1253 = arith.constant 1.500000e+00 : f32
          %parallel_loop3A_1254 = vector.broadcast %parallel_loop3A_1253 : f32 to vector<16xf32>
          %parallel_loop3A_1255 = arith.addf %parallel_loop3A_1254, %parallel_loop3A_1252 : vector<16xf32>
          %parallel_loop3A_1256 = arith.mulf %parallel_loop3A_1247, %parallel_loop3A_1255 : vector<16xf32>
          %parallel_loop3A_1257 = arith.mulf %parallel_loop3A_1250, %parallel_loop3A_1256 : vector<16xf32>
          %parallel_loop3A_1258 = arith.mulf %parallel_loop3A_1257, %parallel_loop3A_1256 : vector<16xf32>
          %parallel_loop3A_1259 = arith.constant 1.500000e+00 : f32
          %parallel_loop3A_1260 = vector.broadcast %parallel_loop3A_1259 : f32 to vector<16xf32>
          %parallel_loop3A_1261 = arith.addf %parallel_loop3A_1260, %parallel_loop3A_1258 : vector<16xf32>
          %parallel_loop3A_1262 = arith.mulf %parallel_loop3A_1256, %parallel_loop3A_1261 : vector<16xf32>
          %parallel_loop3A_1263 = arith.mulf %parallel_loop3A_1239, %parallel_loop3A_1262 : vector<16xf32>
          %parallel_loop3A_1264 = arith.constant 8.000160e+00 : f32
          %parallel_loop3A_1265 = vector.broadcast %parallel_loop3A_1264 : f32 to vector<16xf32>
          %parallel_loop3A_1266 = arith.mulf %parallel_loop3A_1263, %parallel_loop3A_1265 : vector<16xf32>
          %parallel_loop3A_1267 = arith.fptosi %parallel_loop3A_1266 : vector<16xf32> to vector<16xi32>
          %parallel_loop3A_1268 = arith.sitofp %parallel_loop3A_1267 : vector<16xi32> to vector<16xf32>
          %parallel_loop3A_1269 = arith.constant 6.400000e+01 : f32
          %parallel_loop3A_1270 = vector.broadcast %parallel_loop3A_1269 : f32 to vector<16xf32>
          %parallel_loop3A_1271 = arith.mulf %parallel_loop3A_1239, %parallel_loop3A_1270 : vector<16xf32>
          %parallel_loop3A_1272 = arith.mulf %parallel_loop3A_1268, %parallel_loop3A_1268 : vector<16xf32>
          %parallel_loop3A_1273 = arith.cmpf olt, %parallel_loop3A_1271, %parallel_loop3A_1272 : vector<16xf32>
          %parallel_loop3A_1274 = arith.constant 1 : i32
          %parallel_loop3A_1275 = vector.broadcast %parallel_loop3A_1274 : i32 to vector<16xi32>
          %parallel_loop3A_1276 = arith.subi %parallel_loop3A_1267, %parallel_loop3A_1275 : vector<16xi32>
          %parallel_loop3A_1277 = arith.select %parallel_loop3A_1273, %parallel_loop3A_1276, %parallel_loop3A_1267 : vector<16xi1>, vector<16xi32>
          %parallel_loop3A_1278 = arith.constant 32 : i32
          %parallel_loop3A_1279 = vector.broadcast %parallel_loop3A_1278 : i32 to vector<16xi32>
          %parallel_loop3A_1280 = arith.cmpi slt, %parallel_loop3A_1277, %parallel_loop3A_1279 : vector<16xi32>
          %parallel_loop3A_1281 = arith.constant 0.000000e+00 : f32
          %parallel_loop3A_1282 = vector.broadcast %parallel_loop3A_1281 : f32 to vector<16xf32>
          %parallel_loop3A_1283 = arith.select %parallel_loop3A_1280, %parallel_loop3A_1236, %parallel_loop3A_1282 : vector<16xi1>, vector<16xf32>
          %parallel_loop3A_1284 = arith.constant 31 : i32
          %parallel_loop3A_1285 = vector.broadcast %parallel_loop3A_1284 : i32 to vector<16xi32>
          %parallel_loop3A_1286 = arith.minsi %parallel_loop3A_1277, %parallel_loop3A_1285 : vector<16xi32>
          %parallel_loop3A_1287 = arith.mulf %parallel_loop3A_1218, %parallel_loop3A_1224 : vector<16xf32>
          %parallel_loop3A_1288 = arith.mulf %parallel_loop3A_1222, %parallel_loop3A_1228 : vector<16xf32>
          %parallel_loop3A_1289 = arith.addf %parallel_loop3A_1287, %parallel_loop3A_1288 : vector<16xf32>
          %parallel_loop3A_1290 = arith.mulf %parallel_loop3A_1222, %parallel_loop3A_1224 : vector<16xf32>
          %parallel_loop3A_1291 = arith.mulf %parallel_loop3A_1218, %parallel_loop3A_1228 : vector<16xf32>
          %parallel_loop3A_1292 = arith.subf %parallel_loop3A_1290, %parallel_loop3A_1291 : vector<16xf32>
          %parallel_loop3A_1293 = arith.mulf %parallel_loop3A_1289, %parallel_loop3A_1262 : vector<16xf32>
          %parallel_loop3A_1294 = arith.mulf %parallel_loop3A_1292, %parallel_loop3A_1262 : vector<16xf32>
          %parallel_loop3A_1295 = arith.mulf %parallel_loop3A_1283, %parallel_loop3A_1293 : vector<16xf32>
          %parallel_loop3A_1296 = arith.mulf %parallel_loop3A_1283, %parallel_loop3A_1294 : vector<16xf32>
          %parallel_loop3A_1297 = arith.mulf %parallel_loop3A_1283, %parallel_loop3A_1232 : vector<16xf32>
          %parallel_loop3A_1298 = arith.constant 16 : i32
          %parallel_loop3A_1299 = vector.broadcast %parallel_loop3A_1298 : i32 to vector<16xi32>
          %parallel_loop3A_1300 = arith.muli %parallel_loop3A_1286, %parallel_loop3A_1299 : vector<16xi32>
          %parallel_loop3A_1301 = arith.addi %parallel_loop3A_1300, %iota3A : vector<16xi32>
          tpu.vector_store_idx %arg12[%parallel_loop3A_1301], %parallel_loop3A_1283 {add = true} : memref<512xf32, #tpu.memory_space<vmem>>[vector<16xi32>], vector<16xf32>,
          tpu.vector_store_idx %arg13[%parallel_loop3A_1301], %parallel_loop3A_1295 {add = true} : memref<512xf32, #tpu.memory_space<vmem>>[vector<16xi32>], vector<16xf32>,
          %parallel_loop3A_1302 = arith.mulf %parallel_loop3A_1295, %parallel_loop3A_1293 : vector<16xf32>
          tpu.vector_store_idx %arg14[%parallel_loop3A_1301], %parallel_loop3A_1302 {add = true} : memref<512xf32, #tpu.memory_space<vmem>>[vector<16xi32>], vector<16xf32>,
          tpu.vector_store_idx %arg15[%parallel_loop3A_1301], %parallel_loop3A_1296 {add = true} : memref<512xf32, #tpu.memory_space<vmem>>[vector<16xi32>], vector<16xf32>,
          %parallel_loop3A_1303 = arith.mulf %parallel_loop3A_1296, %parallel_loop3A_1294 : vector<16xf32>
          tpu.vector_store_idx %arg16[%parallel_loop3A_1301], %parallel_loop3A_1303 {add = true} : memref<512xf32, #tpu.memory_space<vmem>>[vector<16xi32>], vector<16xf32>,
          tpu.vector_store_idx %arg17[%parallel_loop3A_1301], %parallel_loop3A_1297 {add = true} : memref<512xf32, #tpu.memory_space<vmem>>[vector<16xi32>], vector<16xf32>,
          %parallel_loop3A_1304 = arith.mulf %parallel_loop3A_1297, %parallel_loop3A_1232 : vector<16xf32>
          tpu.vector_store_idx %arg18[%parallel_loop3A_1301], %parallel_loop3A_1304 {add = true} : memref<512xf32, #tpu.memory_space<vmem>>[vector<16xi32>], vector<16xf32>,
        } {sc.loop_unroll_factor = 4 : i64, sc.parallel_access}
      } else {
      }
      %add3A_1182 = arith.constant 32 : i32
      %add3A_1183 = arith.addi %add3A_1171, %add3A_1182 : i32
      %lt3A_1184 = arith.constant 625 : i32
      %lt3A_1185 = arith.cmpi slt, %add3A_1183, %lt3A_1184 : i32
      %convert_element_type3A_1186 = arith.extui %lt3A_1185 : i1 to i32
      %cond3A_1187 = arith.constant 0 : i32
      %cond3A_1188 = arith.cmpi ne, %convert_element_type3A_1186, %cond3A_1187 : i32
      scf.if %cond3A_1188 {
        %mul3A_1194 = arith.constant 19200 : i32
        %mul3A_1195 = arith.muli %add3A_1183, %mul3A_1194 : i32
        %dma_start3A = tpu.memref_slice %arg2[%mul3A_1195] : memref<12000000xf32, #tpu.memory_space<hbm>> -> memref<19200xf32, #tpu.memory_space<hbm>>
        %dma_start3A_1196 = tpu.memref_slice %arg2[%mul3A_1195] : memref<12000000xf32, #tpu.memory_space<hbm>> -> memref<19200xf32, #tpu.memory_space<hbm>>
        tpu.enqueue_dma source(%dma_start3A_1196 : memref<19200xf32, #tpu.memory_space<hbm>>) target(%arg6 : memref<19200xf32, #tpu.memory_space<vmem>>) target_semaphore(%arg20 : memref<!tpu.dma_semaphore, #tpu.memory_space<semaphore_mem>>)
        %mul3A_1197 = arith.constant 19200 : i32
        %mul3A_1198 = arith.muli %add3A_1183, %mul3A_1197 : i32
        %dma_start3A_1199 = tpu.memref_slice %arg3[%mul3A_1198] : memref<12000000xf32, #tpu.memory_space<hbm>> -> memref<19200xf32, #tpu.memory_space<hbm>>
        %dma_start3A_1200 = tpu.memref_slice %arg3[%mul3A_1198] : memref<12000000xf32, #tpu.memory_space<hbm>> -> memref<19200xf32, #tpu.memory_space<hbm>>
        tpu.enqueue_dma source(%dma_start3A_1200 : memref<19200xf32, #tpu.memory_space<hbm>>) target(%arg7 : memref<19200xf32, #tpu.memory_space<vmem>>) target_semaphore(%arg20 : memref<!tpu.dma_semaphore, #tpu.memory_space<semaphore_mem>>)
        %mul3A_1201 = arith.constant 6400 : i32
        %mul3A_1202 = arith.muli %add3A_1183, %mul3A_1201 : i32
        %dma_start3A_1203 = tpu.memref_slice %arg4[%mul3A_1202] : memref<4000000xf32, #tpu.memory_space<hbm>> -> memref<6400xf32, #tpu.memory_space<hbm>>
        %dma_start3A_1204 = tpu.memref_slice %arg4[%mul3A_1202] : memref<4000000xf32, #tpu.memory_space<hbm>> -> memref<6400xf32, #tpu.memory_space<hbm>>
        tpu.enqueue_dma source(%dma_start3A_1204 : memref<6400xf32, #tpu.memory_space<hbm>>) target(%arg8 : memref<6400xf32, #tpu.memory_space<vmem>>) target_semaphore(%arg20 : memref<!tpu.dma_semaphore, #tpu.memory_space<semaphore_mem>>)
      } else {
      }
      %lt3A_1189 = arith.constant 625 : i32
      %lt3A_1190 = arith.cmpi slt, %add3A_1171, %lt3A_1189 : i32
      %convert_element_type3A_1191 = arith.extui %lt3A_1190 : i1 to i32
      %cond3A_1192 = arith.constant 0 : i32
      %cond3A_1193 = arith.cmpi ne, %convert_element_type3A_1191, %cond3A_1192 : i32
      scf.if %cond3A_1193 {
        %dma_wait3A = arith.constant 0 : i32
        %dma_wait3A_1194 = tpu.memref_slice %arg2[%dma_wait3A] : memref<12000000xf32, #tpu.memory_space<hbm>> -> memref<19200xf32, #tpu.memory_space<hbm>>
        %dma_wait3A_1195 = arith.constant 0 : i32
        %dma_wait3A_1196 = tpu.memref_slice %arg2[%dma_wait3A_1195] : memref<12000000xf32, #tpu.memory_space<hbm>> -> memref<19200xf32, #tpu.memory_space<hbm>>
        tpu.wait_dma2 semaphore(%arg21 : memref<!tpu.dma_semaphore, #tpu.memory_space<semaphore_mem>>) src(%dma_wait3A_1196 : memref<19200xf32, #tpu.memory_space<hbm>>) dst(%arg9 : memref<19200xf32, #tpu.memory_space<vmem>>)
        %dma_wait3A_1197 = arith.constant 0 : i32
        %dma_wait3A_1198 = tpu.memref_slice %arg3[%dma_wait3A_1197] : memref<12000000xf32, #tpu.memory_space<hbm>> -> memref<19200xf32, #tpu.memory_space<hbm>>
        %dma_wait3A_1199 = arith.constant 0 : i32
        %dma_wait3A_1200 = tpu.memref_slice %arg3[%dma_wait3A_1199] : memref<12000000xf32, #tpu.memory_space<hbm>> -> memref<19200xf32, #tpu.memory_space<hbm>>
        tpu.wait_dma2 semaphore(%arg21 : memref<!tpu.dma_semaphore, #tpu.memory_space<semaphore_mem>>) src(%dma_wait3A_1200 : memref<19200xf32, #tpu.memory_space<hbm>>) dst(%arg10 : memref<19200xf32, #tpu.memory_space<vmem>>)
        %dma_wait3A_1201 = arith.constant 0 : i32
        %dma_wait3A_1202 = tpu.memref_slice %arg4[%dma_wait3A_1201] : memref<4000000xf32, #tpu.memory_space<hbm>> -> memref<6400xf32, #tpu.memory_space<hbm>>
        %dma_wait3A_1203 = arith.constant 0 : i32
        %dma_wait3A_1204 = tpu.memref_slice %arg4[%dma_wait3A_1203] : memref<4000000xf32, #tpu.memory_space<hbm>> -> memref<6400xf32, #tpu.memory_space<hbm>>
        tpu.wait_dma2 semaphore(%arg21 : memref<!tpu.dma_semaphore, #tpu.memory_space<semaphore_mem>>) src(%dma_wait3A_1204 : memref<6400xf32, #tpu.memory_space<hbm>>) dst(%arg11 : memref<6400xf32, #tpu.memory_space<vmem>>)
        %parallel_loop3A = arith.constant 0 : i32
        %parallel_loop3A_1205 = arith.constant 400 : i32
        %parallel_loop3A_1206 = arith.constant 1 : i32
        scf.for %parallel_loop3A_1207 = %parallel_loop3A to %parallel_loop3A_1205 step %parallel_loop3A_1206  : i32 {
          %parallel_loop3A_1208 = arith.constant 3 : i32
          %parallel_loop3A_1209 = arith.shrsi %parallel_loop3A_1207, %parallel_loop3A_1208 : i32
          %parallel_loop3A_1210 = arith.constant 384 : i32
          %parallel_loop3A_1211 = arith.muli %parallel_loop3A_1209, %parallel_loop3A_1210 : i32
          %parallel_loop3A_1212 = arith.constant 7 : i32
          %parallel_loop3A_1213 = arith.andi %parallel_loop3A_1207, %parallel_loop3A_1212 : i32
          %parallel_loop3A_1214 = arith.constant 16 : i32
          %parallel_loop3A_1215 = arith.muli %parallel_loop3A_1213, %parallel_loop3A_1214 : i32
          %parallel_loop3A_1216 = arith.addi %parallel_loop3A_1211, %parallel_loop3A_1215 : i32
          %parallel_loop3A_1217 = arith.index_cast %parallel_loop3A_1216 : i32 to index
          %parallel_loop3A_1218 = tpu.vector_load %arg9[%parallel_loop3A_1217] {strides = array<i32>} : memref<19200xf32, #tpu.memory_space<vmem>>, vector<16xf32>,
          %parallel_loop3A_1219 = arith.constant 128 : i32
          %parallel_loop3A_1220 = arith.addi %parallel_loop3A_1216, %parallel_loop3A_1219 : i32
          %parallel_loop3A_1221 = arith.index_cast %parallel_loop3A_1220 : i32 to index
          %parallel_loop3A_1222 = tpu.vector_load %arg9[%parallel_loop3A_1221] {strides = array<i32>} : memref<19200xf32, #tpu.memory_space<vmem>>, vector<16xf32>,
          %parallel_loop3A_1223 = arith.index_cast %parallel_loop3A_1216 : i32 to index
          %parallel_loop3A_1224 = tpu.vector_load %arg10[%parallel_loop3A_1223] {strides = array<i32>} : memref<19200xf32, #tpu.memory_space<vmem>>, vector<16xf32>,
          %parallel_loop3A_1225 = arith.constant 128 : i32
          %parallel_loop3A_1226 = arith.addi %parallel_loop3A_1216, %parallel_loop3A_1225 : i32
          %parallel_loop3A_1227 = arith.index_cast %parallel_loop3A_1226 : i32 to index
          %parallel_loop3A_1228 = tpu.vector_load %arg10[%parallel_loop3A_1227] {strides = array<i32>} : memref<19200xf32, #tpu.memory_space<vmem>>, vector<16xf32>,
          %parallel_loop3A_1229 = arith.constant 256 : i32
          %parallel_loop3A_1230 = arith.addi %parallel_loop3A_1216, %parallel_loop3A_1229 : i32
          %parallel_loop3A_1231 = arith.index_cast %parallel_loop3A_1230 : i32 to index
          %parallel_loop3A_1232 = tpu.vector_load %arg10[%parallel_loop3A_1231] {strides = array<i32>} : memref<19200xf32, #tpu.memory_space<vmem>>, vector<16xf32>,
          %parallel_loop3A_1233 = arith.constant 16 : i32
          %parallel_loop3A_1234 = arith.muli %parallel_loop3A_1207, %parallel_loop3A_1233 : i32
          %parallel_loop3A_1235 = arith.index_cast %parallel_loop3A_1234 : i32 to index
          %parallel_loop3A_1236 = tpu.vector_load %arg11[%parallel_loop3A_1235] {strides = array<i32>} : memref<6400xf32, #tpu.memory_space<vmem>>, vector<16xf32>,
          %parallel_loop3A_1237 = arith.mulf %parallel_loop3A_1218, %parallel_loop3A_1218 : vector<16xf32>
          %parallel_loop3A_1238 = arith.mulf %parallel_loop3A_1222, %parallel_loop3A_1222 : vector<16xf32>
          %parallel_loop3A_1239 = arith.addf %parallel_loop3A_1237, %parallel_loop3A_1238 : vector<16xf32>
          %parallel_loop3A_1240 = vector.bitcast %parallel_loop3A_1239 : vector<16xf32> to vector<16xi32>
          %parallel_loop3A_1241 = arith.constant 1 : i32
          %parallel_loop3A_1242 = vector.broadcast %parallel_loop3A_1241 : i32 to vector<16xi32>
          %parallel_loop3A_1243 = arith.shrsi %parallel_loop3A_1240, %parallel_loop3A_1242 : vector<16xi32>
          %parallel_loop3A_1244 = arith.constant 1597463007 : i32
          %parallel_loop3A_1245 = vector.broadcast %parallel_loop3A_1244 : i32 to vector<16xi32>
          %parallel_loop3A_1246 = arith.subi %parallel_loop3A_1245, %parallel_loop3A_1243 : vector<16xi32>
          %parallel_loop3A_1247 = vector.bitcast %parallel_loop3A_1246 : vector<16xi32> to vector<16xf32>
          %parallel_loop3A_1248 = arith.constant -5.000000e-01 : f32
          %parallel_loop3A_1249 = vector.broadcast %parallel_loop3A_1248 : f32 to vector<16xf32>
          %parallel_loop3A_1250 = arith.mulf %parallel_loop3A_1249, %parallel_loop3A_1239 : vector<16xf32>
          %parallel_loop3A_1251 = arith.mulf %parallel_loop3A_1250, %parallel_loop3A_1247 : vector<16xf32>
          %parallel_loop3A_1252 = arith.mulf %parallel_loop3A_1251, %parallel_loop3A_1247 : vector<16xf32>
          %parallel_loop3A_1253 = arith.constant 1.500000e+00 : f32
          %parallel_loop3A_1254 = vector.broadcast %parallel_loop3A_1253 : f32 to vector<16xf32>
          %parallel_loop3A_1255 = arith.addf %parallel_loop3A_1254, %parallel_loop3A_1252 : vector<16xf32>
          %parallel_loop3A_1256 = arith.mulf %parallel_loop3A_1247, %parallel_loop3A_1255 : vector<16xf32>
          %parallel_loop3A_1257 = arith.mulf %parallel_loop3A_1250, %parallel_loop3A_1256 : vector<16xf32>
          %parallel_loop3A_1258 = arith.mulf %parallel_loop3A_1257, %parallel_loop3A_1256 : vector<16xf32>
          %parallel_loop3A_1259 = arith.constant 1.500000e+00 : f32
          %parallel_loop3A_1260 = vector.broadcast %parallel_loop3A_1259 : f32 to vector<16xf32>
          %parallel_loop3A_1261 = arith.addf %parallel_loop3A_1260, %parallel_loop3A_1258 : vector<16xf32>
          %parallel_loop3A_1262 = arith.mulf %parallel_loop3A_1256, %parallel_loop3A_1261 : vector<16xf32>
          %parallel_loop3A_1263 = arith.mulf %parallel_loop3A_1239, %parallel_loop3A_1262 : vector<16xf32>
          %parallel_loop3A_1264 = arith.constant 8.000160e+00 : f32
          %parallel_loop3A_1265 = vector.broadcast %parallel_loop3A_1264 : f32 to vector<16xf32>
          %parallel_loop3A_1266 = arith.mulf %parallel_loop3A_1263, %parallel_loop3A_1265 : vector<16xf32>
          %parallel_loop3A_1267 = arith.fptosi %parallel_loop3A_1266 : vector<16xf32> to vector<16xi32>
          %parallel_loop3A_1268 = arith.sitofp %parallel_loop3A_1267 : vector<16xi32> to vector<16xf32>
          %parallel_loop3A_1269 = arith.constant 6.400000e+01 : f32
          %parallel_loop3A_1270 = vector.broadcast %parallel_loop3A_1269 : f32 to vector<16xf32>
          %parallel_loop3A_1271 = arith.mulf %parallel_loop3A_1239, %parallel_loop3A_1270 : vector<16xf32>
          %parallel_loop3A_1272 = arith.mulf %parallel_loop3A_1268, %parallel_loop3A_1268 : vector<16xf32>
          %parallel_loop3A_1273 = arith.cmpf olt, %parallel_loop3A_1271, %parallel_loop3A_1272 : vector<16xf32>
          %parallel_loop3A_1274 = arith.constant 1 : i32
          %parallel_loop3A_1275 = vector.broadcast %parallel_loop3A_1274 : i32 to vector<16xi32>
          %parallel_loop3A_1276 = arith.subi %parallel_loop3A_1267, %parallel_loop3A_1275 : vector<16xi32>
          %parallel_loop3A_1277 = arith.select %parallel_loop3A_1273, %parallel_loop3A_1276, %parallel_loop3A_1267 : vector<16xi1>, vector<16xi32>
          %parallel_loop3A_1278 = arith.constant 32 : i32
          %parallel_loop3A_1279 = vector.broadcast %parallel_loop3A_1278 : i32 to vector<16xi32>
          %parallel_loop3A_1280 = arith.cmpi slt, %parallel_loop3A_1277, %parallel_loop3A_1279 : vector<16xi32>
          %parallel_loop3A_1281 = arith.constant 0.000000e+00 : f32
          %parallel_loop3A_1282 = vector.broadcast %parallel_loop3A_1281 : f32 to vector<16xf32>
          %parallel_loop3A_1283 = arith.select %parallel_loop3A_1280, %parallel_loop3A_1236, %parallel_loop3A_1282 : vector<16xi1>, vector<16xf32>
          %parallel_loop3A_1284 = arith.constant 31 : i32
          %parallel_loop3A_1285 = vector.broadcast %parallel_loop3A_1284 : i32 to vector<16xi32>
          %parallel_loop3A_1286 = arith.minsi %parallel_loop3A_1277, %parallel_loop3A_1285 : vector<16xi32>
          %parallel_loop3A_1287 = arith.mulf %parallel_loop3A_1218, %parallel_loop3A_1224 : vector<16xf32>
          %parallel_loop3A_1288 = arith.mulf %parallel_loop3A_1222, %parallel_loop3A_1228 : vector<16xf32>
          %parallel_loop3A_1289 = arith.addf %parallel_loop3A_1287, %parallel_loop3A_1288 : vector<16xf32>
          %parallel_loop3A_1290 = arith.mulf %parallel_loop3A_1222, %parallel_loop3A_1224 : vector<16xf32>
          %parallel_loop3A_1291 = arith.mulf %parallel_loop3A_1218, %parallel_loop3A_1228 : vector<16xf32>
          %parallel_loop3A_1292 = arith.subf %parallel_loop3A_1290, %parallel_loop3A_1291 : vector<16xf32>
          %parallel_loop3A_1293 = arith.mulf %parallel_loop3A_1289, %parallel_loop3A_1262 : vector<16xf32>
          %parallel_loop3A_1294 = arith.mulf %parallel_loop3A_1292, %parallel_loop3A_1262 : vector<16xf32>
          %parallel_loop3A_1295 = arith.mulf %parallel_loop3A_1283, %parallel_loop3A_1293 : vector<16xf32>
          %parallel_loop3A_1296 = arith.mulf %parallel_loop3A_1283, %parallel_loop3A_1294 : vector<16xf32>
          %parallel_loop3A_1297 = arith.mulf %parallel_loop3A_1283, %parallel_loop3A_1232 : vector<16xf32>
          %parallel_loop3A_1298 = arith.constant 16 : i32
          %parallel_loop3A_1299 = vector.broadcast %parallel_loop3A_1298 : i32 to vector<16xi32>
          %parallel_loop3A_1300 = arith.muli %parallel_loop3A_1286, %parallel_loop3A_1299 : vector<16xi32>
          %parallel_loop3A_1301 = arith.addi %parallel_loop3A_1300, %iota3A : vector<16xi32>
          tpu.vector_store_idx %arg12[%parallel_loop3A_1301], %parallel_loop3A_1283 {add = true} : memref<512xf32, #tpu.memory_space<vmem>>[vector<16xi32>], vector<16xf32>,
          tpu.vector_store_idx %arg13[%parallel_loop3A_1301], %parallel_loop3A_1295 {add = true} : memref<512xf32, #tpu.memory_space<vmem>>[vector<16xi32>], vector<16xf32>,
          %parallel_loop3A_1302 = arith.mulf %parallel_loop3A_1295, %parallel_loop3A_1293 : vector<16xf32>
          tpu.vector_store_idx %arg14[%parallel_loop3A_1301], %parallel_loop3A_1302 {add = true} : memref<512xf32, #tpu.memory_space<vmem>>[vector<16xi32>], vector<16xf32>,
          tpu.vector_store_idx %arg15[%parallel_loop3A_1301], %parallel_loop3A_1296 {add = true} : memref<512xf32, #tpu.memory_space<vmem>>[vector<16xi32>], vector<16xf32>,
          %parallel_loop3A_1303 = arith.mulf %parallel_loop3A_1296, %parallel_loop3A_1294 : vector<16xf32>
          tpu.vector_store_idx %arg16[%parallel_loop3A_1301], %parallel_loop3A_1303 {add = true} : memref<512xf32, #tpu.memory_space<vmem>>[vector<16xi32>], vector<16xf32>,
          tpu.vector_store_idx %arg17[%parallel_loop3A_1301], %parallel_loop3A_1297 {add = true} : memref<512xf32, #tpu.memory_space<vmem>>[vector<16xi32>], vector<16xf32>,
          %parallel_loop3A_1304 = arith.mulf %parallel_loop3A_1297, %parallel_loop3A_1232 : vector<16xf32>
          tpu.vector_store_idx %arg18[%parallel_loop3A_1301], %parallel_loop3A_1304 {add = true} : memref<512xf32, #tpu.memory_space<vmem>>[vector<16xi32>], vector<16xf32>,
        } {sc.loop_unroll_factor = 4 : i64, sc.parallel_access}
      } else {
      }
    }
    %scan3A_14 = arith.constant 10 : i32
    %mul3A_15 = arith.constant 16 : i32
    %mul3A_16 = vector.broadcast %mul3A_15 : i32 to vector<16xi32>
    %mul3A_17 = arith.muli %iota3A, %mul3A_16 : vector<16xi32>
    %add3A_18 = arith.constant 0 : i32
    %add3A_19 = vector.broadcast %add3A_18 : i32 to vector<16xi32>
    %add3A_20 = arith.addi %mul3A_17, %add3A_19 : vector<16xi32>
    %gather3A = tpu.vector_load_idx %arg12[%add3A_20] : memref<512xf32, #tpu.memory_space<vmem>>[vector<16xi32>], vector<16xf32>,
    %add3A_21 = arith.addf %broadcast_in_dim3A_1, %gather3A : vector<16xf32>
    %add3A_22 = arith.constant 1 : i32
    %add3A_23 = vector.broadcast %add3A_22 : i32 to vector<16xi32>
    %add3A_24 = arith.addi %mul3A_17, %add3A_23 : vector<16xi32>
    %gather3A_25 = tpu.vector_load_idx %arg12[%add3A_24] : memref<512xf32, #tpu.memory_space<vmem>>[vector<16xi32>], vector<16xf32>,
    %add3A_26 = arith.addf %add3A_21, %gather3A_25 : vector<16xf32>
    %add3A_27 = arith.constant 2 : i32
    %add3A_28 = vector.broadcast %add3A_27 : i32 to vector<16xi32>
    %add3A_29 = arith.addi %mul3A_17, %add3A_28 : vector<16xi32>
    %gather3A_30 = tpu.vector_load_idx %arg12[%add3A_29] : memref<512xf32, #tpu.memory_space<vmem>>[vector<16xi32>], vector<16xf32>,
    %add3A_31 = arith.addf %add3A_26, %gather3A_30 : vector<16xf32>
    %add3A_32 = arith.constant 3 : i32
    %add3A_33 = vector.broadcast %add3A_32 : i32 to vector<16xi32>
    %add3A_34 = arith.addi %mul3A_17, %add3A_33 : vector<16xi32>
    %gather3A_35 = tpu.vector_load_idx %arg12[%add3A_34] : memref<512xf32, #tpu.memory_space<vmem>>[vector<16xi32>], vector<16xf32>,
    %add3A_36 = arith.addf %add3A_31, %gather3A_35 : vector<16xf32>
    %add3A_37 = arith.constant 4 : i32
    %add3A_38 = vector.broadcast %add3A_37 : i32 to vector<16xi32>
    %add3A_39 = arith.addi %mul3A_17, %add3A_38 : vector<16xi32>
    %gather3A_40 = tpu.vector_load_idx %arg12[%add3A_39] : memref<512xf32, #tpu.memory_space<vmem>>[vector<16xi32>], vector<16xf32>,
    %add3A_41 = arith.addf %add3A_36, %gather3A_40 : vector<16xf32>
    %add3A_42 = arith.constant 5 : i32
    %add3A_43 = vector.broadcast %add3A_42 : i32 to vector<16xi32>
    %add3A_44 = arith.addi %mul3A_17, %add3A_43 : vector<16xi32>
    %gather3A_45 = tpu.vector_load_idx %arg12[%add3A_44] : memref<512xf32, #tpu.memory_space<vmem>>[vector<16xi32>], vector<16xf32>,
    %add3A_46 = arith.addf %add3A_41, %gather3A_45 : vector<16xf32>
    %add3A_47 = arith.constant 6 : i32
    %add3A_48 = vector.broadcast %add3A_47 : i32 to vector<16xi32>
    %add3A_49 = arith.addi %mul3A_17, %add3A_48 : vector<16xi32>
    %gather3A_50 = tpu.vector_load_idx %arg12[%add3A_49] : memref<512xf32, #tpu.memory_space<vmem>>[vector<16xi32>], vector<16xf32>,
    %add3A_51 = arith.addf %add3A_46, %gather3A_50 : vector<16xf32>
    %add3A_52 = arith.constant 7 : i32
    %add3A_53 = vector.broadcast %add3A_52 : i32 to vector<16xi32>
    %add3A_54 = arith.addi %mul3A_17, %add3A_53 : vector<16xi32>
    %gather3A_55 = tpu.vector_load_idx %arg12[%add3A_54] : memref<512xf32, #tpu.memory_space<vmem>>[vector<16xi32>], vector<16xf32>,
    %add3A_56 = arith.addf %add3A_51, %gather3A_55 : vector<16xf32>
    %add3A_57 = arith.constant 8 : i32
    %add3A_58 = vector.broadcast %add3A_57 : i32 to vector<16xi32>
    %add3A_59 = arith.addi %mul3A_17, %add3A_58 : vector<16xi32>
    %gather3A_60 = tpu.vector_load_idx %arg12[%add3A_59] : memref<512xf32, #tpu.memory_space<vmem>>[vector<16xi32>], vector<16xf32>,
    %add3A_61 = arith.addf %add3A_56, %gather3A_60 : vector<16xf32>
    %add3A_62 = arith.constant 9 : i32
    %add3A_63 = vector.broadcast %add3A_62 : i32 to vector<16xi32>
    %add3A_64 = arith.addi %mul3A_17, %add3A_63 : vector<16xi32>
    %gather3A_65 = tpu.vector_load_idx %arg12[%add3A_64] : memref<512xf32, #tpu.memory_space<vmem>>[vector<16xi32>], vector<16xf32>,
    %add3A_66 = arith.addf %add3A_61, %gather3A_65 : vector<16xf32>
    %add3A_67 = arith.constant 10 : i32
    %add3A_68 = vector.broadcast %add3A_67 : i32 to vector<16xi32>
    %add3A_69 = arith.addi %mul3A_17, %add3A_68 : vector<16xi32>
    %gather3A_70 = tpu.vector_load_idx %arg12[%add3A_69] : memref<512xf32, #tpu.memory_space<vmem>>[vector<16xi32>], vector<16xf32>,
    %add3A_71 = arith.addf %add3A_66, %gather3A_70 : vector<16xf32>
    %add3A_72 = arith.constant 11 : i32
    %add3A_73 = vector.broadcast %add3A_72 : i32 to vector<16xi32>
    %add3A_74 = arith.addi %mul3A_17, %add3A_73 : vector<16xi32>
    %gather3A_75 = tpu.vector_load_idx %arg12[%add3A_74] : memref<512xf32, #tpu.memory_space<vmem>>[vector<16xi32>], vector<16xf32>,
    %add3A_76 = arith.addf %add3A_71, %gather3A_75 : vector<16xf32>
    %add3A_77 = arith.constant 12 : i32
    %add3A_78 = vector.broadcast %add3A_77 : i32 to vector<16xi32>
    %add3A_79 = arith.addi %mul3A_17, %add3A_78 : vector<16xi32>
    %gather3A_80 = tpu.vector_load_idx %arg12[%add3A_79] : memref<512xf32, #tpu.memory_space<vmem>>[vector<16xi32>], vector<16xf32>,
    %add3A_81 = arith.addf %add3A_76, %gather3A_80 : vector<16xf32>
    %add3A_82 = arith.constant 13 : i32
    %add3A_83 = vector.broadcast %add3A_82 : i32 to vector<16xi32>
    %add3A_84 = arith.addi %mul3A_17, %add3A_83 : vector<16xi32>
    %gather3A_85 = tpu.vector_load_idx %arg12[%add3A_84] : memref<512xf32, #tpu.memory_space<vmem>>[vector<16xi32>], vector<16xf32>,
    %add3A_86 = arith.addf %add3A_81, %gather3A_85 : vector<16xf32>
    %add3A_87 = arith.constant 14 : i32
    %add3A_88 = vector.broadcast %add3A_87 : i32 to vector<16xi32>
    %add3A_89 = arith.addi %mul3A_17, %add3A_88 : vector<16xi32>
    %gather3A_90 = tpu.vector_load_idx %arg12[%add3A_89] : memref<512xf32, #tpu.memory_space<vmem>>[vector<16xi32>], vector<16xf32>,
    %add3A_91 = arith.addf %add3A_86, %gather3A_90 : vector<16xf32>
    %add3A_92 = arith.constant 15 : i32
    %add3A_93 = vector.broadcast %add3A_92 : i32 to vector<16xi32>
    %add3A_94 = arith.addi %mul3A_17, %add3A_93 : vector<16xi32>
    %gather3A_95 = tpu.vector_load_idx %arg12[%add3A_94] : memref<512xf32, #tpu.memory_space<vmem>>[vector<16xi32>], vector<16xf32>,
    %add3A_96 = arith.addf %add3A_91, %gather3A_95 : vector<16xf32>
    %swap3A = arith.constant 0 : index
    %swap3A_97 = tpu.vector_load %arg19[%swap3A] {strides = array<i32>} : memref<224xf32, #tpu.memory_space<vmem>>, vector<16xf32>,
    tpu.vector_store %arg19[%swap3A], %add3A_96 {strides = array<i32>} : memref<224xf32, #tpu.memory_space<vmem>>, vector<16xf32>,
    %add3A_98 = arith.constant 256 : i32
    %add3A_99 = vector.broadcast %add3A_98 : i32 to vector<16xi32>
    %add3A_100 = arith.addi %mul3A_17, %add3A_99 : vector<16xi32>
    %gather3A_101 = tpu.vector_load_idx %arg12[%add3A_100] : memref<512xf32, #tpu.memory_space<vmem>>[vector<16xi32>], vector<16xf32>,
    %add3A_102 = arith.addf %broadcast_in_dim3A_1, %gather3A_101 : vector<16xf32>
    %add3A_103 = arith.constant 257 : i32
    %add3A_104 = vector.broadcast %add3A_103 : i32 to vector<16xi32>
    %add3A_105 = arith.addi %mul3A_17, %add3A_104 : vector<16xi32>
    %gather3A_106 = tpu.vector_load_idx %arg12[%add3A_105] : memref<512xf32, #tpu.memory_space<vmem>>[vector<16xi32>], vector<16xf32>,
    %add3A_107 = arith.addf %add3A_102, %gather3A_106 : vector<16xf32>
    %add3A_108 = arith.constant 258 : i32
    %add3A_109 = vector.broadcast %add3A_108 : i32 to vector<16xi32>
    %add3A_110 = arith.addi %mul3A_17, %add3A_109 : vector<16xi32>
    %gather3A_111 = tpu.vector_load_idx %arg12[%add3A_110] : memref<512xf32, #tpu.memory_space<vmem>>[vector<16xi32>], vector<16xf32>,
    %add3A_112 = arith.addf %add3A_107, %gather3A_111 : vector<16xf32>
    %add3A_113 = arith.constant 259 : i32
    %add3A_114 = vector.broadcast %add3A_113 : i32 to vector<16xi32>
    %add3A_115 = arith.addi %mul3A_17, %add3A_114 : vector<16xi32>
    %gather3A_116 = tpu.vector_load_idx %arg12[%add3A_115] : memref<512xf32, #tpu.memory_space<vmem>>[vector<16xi32>], vector<16xf32>,
    %add3A_117 = arith.addf %add3A_112, %gather3A_116 : vector<16xf32>
    %add3A_118 = arith.constant 260 : i32
    %add3A_119 = vector.broadcast %add3A_118 : i32 to vector<16xi32>
    %add3A_120 = arith.addi %mul3A_17, %add3A_119 : vector<16xi32>
    %gather3A_121 = tpu.vector_load_idx %arg12[%add3A_120] : memref<512xf32, #tpu.memory_space<vmem>>[vector<16xi32>], vector<16xf32>,
    %add3A_122 = arith.addf %add3A_117, %gather3A_121 : vector<16xf32>
    %add3A_123 = arith.constant 261 : i32
    %add3A_124 = vector.broadcast %add3A_123 : i32 to vector<16xi32>
    %add3A_125 = arith.addi %mul3A_17, %add3A_124 : vector<16xi32>
    %gather3A_126 = tpu.vector_load_idx %arg12[%add3A_125] : memref<512xf32, #tpu.memory_space<vmem>>[vector<16xi32>], vector<16xf32>,
    %add3A_127 = arith.addf %add3A_122, %gather3A_126 : vector<16xf32>
    %add3A_128 = arith.constant 262 : i32
    %add3A_129 = vector.broadcast %add3A_128 : i32 to vector<16xi32>
    %add3A_130 = arith.addi %mul3A_17, %add3A_129 : vector<16xi32>
    %gather3A_131 = tpu.vector_load_idx %arg12[%add3A_130] : memref<512xf32, #tpu.memory_space<vmem>>[vector<16xi32>], vector<16xf32>,
    %add3A_132 = arith.addf %add3A_127, %gather3A_131 : vector<16xf32>
    %add3A_133 = arith.constant 263 : i32
    %add3A_134 = vector.broadcast %add3A_133 : i32 to vector<16xi32>
    %add3A_135 = arith.addi %mul3A_17, %add3A_134 : vector<16xi32>
    %gather3A_136 = tpu.vector_load_idx %arg12[%add3A_135] : memref<512xf32, #tpu.memory_space<vmem>>[vector<16xi32>], vector<16xf32>,
    %add3A_137 = arith.addf %add3A_132, %gather3A_136 : vector<16xf32>
    %add3A_138 = arith.constant 264 : i32
    %add3A_139 = vector.broadcast %add3A_138 : i32 to vector<16xi32>
    %add3A_140 = arith.addi %mul3A_17, %add3A_139 : vector<16xi32>
    %gather3A_141 = tpu.vector_load_idx %arg12[%add3A_140] : memref<512xf32, #tpu.memory_space<vmem>>[vector<16xi32>], vector<16xf32>,
    %add3A_142 = arith.addf %add3A_137, %gather3A_141 : vector<16xf32>
    %add3A_143 = arith.constant 265 : i32
    %add3A_144 = vector.broadcast %add3A_143 : i32 to vector<16xi32>
    %add3A_145 = arith.addi %mul3A_17, %add3A_144 : vector<16xi32>
    %gather3A_146 = tpu.vector_load_idx %arg12[%add3A_145] : memref<512xf32, #tpu.memory_space<vmem>>[vector<16xi32>], vector<16xf32>,
    %add3A_147 = arith.addf %add3A_142, %gather3A_146 : vector<16xf32>
    %add3A_148 = arith.constant 266 : i32
    %add3A_149 = vector.broadcast %add3A_148 : i32 to vector<16xi32>
    %add3A_150 = arith.addi %mul3A_17, %add3A_149 : vector<16xi32>
    %gather3A_151 = tpu.vector_load_idx %arg12[%add3A_150] : memref<512xf32, #tpu.memory_space<vmem>>[vector<16xi32>], vector<16xf32>,
    %add3A_152 = arith.addf %add3A_147, %gather3A_151 : vector<16xf32>
    %add3A_153 = arith.constant 267 : i32
    %add3A_154 = vector.broadcast %add3A_153 : i32 to vector<16xi32>
    %add3A_155 = arith.addi %mul3A_17, %add3A_154 : vector<16xi32>
    %gather3A_156 = tpu.vector_load_idx %arg12[%add3A_155] : memref<512xf32, #tpu.memory_space<vmem>>[vector<16xi32>], vector<16xf32>,
    %add3A_157 = arith.addf %add3A_152, %gather3A_156 : vector<16xf32>
    %add3A_158 = arith.constant 268 : i32
    %add3A_159 = vector.broadcast %add3A_158 : i32 to vector<16xi32>
    %add3A_160 = arith.addi %mul3A_17, %add3A_159 : vector<16xi32>
    %gather3A_161 = tpu.vector_load_idx %arg12[%add3A_160] : memref<512xf32, #tpu.memory_space<vmem>>[vector<16xi32>], vector<16xf32>,
    %add3A_162 = arith.addf %add3A_157, %gather3A_161 : vector<16xf32>
    %add3A_163 = arith.constant 269 : i32
    %add3A_164 = vector.broadcast %add3A_163 : i32 to vector<16xi32>
    %add3A_165 = arith.addi %mul3A_17, %add3A_164 : vector<16xi32>
    %gather3A_166 = tpu.vector_load_idx %arg12[%add3A_165] : memref<512xf32, #tpu.memory_space<vmem>>[vector<16xi32>], vector<16xf32>,
    %add3A_167 = arith.addf %add3A_162, %gather3A_166 : vector<16xf32>
    %add3A_168 = arith.constant 270 : i32
    %add3A_169 = vector.broadcast %add3A_168 : i32 to vector<16xi32>
    %add3A_170 = arith.addi %mul3A_17, %add3A_169 : vector<16xi32>
    %gather3A_171 = tpu.vector_load_idx %arg12[%add3A_170] : memref<512xf32, #tpu.memory_space<vmem>>[vector<16xi32>], vector<16xf32>,
    %add3A_172 = arith.addf %add3A_167, %gather3A_171 : vector<16xf32>
    %add3A_173 = arith.constant 271 : i32
    %add3A_174 = vector.broadcast %add3A_173 : i32 to vector<16xi32>
    %add3A_175 = arith.addi %mul3A_17, %add3A_174 : vector<16xi32>
    %gather3A_176 = tpu.vector_load_idx %arg12[%add3A_175] : memref<512xf32, #tpu.memory_space<vmem>>[vector<16xi32>], vector<16xf32>,
    %add3A_177 = arith.addf %add3A_172, %gather3A_176 : vector<16xf32>
    %swap3A_178 = arith.constant 16 : index
    %swap3A_179 = tpu.vector_load %arg19[%swap3A_178] {strides = array<i32>} : memref<224xf32, #tpu.memory_space<vmem>>, vector<16xf32>,
    tpu.vector_store %arg19[%swap3A_178], %add3A_177 {strides = array<i32>} : memref<224xf32, #tpu.memory_space<vmem>>, vector<16xf32>,
    %add3A_180 = arith.constant 0 : i32
    %add3A_181 = vector.broadcast %add3A_180 : i32 to vector<16xi32>
    %add3A_182 = arith.addi %mul3A_17, %add3A_181 : vector<16xi32>
    %gather3A_183 = tpu.vector_load_idx %arg13[%add3A_182] : memref<512xf32, #tpu.memory_space<vmem>>[vector<16xi32>], vector<16xf32>,
    %add3A_184 = arith.addf %broadcast_in_dim3A_1, %gather3A_183 : vector<16xf32>
    %add3A_185 = arith.constant 1 : i32
    %add3A_186 = vector.broadcast %add3A_185 : i32 to vector<16xi32>
    %add3A_187 = arith.addi %mul3A_17, %add3A_186 : vector<16xi32>
    %gather3A_188 = tpu.vector_load_idx %arg13[%add3A_187] : memref<512xf32, #tpu.memory_space<vmem>>[vector<16xi32>], vector<16xf32>,
    %add3A_189 = arith.addf %add3A_184, %gather3A_188 : vector<16xf32>
    %add3A_190 = arith.constant 2 : i32
    %add3A_191 = vector.broadcast %add3A_190 : i32 to vector<16xi32>
    %add3A_192 = arith.addi %mul3A_17, %add3A_191 : vector<16xi32>
    %gather3A_193 = tpu.vector_load_idx %arg13[%add3A_192] : memref<512xf32, #tpu.memory_space<vmem>>[vector<16xi32>], vector<16xf32>,
    %add3A_194 = arith.addf %add3A_189, %gather3A_193 : vector<16xf32>
    %add3A_195 = arith.constant 3 : i32
    %add3A_196 = vector.broadcast %add3A_195 : i32 to vector<16xi32>
    %add3A_197 = arith.addi %mul3A_17, %add3A_196 : vector<16xi32>
    %gather3A_198 = tpu.vector_load_idx %arg13[%add3A_197] : memref<512xf32, #tpu.memory_space<vmem>>[vector<16xi32>], vector<16xf32>,
    %add3A_199 = arith.addf %add3A_194, %gather3A_198 : vector<16xf32>
    %add3A_200 = arith.constant 4 : i32
    %add3A_201 = vector.broadcast %add3A_200 : i32 to vector<16xi32>
    %add3A_202 = arith.addi %mul3A_17, %add3A_201 : vector<16xi32>
    %gather3A_203 = tpu.vector_load_idx %arg13[%add3A_202] : memref<512xf32, #tpu.memory_space<vmem>>[vector<16xi32>], vector<16xf32>,
    %add3A_204 = arith.addf %add3A_199, %gather3A_203 : vector<16xf32>
    %add3A_205 = arith.constant 5 : i32
    %add3A_206 = vector.broadcast %add3A_205 : i32 to vector<16xi32>
    %add3A_207 = arith.addi %mul3A_17, %add3A_206 : vector<16xi32>
    %gather3A_208 = tpu.vector_load_idx %arg13[%add3A_207] : memref<512xf32, #tpu.memory_space<vmem>>[vector<16xi32>], vector<16xf32>,
    %add3A_209 = arith.addf %add3A_204, %gather3A_208 : vector<16xf32>
    %add3A_210 = arith.constant 6 : i32
    %add3A_211 = vector.broadcast %add3A_210 : i32 to vector<16xi32>
    %add3A_212 = arith.addi %mul3A_17, %add3A_211 : vector<16xi32>
    %gather3A_213 = tpu.vector_load_idx %arg13[%add3A_212] : memref<512xf32, #tpu.memory_space<vmem>>[vector<16xi32>], vector<16xf32>,
    %add3A_214 = arith.addf %add3A_209, %gather3A_213 : vector<16xf32>
    %add3A_215 = arith.constant 7 : i32
    %add3A_216 = vector.broadcast %add3A_215 : i32 to vector<16xi32>
    %add3A_217 = arith.addi %mul3A_17, %add3A_216 : vector<16xi32>
    %gather3A_218 = tpu.vector_load_idx %arg13[%add3A_217] : memref<512xf32, #tpu.memory_space<vmem>>[vector<16xi32>], vector<16xf32>,
    %add3A_219 = arith.addf %add3A_214, %gather3A_218 : vector<16xf32>
    %add3A_220 = arith.constant 8 : i32
    %add3A_221 = vector.broadcast %add3A_220 : i32 to vector<16xi32>
    %add3A_222 = arith.addi %mul3A_17, %add3A_221 : vector<16xi32>
    %gather3A_223 = tpu.vector_load_idx %arg13[%add3A_222] : memref<512xf32, #tpu.memory_space<vmem>>[vector<16xi32>], vector<16xf32>,
    %add3A_224 = arith.addf %add3A_219, %gather3A_223 : vector<16xf32>
    %add3A_225 = arith.constant 9 : i32
    %add3A_226 = vector.broadcast %add3A_225 : i32 to vector<16xi32>
    %add3A_227 = arith.addi %mul3A_17, %add3A_226 : vector<16xi32>
    %gather3A_228 = tpu.vector_load_idx %arg13[%add3A_227] : memref<512xf32, #tpu.memory_space<vmem>>[vector<16xi32>], vector<16xf32>,
    %add3A_229 = arith.addf %add3A_224, %gather3A_228 : vector<16xf32>
    %add3A_230 = arith.constant 10 : i32
    %add3A_231 = vector.broadcast %add3A_230 : i32 to vector<16xi32>
    %add3A_232 = arith.addi %mul3A_17, %add3A_231 : vector<16xi32>
    %gather3A_233 = tpu.vector_load_idx %arg13[%add3A_232] : memref<512xf32, #tpu.memory_space<vmem>>[vector<16xi32>], vector<16xf32>,
    %add3A_234 = arith.addf %add3A_229, %gather3A_233 : vector<16xf32>
    %add3A_235 = arith.constant 11 : i32
    %add3A_236 = vector.broadcast %add3A_235 : i32 to vector<16xi32>
    %add3A_237 = arith.addi %mul3A_17, %add3A_236 : vector<16xi32>
    %gather3A_238 = tpu.vector_load_idx %arg13[%add3A_237] : memref<512xf32, #tpu.memory_space<vmem>>[vector<16xi32>], vector<16xf32>,
    %add3A_239 = arith.addf %add3A_234, %gather3A_238 : vector<16xf32>
    %add3A_240 = arith.constant 12 : i32
    %add3A_241 = vector.broadcast %add3A_240 : i32 to vector<16xi32>
    %add3A_242 = arith.addi %mul3A_17, %add3A_241 : vector<16xi32>
    %gather3A_243 = tpu.vector_load_idx %arg13[%add3A_242] : memref<512xf32, #tpu.memory_space<vmem>>[vector<16xi32>], vector<16xf32>,
    %add3A_244 = arith.addf %add3A_239, %gather3A_243 : vector<16xf32>
    %add3A_245 = arith.constant 13 : i32
    %add3A_246 = vector.broadcast %add3A_245 : i32 to vector<16xi32>
    %add3A_247 = arith.addi %mul3A_17, %add3A_246 : vector<16xi32>
    %gather3A_248 = tpu.vector_load_idx %arg13[%add3A_247] : memref<512xf32, #tpu.memory_space<vmem>>[vector<16xi32>], vector<16xf32>,
    %add3A_249 = arith.addf %add3A_244, %gather3A_248 : vector<16xf32>
    %add3A_250 = arith.constant 14 : i32
    %add3A_251 = vector.broadcast %add3A_250 : i32 to vector<16xi32>
    %add3A_252 = arith.addi %mul3A_17, %add3A_251 : vector<16xi32>
    %gather3A_253 = tpu.vector_load_idx %arg13[%add3A_252] : memref<512xf32, #tpu.memory_space<vmem>>[vector<16xi32>], vector<16xf32>,
    %add3A_254 = arith.addf %add3A_249, %gather3A_253 : vector<16xf32>
    %add3A_255 = arith.constant 15 : i32
    %add3A_256 = vector.broadcast %add3A_255 : i32 to vector<16xi32>
    %add3A_257 = arith.addi %mul3A_17, %add3A_256 : vector<16xi32>
    %gather3A_258 = tpu.vector_load_idx %arg13[%add3A_257] : memref<512xf32, #tpu.memory_space<vmem>>[vector<16xi32>], vector<16xf32>,
    %add3A_259 = arith.addf %add3A_254, %gather3A_258 : vector<16xf32>
    %swap3A_260 = arith.constant 32 : index
    %swap3A_261 = tpu.vector_load %arg19[%swap3A_260] {strides = array<i32>} : memref<224xf32, #tpu.memory_space<vmem>>, vector<16xf32>,
    tpu.vector_store %arg19[%swap3A_260], %add3A_259 {strides = array<i32>} : memref<224xf32, #tpu.memory_space<vmem>>, vector<16xf32>,
    %add3A_262 = arith.constant 256 : i32
    %add3A_263 = vector.broadcast %add3A_262 : i32 to vector<16xi32>
    %add3A_264 = arith.addi %mul3A_17, %add3A_263 : vector<16xi32>
    %gather3A_265 = tpu.vector_load_idx %arg13[%add3A_264] : memref<512xf32, #tpu.memory_space<vmem>>[vector<16xi32>], vector<16xf32>,
    %add3A_266 = arith.addf %broadcast_in_dim3A_1, %gather3A_265 : vector<16xf32>
    %add3A_267 = arith.constant 257 : i32
    %add3A_268 = vector.broadcast %add3A_267 : i32 to vector<16xi32>
    %add3A_269 = arith.addi %mul3A_17, %add3A_268 : vector<16xi32>
    %gather3A_270 = tpu.vector_load_idx %arg13[%add3A_269] : memref<512xf32, #tpu.memory_space<vmem>>[vector<16xi32>], vector<16xf32>,
    %add3A_271 = arith.addf %add3A_266, %gather3A_270 : vector<16xf32>
    %add3A_272 = arith.constant 258 : i32
    %add3A_273 = vector.broadcast %add3A_272 : i32 to vector<16xi32>
    %add3A_274 = arith.addi %mul3A_17, %add3A_273 : vector<16xi32>
    %gather3A_275 = tpu.vector_load_idx %arg13[%add3A_274] : memref<512xf32, #tpu.memory_space<vmem>>[vector<16xi32>], vector<16xf32>,
    %add3A_276 = arith.addf %add3A_271, %gather3A_275 : vector<16xf32>
    %add3A_277 = arith.constant 259 : i32
    %add3A_278 = vector.broadcast %add3A_277 : i32 to vector<16xi32>
    %add3A_279 = arith.addi %mul3A_17, %add3A_278 : vector<16xi32>
    %gather3A_280 = tpu.vector_load_idx %arg13[%add3A_279] : memref<512xf32, #tpu.memory_space<vmem>>[vector<16xi32>], vector<16xf32>,
    %add3A_281 = arith.addf %add3A_276, %gather3A_280 : vector<16xf32>
    %add3A_282 = arith.constant 260 : i32
    %add3A_283 = vector.broadcast %add3A_282 : i32 to vector<16xi32>
    %add3A_284 = arith.addi %mul3A_17, %add3A_283 : vector<16xi32>
    %gather3A_285 = tpu.vector_load_idx %arg13[%add3A_284] : memref<512xf32, #tpu.memory_space<vmem>>[vector<16xi32>], vector<16xf32>,
    %add3A_286 = arith.addf %add3A_281, %gather3A_285 : vector<16xf32>
    %add3A_287 = arith.constant 261 : i32
    %add3A_288 = vector.broadcast %add3A_287 : i32 to vector<16xi32>
    %add3A_289 = arith.addi %mul3A_17, %add3A_288 : vector<16xi32>
    %gather3A_290 = tpu.vector_load_idx %arg13[%add3A_289] : memref<512xf32, #tpu.memory_space<vmem>>[vector<16xi32>], vector<16xf32>,
    %add3A_291 = arith.addf %add3A_286, %gather3A_290 : vector<16xf32>
    %add3A_292 = arith.constant 262 : i32
    %add3A_293 = vector.broadcast %add3A_292 : i32 to vector<16xi32>
    %add3A_294 = arith.addi %mul3A_17, %add3A_293 : vector<16xi32>
    %gather3A_295 = tpu.vector_load_idx %arg13[%add3A_294] : memref<512xf32, #tpu.memory_space<vmem>>[vector<16xi32>], vector<16xf32>,
    %add3A_296 = arith.addf %add3A_291, %gather3A_295 : vector<16xf32>
    %add3A_297 = arith.constant 263 : i32
    %add3A_298 = vector.broadcast %add3A_297 : i32 to vector<16xi32>
    %add3A_299 = arith.addi %mul3A_17, %add3A_298 : vector<16xi32>
    %gather3A_300 = tpu.vector_load_idx %arg13[%add3A_299] : memref<512xf32, #tpu.memory_space<vmem>>[vector<16xi32>], vector<16xf32>,
    %add3A_301 = arith.addf %add3A_296, %gather3A_300 : vector<16xf32>
    %add3A_302 = arith.constant 264 : i32
    %add3A_303 = vector.broadcast %add3A_302 : i32 to vector<16xi32>
    %add3A_304 = arith.addi %mul3A_17, %add3A_303 : vector<16xi32>
    %gather3A_305 = tpu.vector_load_idx %arg13[%add3A_304] : memref<512xf32, #tpu.memory_space<vmem>>[vector<16xi32>], vector<16xf32>,
    %add3A_306 = arith.addf %add3A_301, %gather3A_305 : vector<16xf32>
    %add3A_307 = arith.constant 265 : i32
    %add3A_308 = vector.broadcast %add3A_307 : i32 to vector<16xi32>
    %add3A_309 = arith.addi %mul3A_17, %add3A_308 : vector<16xi32>
    %gather3A_310 = tpu.vector_load_idx %arg13[%add3A_309] : memref<512xf32, #tpu.memory_space<vmem>>[vector<16xi32>], vector<16xf32>,
    %add3A_311 = arith.addf %add3A_306, %gather3A_310 : vector<16xf32>
    %add3A_312 = arith.constant 266 : i32
    %add3A_313 = vector.broadcast %add3A_312 : i32 to vector<16xi32>
    %add3A_314 = arith.addi %mul3A_17, %add3A_313 : vector<16xi32>
    %gather3A_315 = tpu.vector_load_idx %arg13[%add3A_314] : memref<512xf32, #tpu.memory_space<vmem>>[vector<16xi32>], vector<16xf32>,
    %add3A_316 = arith.addf %add3A_311, %gather3A_315 : vector<16xf32>
    %add3A_317 = arith.constant 267 : i32
    %add3A_318 = vector.broadcast %add3A_317 : i32 to vector<16xi32>
    %add3A_319 = arith.addi %mul3A_17, %add3A_318 : vector<16xi32>
    %gather3A_320 = tpu.vector_load_idx %arg13[%add3A_319] : memref<512xf32, #tpu.memory_space<vmem>>[vector<16xi32>], vector<16xf32>,
    %add3A_321 = arith.addf %add3A_316, %gather3A_320 : vector<16xf32>
    %add3A_322 = arith.constant 268 : i32
    %add3A_323 = vector.broadcast %add3A_322 : i32 to vector<16xi32>
    %add3A_324 = arith.addi %mul3A_17, %add3A_323 : vector<16xi32>
    %gather3A_325 = tpu.vector_load_idx %arg13[%add3A_324] : memref<512xf32, #tpu.memory_space<vmem>>[vector<16xi32>], vector<16xf32>,
    %add3A_326 = arith.addf %add3A_321, %gather3A_325 : vector<16xf32>
    %add3A_327 = arith.constant 269 : i32
    %add3A_328 = vector.broadcast %add3A_327 : i32 to vector<16xi32>
    %add3A_329 = arith.addi %mul3A_17, %add3A_328 : vector<16xi32>
    %gather3A_330 = tpu.vector_load_idx %arg13[%add3A_329] : memref<512xf32, #tpu.memory_space<vmem>>[vector<16xi32>], vector<16xf32>,
    %add3A_331 = arith.addf %add3A_326, %gather3A_330 : vector<16xf32>
    %add3A_332 = arith.constant 270 : i32
    %add3A_333 = vector.broadcast %add3A_332 : i32 to vector<16xi32>
    %add3A_334 = arith.addi %mul3A_17, %add3A_333 : vector<16xi32>
    %gather3A_335 = tpu.vector_load_idx %arg13[%add3A_334] : memref<512xf32, #tpu.memory_space<vmem>>[vector<16xi32>], vector<16xf32>,
    %add3A_336 = arith.addf %add3A_331, %gather3A_335 : vector<16xf32>
    %add3A_337 = arith.constant 271 : i32
    %add3A_338 = vector.broadcast %add3A_337 : i32 to vector<16xi32>
    %add3A_339 = arith.addi %mul3A_17, %add3A_338 : vector<16xi32>
    %gather3A_340 = tpu.vector_load_idx %arg13[%add3A_339] : memref<512xf32, #tpu.memory_space<vmem>>[vector<16xi32>], vector<16xf32>,
    %add3A_341 = arith.addf %add3A_336, %gather3A_340 : vector<16xf32>
    %swap3A_342 = arith.constant 48 : index
    %swap3A_343 = tpu.vector_load %arg19[%swap3A_342] {strides = array<i32>} : memref<224xf32, #tpu.memory_space<vmem>>, vector<16xf32>,
    tpu.vector_store %arg19[%swap3A_342], %add3A_341 {strides = array<i32>} : memref<224xf32, #tpu.memory_space<vmem>>, vector<16xf32>,
    %add3A_344 = arith.constant 0 : i32
    %add3A_345 = vector.broadcast %add3A_344 : i32 to vector<16xi32>
    %add3A_346 = arith.addi %mul3A_17, %add3A_345 : vector<16xi32>
    %gather3A_347 = tpu.vector_load_idx %arg14[%add3A_346] : memref<512xf32, #tpu.memory_space<vmem>>[vector<16xi32>], vector<16xf32>,
    %add3A_348 = arith.addf %broadcast_in_dim3A_1, %gather3A_347 : vector<16xf32>
    %add3A_349 = arith.constant 1 : i32
    %add3A_350 = vector.broadcast %add3A_349 : i32 to vector<16xi32>
    %add3A_351 = arith.addi %mul3A_17, %add3A_350 : vector<16xi32>
    %gather3A_352 = tpu.vector_load_idx %arg14[%add3A_351] : memref<512xf32, #tpu.memory_space<vmem>>[vector<16xi32>], vector<16xf32>,
    %add3A_353 = arith.addf %add3A_348, %gather3A_352 : vector<16xf32>
    %add3A_354 = arith.constant 2 : i32
    %add3A_355 = vector.broadcast %add3A_354 : i32 to vector<16xi32>
    %add3A_356 = arith.addi %mul3A_17, %add3A_355 : vector<16xi32>
    %gather3A_357 = tpu.vector_load_idx %arg14[%add3A_356] : memref<512xf32, #tpu.memory_space<vmem>>[vector<16xi32>], vector<16xf32>,
    %add3A_358 = arith.addf %add3A_353, %gather3A_357 : vector<16xf32>
    %add3A_359 = arith.constant 3 : i32
    %add3A_360 = vector.broadcast %add3A_359 : i32 to vector<16xi32>
    %add3A_361 = arith.addi %mul3A_17, %add3A_360 : vector<16xi32>
    %gather3A_362 = tpu.vector_load_idx %arg14[%add3A_361] : memref<512xf32, #tpu.memory_space<vmem>>[vector<16xi32>], vector<16xf32>,
    %add3A_363 = arith.addf %add3A_358, %gather3A_362 : vector<16xf32>
    %add3A_364 = arith.constant 4 : i32
    %add3A_365 = vector.broadcast %add3A_364 : i32 to vector<16xi32>
    %add3A_366 = arith.addi %mul3A_17, %add3A_365 : vector<16xi32>
    %gather3A_367 = tpu.vector_load_idx %arg14[%add3A_366] : memref<512xf32, #tpu.memory_space<vmem>>[vector<16xi32>], vector<16xf32>,
    %add3A_368 = arith.addf %add3A_363, %gather3A_367 : vector<16xf32>
    %add3A_369 = arith.constant 5 : i32
    %add3A_370 = vector.broadcast %add3A_369 : i32 to vector<16xi32>
    %add3A_371 = arith.addi %mul3A_17, %add3A_370 : vector<16xi32>
    %gather3A_372 = tpu.vector_load_idx %arg14[%add3A_371] : memref<512xf32, #tpu.memory_space<vmem>>[vector<16xi32>], vector<16xf32>,
    %add3A_373 = arith.addf %add3A_368, %gather3A_372 : vector<16xf32>
    %add3A_374 = arith.constant 6 : i32
    %add3A_375 = vector.broadcast %add3A_374 : i32 to vector<16xi32>
    %add3A_376 = arith.addi %mul3A_17, %add3A_375 : vector<16xi32>
    %gather3A_377 = tpu.vector_load_idx %arg14[%add3A_376] : memref<512xf32, #tpu.memory_space<vmem>>[vector<16xi32>], vector<16xf32>,
    %add3A_378 = arith.addf %add3A_373, %gather3A_377 : vector<16xf32>
    %add3A_379 = arith.constant 7 : i32
    %add3A_380 = vector.broadcast %add3A_379 : i32 to vector<16xi32>
    %add3A_381 = arith.addi %mul3A_17, %add3A_380 : vector<16xi32>
    %gather3A_382 = tpu.vector_load_idx %arg14[%add3A_381] : memref<512xf32, #tpu.memory_space<vmem>>[vector<16xi32>], vector<16xf32>,
    %add3A_383 = arith.addf %add3A_378, %gather3A_382 : vector<16xf32>
    %add3A_384 = arith.constant 8 : i32
    %add3A_385 = vector.broadcast %add3A_384 : i32 to vector<16xi32>
    %add3A_386 = arith.addi %mul3A_17, %add3A_385 : vector<16xi32>
    %gather3A_387 = tpu.vector_load_idx %arg14[%add3A_386] : memref<512xf32, #tpu.memory_space<vmem>>[vector<16xi32>], vector<16xf32>,
    %add3A_388 = arith.addf %add3A_383, %gather3A_387 : vector<16xf32>
    %add3A_389 = arith.constant 9 : i32
    %add3A_390 = vector.broadcast %add3A_389 : i32 to vector<16xi32>
    %add3A_391 = arith.addi %mul3A_17, %add3A_390 : vector<16xi32>
    %gather3A_392 = tpu.vector_load_idx %arg14[%add3A_391] : memref<512xf32, #tpu.memory_space<vmem>>[vector<16xi32>], vector<16xf32>,
    %add3A_393 = arith.addf %add3A_388, %gather3A_392 : vector<16xf32>
    %add3A_394 = arith.constant 10 : i32
    %add3A_395 = vector.broadcast %add3A_394 : i32 to vector<16xi32>
    %add3A_396 = arith.addi %mul3A_17, %add3A_395 : vector<16xi32>
    %gather3A_397 = tpu.vector_load_idx %arg14[%add3A_396] : memref<512xf32, #tpu.memory_space<vmem>>[vector<16xi32>], vector<16xf32>,
    %add3A_398 = arith.addf %add3A_393, %gather3A_397 : vector<16xf32>
    %add3A_399 = arith.constant 11 : i32
    %add3A_400 = vector.broadcast %add3A_399 : i32 to vector<16xi32>
    %add3A_401 = arith.addi %mul3A_17, %add3A_400 : vector<16xi32>
    %gather3A_402 = tpu.vector_load_idx %arg14[%add3A_401] : memref<512xf32, #tpu.memory_space<vmem>>[vector<16xi32>], vector<16xf32>,
    %add3A_403 = arith.addf %add3A_398, %gather3A_402 : vector<16xf32>
    %add3A_404 = arith.constant 12 : i32
    %add3A_405 = vector.broadcast %add3A_404 : i32 to vector<16xi32>
    %add3A_406 = arith.addi %mul3A_17, %add3A_405 : vector<16xi32>
    %gather3A_407 = tpu.vector_load_idx %arg14[%add3A_406] : memref<512xf32, #tpu.memory_space<vmem>>[vector<16xi32>], vector<16xf32>,
    %add3A_408 = arith.addf %add3A_403, %gather3A_407 : vector<16xf32>
    %add3A_409 = arith.constant 13 : i32
    %add3A_410 = vector.broadcast %add3A_409 : i32 to vector<16xi32>
    %add3A_411 = arith.addi %mul3A_17, %add3A_410 : vector<16xi32>
    %gather3A_412 = tpu.vector_load_idx %arg14[%add3A_411] : memref<512xf32, #tpu.memory_space<vmem>>[vector<16xi32>], vector<16xf32>,
    %add3A_413 = arith.addf %add3A_408, %gather3A_412 : vector<16xf32>
    %add3A_414 = arith.constant 14 : i32
    %add3A_415 = vector.broadcast %add3A_414 : i32 to vector<16xi32>
    %add3A_416 = arith.addi %mul3A_17, %add3A_415 : vector<16xi32>
    %gather3A_417 = tpu.vector_load_idx %arg14[%add3A_416] : memref<512xf32, #tpu.memory_space<vmem>>[vector<16xi32>], vector<16xf32>,
    %add3A_418 = arith.addf %add3A_413, %gather3A_417 : vector<16xf32>
    %add3A_419 = arith.constant 15 : i32
    %add3A_420 = vector.broadcast %add3A_419 : i32 to vector<16xi32>
    %add3A_421 = arith.addi %mul3A_17, %add3A_420 : vector<16xi32>
    %gather3A_422 = tpu.vector_load_idx %arg14[%add3A_421] : memref<512xf32, #tpu.memory_space<vmem>>[vector<16xi32>], vector<16xf32>,
    %add3A_423 = arith.addf %add3A_418, %gather3A_422 : vector<16xf32>
    %swap3A_424 = arith.constant 64 : index
    %swap3A_425 = tpu.vector_load %arg19[%swap3A_424] {strides = array<i32>} : memref<224xf32, #tpu.memory_space<vmem>>, vector<16xf32>,
    tpu.vector_store %arg19[%swap3A_424], %add3A_423 {strides = array<i32>} : memref<224xf32, #tpu.memory_space<vmem>>, vector<16xf32>,
    %add3A_426 = arith.constant 256 : i32
    %add3A_427 = vector.broadcast %add3A_426 : i32 to vector<16xi32>
    %add3A_428 = arith.addi %mul3A_17, %add3A_427 : vector<16xi32>
    %gather3A_429 = tpu.vector_load_idx %arg14[%add3A_428] : memref<512xf32, #tpu.memory_space<vmem>>[vector<16xi32>], vector<16xf32>,
    %add3A_430 = arith.addf %broadcast_in_dim3A_1, %gather3A_429 : vector<16xf32>
    %add3A_431 = arith.constant 257 : i32
    %add3A_432 = vector.broadcast %add3A_431 : i32 to vector<16xi32>
    %add3A_433 = arith.addi %mul3A_17, %add3A_432 : vector<16xi32>
    %gather3A_434 = tpu.vector_load_idx %arg14[%add3A_433] : memref<512xf32, #tpu.memory_space<vmem>>[vector<16xi32>], vector<16xf32>,
    %add3A_435 = arith.addf %add3A_430, %gather3A_434 : vector<16xf32>
    %add3A_436 = arith.constant 258 : i32
    %add3A_437 = vector.broadcast %add3A_436 : i32 to vector<16xi32>
    %add3A_438 = arith.addi %mul3A_17, %add3A_437 : vector<16xi32>
    %gather3A_439 = tpu.vector_load_idx %arg14[%add3A_438] : memref<512xf32, #tpu.memory_space<vmem>>[vector<16xi32>], vector<16xf32>,
    %add3A_440 = arith.addf %add3A_435, %gather3A_439 : vector<16xf32>
    %add3A_441 = arith.constant 259 : i32
    %add3A_442 = vector.broadcast %add3A_441 : i32 to vector<16xi32>
    %add3A_443 = arith.addi %mul3A_17, %add3A_442 : vector<16xi32>
    %gather3A_444 = tpu.vector_load_idx %arg14[%add3A_443] : memref<512xf32, #tpu.memory_space<vmem>>[vector<16xi32>], vector<16xf32>,
    %add3A_445 = arith.addf %add3A_440, %gather3A_444 : vector<16xf32>
    %add3A_446 = arith.constant 260 : i32
    %add3A_447 = vector.broadcast %add3A_446 : i32 to vector<16xi32>
    %add3A_448 = arith.addi %mul3A_17, %add3A_447 : vector<16xi32>
    %gather3A_449 = tpu.vector_load_idx %arg14[%add3A_448] : memref<512xf32, #tpu.memory_space<vmem>>[vector<16xi32>], vector<16xf32>,
    %add3A_450 = arith.addf %add3A_445, %gather3A_449 : vector<16xf32>
    %add3A_451 = arith.constant 261 : i32
    %add3A_452 = vector.broadcast %add3A_451 : i32 to vector<16xi32>
    %add3A_453 = arith.addi %mul3A_17, %add3A_452 : vector<16xi32>
    %gather3A_454 = tpu.vector_load_idx %arg14[%add3A_453] : memref<512xf32, #tpu.memory_space<vmem>>[vector<16xi32>], vector<16xf32>,
    %add3A_455 = arith.addf %add3A_450, %gather3A_454 : vector<16xf32>
    %add3A_456 = arith.constant 262 : i32
    %add3A_457 = vector.broadcast %add3A_456 : i32 to vector<16xi32>
    %add3A_458 = arith.addi %mul3A_17, %add3A_457 : vector<16xi32>
    %gather3A_459 = tpu.vector_load_idx %arg14[%add3A_458] : memref<512xf32, #tpu.memory_space<vmem>>[vector<16xi32>], vector<16xf32>,
    %add3A_460 = arith.addf %add3A_455, %gather3A_459 : vector<16xf32>
    %add3A_461 = arith.constant 263 : i32
    %add3A_462 = vector.broadcast %add3A_461 : i32 to vector<16xi32>
    %add3A_463 = arith.addi %mul3A_17, %add3A_462 : vector<16xi32>
    %gather3A_464 = tpu.vector_load_idx %arg14[%add3A_463] : memref<512xf32, #tpu.memory_space<vmem>>[vector<16xi32>], vector<16xf32>,
    %add3A_465 = arith.addf %add3A_460, %gather3A_464 : vector<16xf32>
    %add3A_466 = arith.constant 264 : i32
    %add3A_467 = vector.broadcast %add3A_466 : i32 to vector<16xi32>
    %add3A_468 = arith.addi %mul3A_17, %add3A_467 : vector<16xi32>
    %gather3A_469 = tpu.vector_load_idx %arg14[%add3A_468] : memref<512xf32, #tpu.memory_space<vmem>>[vector<16xi32>], vector<16xf32>,
    %add3A_470 = arith.addf %add3A_465, %gather3A_469 : vector<16xf32>
    %add3A_471 = arith.constant 265 : i32
    %add3A_472 = vector.broadcast %add3A_471 : i32 to vector<16xi32>
    %add3A_473 = arith.addi %mul3A_17, %add3A_472 : vector<16xi32>
    %gather3A_474 = tpu.vector_load_idx %arg14[%add3A_473] : memref<512xf32, #tpu.memory_space<vmem>>[vector<16xi32>], vector<16xf32>,
    %add3A_475 = arith.addf %add3A_470, %gather3A_474 : vector<16xf32>
    %add3A_476 = arith.constant 266 : i32
    %add3A_477 = vector.broadcast %add3A_476 : i32 to vector<16xi32>
    %add3A_478 = arith.addi %mul3A_17, %add3A_477 : vector<16xi32>
    %gather3A_479 = tpu.vector_load_idx %arg14[%add3A_478] : memref<512xf32, #tpu.memory_space<vmem>>[vector<16xi32>], vector<16xf32>,
    %add3A_480 = arith.addf %add3A_475, %gather3A_479 : vector<16xf32>
    %add3A_481 = arith.constant 267 : i32
    %add3A_482 = vector.broadcast %add3A_481 : i32 to vector<16xi32>
    %add3A_483 = arith.addi %mul3A_17, %add3A_482 : vector<16xi32>
    %gather3A_484 = tpu.vector_load_idx %arg14[%add3A_483] : memref<512xf32, #tpu.memory_space<vmem>>[vector<16xi32>], vector<16xf32>,
    %add3A_485 = arith.addf %add3A_480, %gather3A_484 : vector<16xf32>
    %add3A_486 = arith.constant 268 : i32
    %add3A_487 = vector.broadcast %add3A_486 : i32 to vector<16xi32>
    %add3A_488 = arith.addi %mul3A_17, %add3A_487 : vector<16xi32>
    %gather3A_489 = tpu.vector_load_idx %arg14[%add3A_488] : memref<512xf32, #tpu.memory_space<vmem>>[vector<16xi32>], vector<16xf32>,
    %add3A_490 = arith.addf %add3A_485, %gather3A_489 : vector<16xf32>
    %add3A_491 = arith.constant 269 : i32
    %add3A_492 = vector.broadcast %add3A_491 : i32 to vector<16xi32>
    %add3A_493 = arith.addi %mul3A_17, %add3A_492 : vector<16xi32>
    %gather3A_494 = tpu.vector_load_idx %arg14[%add3A_493] : memref<512xf32, #tpu.memory_space<vmem>>[vector<16xi32>], vector<16xf32>,
    %add3A_495 = arith.addf %add3A_490, %gather3A_494 : vector<16xf32>
    %add3A_496 = arith.constant 270 : i32
    %add3A_497 = vector.broadcast %add3A_496 : i32 to vector<16xi32>
    %add3A_498 = arith.addi %mul3A_17, %add3A_497 : vector<16xi32>
    %gather3A_499 = tpu.vector_load_idx %arg14[%add3A_498] : memref<512xf32, #tpu.memory_space<vmem>>[vector<16xi32>], vector<16xf32>,
    %add3A_500 = arith.addf %add3A_495, %gather3A_499 : vector<16xf32>
    %add3A_501 = arith.constant 271 : i32
    %add3A_502 = vector.broadcast %add3A_501 : i32 to vector<16xi32>
    %add3A_503 = arith.addi %mul3A_17, %add3A_502 : vector<16xi32>
    %gather3A_504 = tpu.vector_load_idx %arg14[%add3A_503] : memref<512xf32, #tpu.memory_space<vmem>>[vector<16xi32>], vector<16xf32>,
    %add3A_505 = arith.addf %add3A_500, %gather3A_504 : vector<16xf32>
    %swap3A_506 = arith.constant 80 : index
    %swap3A_507 = tpu.vector_load %arg19[%swap3A_506] {strides = array<i32>} : memref<224xf32, #tpu.memory_space<vmem>>, vector<16xf32>,
    tpu.vector_store %arg19[%swap3A_506], %add3A_505 {strides = array<i32>} : memref<224xf32, #tpu.memory_space<vmem>>, vector<16xf32>,
    %add3A_508 = arith.constant 0 : i32
    %add3A_509 = vector.broadcast %add3A_508 : i32 to vector<16xi32>
    %add3A_510 = arith.addi %mul3A_17, %add3A_509 : vector<16xi32>
    %gather3A_511 = tpu.vector_load_idx %arg15[%add3A_510] : memref<512xf32, #tpu.memory_space<vmem>>[vector<16xi32>], vector<16xf32>,
    %add3A_512 = arith.addf %broadcast_in_dim3A_1, %gather3A_511 : vector<16xf32>
    %add3A_513 = arith.constant 1 : i32
    %add3A_514 = vector.broadcast %add3A_513 : i32 to vector<16xi32>
    %add3A_515 = arith.addi %mul3A_17, %add3A_514 : vector<16xi32>
    %gather3A_516 = tpu.vector_load_idx %arg15[%add3A_515] : memref<512xf32, #tpu.memory_space<vmem>>[vector<16xi32>], vector<16xf32>,
    %add3A_517 = arith.addf %add3A_512, %gather3A_516 : vector<16xf32>
    %add3A_518 = arith.constant 2 : i32
    %add3A_519 = vector.broadcast %add3A_518 : i32 to vector<16xi32>
    %add3A_520 = arith.addi %mul3A_17, %add3A_519 : vector<16xi32>
    %gather3A_521 = tpu.vector_load_idx %arg15[%add3A_520] : memref<512xf32, #tpu.memory_space<vmem>>[vector<16xi32>], vector<16xf32>,
    %add3A_522 = arith.addf %add3A_517, %gather3A_521 : vector<16xf32>
    %add3A_523 = arith.constant 3 : i32
    %add3A_524 = vector.broadcast %add3A_523 : i32 to vector<16xi32>
    %add3A_525 = arith.addi %mul3A_17, %add3A_524 : vector<16xi32>
    %gather3A_526 = tpu.vector_load_idx %arg15[%add3A_525] : memref<512xf32, #tpu.memory_space<vmem>>[vector<16xi32>], vector<16xf32>,
    %add3A_527 = arith.addf %add3A_522, %gather3A_526 : vector<16xf32>
    %add3A_528 = arith.constant 4 : i32
    %add3A_529 = vector.broadcast %add3A_528 : i32 to vector<16xi32>
    %add3A_530 = arith.addi %mul3A_17, %add3A_529 : vector<16xi32>
    %gather3A_531 = tpu.vector_load_idx %arg15[%add3A_530] : memref<512xf32, #tpu.memory_space<vmem>>[vector<16xi32>], vector<16xf32>,
    %add3A_532 = arith.addf %add3A_527, %gather3A_531 : vector<16xf32>
    %add3A_533 = arith.constant 5 : i32
    %add3A_534 = vector.broadcast %add3A_533 : i32 to vector<16xi32>
    %add3A_535 = arith.addi %mul3A_17, %add3A_534 : vector<16xi32>
    %gather3A_536 = tpu.vector_load_idx %arg15[%add3A_535] : memref<512xf32, #tpu.memory_space<vmem>>[vector<16xi32>], vector<16xf32>,
    %add3A_537 = arith.addf %add3A_532, %gather3A_536 : vector<16xf32>
    %add3A_538 = arith.constant 6 : i32
    %add3A_539 = vector.broadcast %add3A_538 : i32 to vector<16xi32>
    %add3A_540 = arith.addi %mul3A_17, %add3A_539 : vector<16xi32>
    %gather3A_541 = tpu.vector_load_idx %arg15[%add3A_540] : memref<512xf32, #tpu.memory_space<vmem>>[vector<16xi32>], vector<16xf32>,
    %add3A_542 = arith.addf %add3A_537, %gather3A_541 : vector<16xf32>
    %add3A_543 = arith.constant 7 : i32
    %add3A_544 = vector.broadcast %add3A_543 : i32 to vector<16xi32>
    %add3A_545 = arith.addi %mul3A_17, %add3A_544 : vector<16xi32>
    %gather3A_546 = tpu.vector_load_idx %arg15[%add3A_545] : memref<512xf32, #tpu.memory_space<vmem>>[vector<16xi32>], vector<16xf32>,
    %add3A_547 = arith.addf %add3A_542, %gather3A_546 : vector<16xf32>
    %add3A_548 = arith.constant 8 : i32
    %add3A_549 = vector.broadcast %add3A_548 : i32 to vector<16xi32>
    %add3A_550 = arith.addi %mul3A_17, %add3A_549 : vector<16xi32>
    %gather3A_551 = tpu.vector_load_idx %arg15[%add3A_550] : memref<512xf32, #tpu.memory_space<vmem>>[vector<16xi32>], vector<16xf32>,
    %add3A_552 = arith.addf %add3A_547, %gather3A_551 : vector<16xf32>
    %add3A_553 = arith.constant 9 : i32
    %add3A_554 = vector.broadcast %add3A_553 : i32 to vector<16xi32>
    %add3A_555 = arith.addi %mul3A_17, %add3A_554 : vector<16xi32>
    %gather3A_556 = tpu.vector_load_idx %arg15[%add3A_555] : memref<512xf32, #tpu.memory_space<vmem>>[vector<16xi32>], vector<16xf32>,
    %add3A_557 = arith.addf %add3A_552, %gather3A_556 : vector<16xf32>
    %add3A_558 = arith.constant 10 : i32
    %add3A_559 = vector.broadcast %add3A_558 : i32 to vector<16xi32>
    %add3A_560 = arith.addi %mul3A_17, %add3A_559 : vector<16xi32>
    %gather3A_561 = tpu.vector_load_idx %arg15[%add3A_560] : memref<512xf32, #tpu.memory_space<vmem>>[vector<16xi32>], vector<16xf32>,
    %add3A_562 = arith.addf %add3A_557, %gather3A_561 : vector<16xf32>
    %add3A_563 = arith.constant 11 : i32
    %add3A_564 = vector.broadcast %add3A_563 : i32 to vector<16xi32>
    %add3A_565 = arith.addi %mul3A_17, %add3A_564 : vector<16xi32>
    %gather3A_566 = tpu.vector_load_idx %arg15[%add3A_565] : memref<512xf32, #tpu.memory_space<vmem>>[vector<16xi32>], vector<16xf32>,
    %add3A_567 = arith.addf %add3A_562, %gather3A_566 : vector<16xf32>
    %add3A_568 = arith.constant 12 : i32
    %add3A_569 = vector.broadcast %add3A_568 : i32 to vector<16xi32>
    %add3A_570 = arith.addi %mul3A_17, %add3A_569 : vector<16xi32>
    %gather3A_571 = tpu.vector_load_idx %arg15[%add3A_570] : memref<512xf32, #tpu.memory_space<vmem>>[vector<16xi32>], vector<16xf32>,
    %add3A_572 = arith.addf %add3A_567, %gather3A_571 : vector<16xf32>
    %add3A_573 = arith.constant 13 : i32
    %add3A_574 = vector.broadcast %add3A_573 : i32 to vector<16xi32>
    %add3A_575 = arith.addi %mul3A_17, %add3A_574 : vector<16xi32>
    %gather3A_576 = tpu.vector_load_idx %arg15[%add3A_575] : memref<512xf32, #tpu.memory_space<vmem>>[vector<16xi32>], vector<16xf32>,
    %add3A_577 = arith.addf %add3A_572, %gather3A_576 : vector<16xf32>
    %add3A_578 = arith.constant 14 : i32
    %add3A_579 = vector.broadcast %add3A_578 : i32 to vector<16xi32>
    %add3A_580 = arith.addi %mul3A_17, %add3A_579 : vector<16xi32>
    %gather3A_581 = tpu.vector_load_idx %arg15[%add3A_580] : memref<512xf32, #tpu.memory_space<vmem>>[vector<16xi32>], vector<16xf32>,
    %add3A_582 = arith.addf %add3A_577, %gather3A_581 : vector<16xf32>
    %add3A_583 = arith.constant 15 : i32
    %add3A_584 = vector.broadcast %add3A_583 : i32 to vector<16xi32>
    %add3A_585 = arith.addi %mul3A_17, %add3A_584 : vector<16xi32>
    %gather3A_586 = tpu.vector_load_idx %arg15[%add3A_585] : memref<512xf32, #tpu.memory_space<vmem>>[vector<16xi32>], vector<16xf32>,
    %add3A_587 = arith.addf %add3A_582, %gather3A_586 : vector<16xf32>
    %swap3A_588 = arith.constant 96 : index
    %swap3A_589 = tpu.vector_load %arg19[%swap3A_588] {strides = array<i32>} : memref<224xf32, #tpu.memory_space<vmem>>, vector<16xf32>,
    tpu.vector_store %arg19[%swap3A_588], %add3A_587 {strides = array<i32>} : memref<224xf32, #tpu.memory_space<vmem>>, vector<16xf32>,
    %add3A_590 = arith.constant 256 : i32
    %add3A_591 = vector.broadcast %add3A_590 : i32 to vector<16xi32>
    %add3A_592 = arith.addi %mul3A_17, %add3A_591 : vector<16xi32>
    %gather3A_593 = tpu.vector_load_idx %arg15[%add3A_592] : memref<512xf32, #tpu.memory_space<vmem>>[vector<16xi32>], vector<16xf32>,
    %add3A_594 = arith.addf %broadcast_in_dim3A_1, %gather3A_593 : vector<16xf32>
    %add3A_595 = arith.constant 257 : i32
    %add3A_596 = vector.broadcast %add3A_595 : i32 to vector<16xi32>
    %add3A_597 = arith.addi %mul3A_17, %add3A_596 : vector<16xi32>
    %gather3A_598 = tpu.vector_load_idx %arg15[%add3A_597] : memref<512xf32, #tpu.memory_space<vmem>>[vector<16xi32>], vector<16xf32>,
    %add3A_599 = arith.addf %add3A_594, %gather3A_598 : vector<16xf32>
    %add3A_600 = arith.constant 258 : i32
    %add3A_601 = vector.broadcast %add3A_600 : i32 to vector<16xi32>
    %add3A_602 = arith.addi %mul3A_17, %add3A_601 : vector<16xi32>
    %gather3A_603 = tpu.vector_load_idx %arg15[%add3A_602] : memref<512xf32, #tpu.memory_space<vmem>>[vector<16xi32>], vector<16xf32>,
    %add3A_604 = arith.addf %add3A_599, %gather3A_603 : vector<16xf32>
    %add3A_605 = arith.constant 259 : i32
    %add3A_606 = vector.broadcast %add3A_605 : i32 to vector<16xi32>
    %add3A_607 = arith.addi %mul3A_17, %add3A_606 : vector<16xi32>
    %gather3A_608 = tpu.vector_load_idx %arg15[%add3A_607] : memref<512xf32, #tpu.memory_space<vmem>>[vector<16xi32>], vector<16xf32>,
    %add3A_609 = arith.addf %add3A_604, %gather3A_608 : vector<16xf32>
    %add3A_610 = arith.constant 260 : i32
    %add3A_611 = vector.broadcast %add3A_610 : i32 to vector<16xi32>
    %add3A_612 = arith.addi %mul3A_17, %add3A_611 : vector<16xi32>
    %gather3A_613 = tpu.vector_load_idx %arg15[%add3A_612] : memref<512xf32, #tpu.memory_space<vmem>>[vector<16xi32>], vector<16xf32>,
    %add3A_614 = arith.addf %add3A_609, %gather3A_613 : vector<16xf32>
    %add3A_615 = arith.constant 261 : i32
    %add3A_616 = vector.broadcast %add3A_615 : i32 to vector<16xi32>
    %add3A_617 = arith.addi %mul3A_17, %add3A_616 : vector<16xi32>
    %gather3A_618 = tpu.vector_load_idx %arg15[%add3A_617] : memref<512xf32, #tpu.memory_space<vmem>>[vector<16xi32>], vector<16xf32>,
    %add3A_619 = arith.addf %add3A_614, %gather3A_618 : vector<16xf32>
    %add3A_620 = arith.constant 262 : i32
    %add3A_621 = vector.broadcast %add3A_620 : i32 to vector<16xi32>
    %add3A_622 = arith.addi %mul3A_17, %add3A_621 : vector<16xi32>
    %gather3A_623 = tpu.vector_load_idx %arg15[%add3A_622] : memref<512xf32, #tpu.memory_space<vmem>>[vector<16xi32>], vector<16xf32>,
    %add3A_624 = arith.addf %add3A_619, %gather3A_623 : vector<16xf32>
    %add3A_625 = arith.constant 263 : i32
    %add3A_626 = vector.broadcast %add3A_625 : i32 to vector<16xi32>
    %add3A_627 = arith.addi %mul3A_17, %add3A_626 : vector<16xi32>
    %gather3A_628 = tpu.vector_load_idx %arg15[%add3A_627] : memref<512xf32, #tpu.memory_space<vmem>>[vector<16xi32>], vector<16xf32>,
    %add3A_629 = arith.addf %add3A_624, %gather3A_628 : vector<16xf32>
    %add3A_630 = arith.constant 264 : i32
    %add3A_631 = vector.broadcast %add3A_630 : i32 to vector<16xi32>
    %add3A_632 = arith.addi %mul3A_17, %add3A_631 : vector<16xi32>
    %gather3A_633 = tpu.vector_load_idx %arg15[%add3A_632] : memref<512xf32, #tpu.memory_space<vmem>>[vector<16xi32>], vector<16xf32>,
    %add3A_634 = arith.addf %add3A_629, %gather3A_633 : vector<16xf32>
    %add3A_635 = arith.constant 265 : i32
    %add3A_636 = vector.broadcast %add3A_635 : i32 to vector<16xi32>
    %add3A_637 = arith.addi %mul3A_17, %add3A_636 : vector<16xi32>
    %gather3A_638 = tpu.vector_load_idx %arg15[%add3A_637] : memref<512xf32, #tpu.memory_space<vmem>>[vector<16xi32>], vector<16xf32>,
    %add3A_639 = arith.addf %add3A_634, %gather3A_638 : vector<16xf32>
    %add3A_640 = arith.constant 266 : i32
    %add3A_641 = vector.broadcast %add3A_640 : i32 to vector<16xi32>
    %add3A_642 = arith.addi %mul3A_17, %add3A_641 : vector<16xi32>
    %gather3A_643 = tpu.vector_load_idx %arg15[%add3A_642] : memref<512xf32, #tpu.memory_space<vmem>>[vector<16xi32>], vector<16xf32>,
    %add3A_644 = arith.addf %add3A_639, %gather3A_643 : vector<16xf32>
    %add3A_645 = arith.constant 267 : i32
    %add3A_646 = vector.broadcast %add3A_645 : i32 to vector<16xi32>
    %add3A_647 = arith.addi %mul3A_17, %add3A_646 : vector<16xi32>
    %gather3A_648 = tpu.vector_load_idx %arg15[%add3A_647] : memref<512xf32, #tpu.memory_space<vmem>>[vector<16xi32>], vector<16xf32>,
    %add3A_649 = arith.addf %add3A_644, %gather3A_648 : vector<16xf32>
    %add3A_650 = arith.constant 268 : i32
    %add3A_651 = vector.broadcast %add3A_650 : i32 to vector<16xi32>
    %add3A_652 = arith.addi %mul3A_17, %add3A_651 : vector<16xi32>
    %gather3A_653 = tpu.vector_load_idx %arg15[%add3A_652] : memref<512xf32, #tpu.memory_space<vmem>>[vector<16xi32>], vector<16xf32>,
    %add3A_654 = arith.addf %add3A_649, %gather3A_653 : vector<16xf32>
    %add3A_655 = arith.constant 269 : i32
    %add3A_656 = vector.broadcast %add3A_655 : i32 to vector<16xi32>
    %add3A_657 = arith.addi %mul3A_17, %add3A_656 : vector<16xi32>
    %gather3A_658 = tpu.vector_load_idx %arg15[%add3A_657] : memref<512xf32, #tpu.memory_space<vmem>>[vector<16xi32>], vector<16xf32>,
    %add3A_659 = arith.addf %add3A_654, %gather3A_658 : vector<16xf32>
    %add3A_660 = arith.constant 270 : i32
    %add3A_661 = vector.broadcast %add3A_660 : i32 to vector<16xi32>
    %add3A_662 = arith.addi %mul3A_17, %add3A_661 : vector<16xi32>
    %gather3A_663 = tpu.vector_load_idx %arg15[%add3A_662] : memref<512xf32, #tpu.memory_space<vmem>>[vector<16xi32>], vector<16xf32>,
    %add3A_664 = arith.addf %add3A_659, %gather3A_663 : vector<16xf32>
    %add3A_665 = arith.constant 271 : i32
    %add3A_666 = vector.broadcast %add3A_665 : i32 to vector<16xi32>
    %add3A_667 = arith.addi %mul3A_17, %add3A_666 : vector<16xi32>
    %gather3A_668 = tpu.vector_load_idx %arg15[%add3A_667] : memref<512xf32, #tpu.memory_space<vmem>>[vector<16xi32>], vector<16xf32>,
    %add3A_669 = arith.addf %add3A_664, %gather3A_668 : vector<16xf32>
    %swap3A_670 = arith.constant 112 : index
    %swap3A_671 = tpu.vector_load %arg19[%swap3A_670] {strides = array<i32>} : memref<224xf32, #tpu.memory_space<vmem>>, vector<16xf32>,
    tpu.vector_store %arg19[%swap3A_670], %add3A_669 {strides = array<i32>} : memref<224xf32, #tpu.memory_space<vmem>>, vector<16xf32>,
    %add3A_672 = arith.constant 0 : i32
    %add3A_673 = vector.broadcast %add3A_672 : i32 to vector<16xi32>
    %add3A_674 = arith.addi %mul3A_17, %add3A_673 : vector<16xi32>
    %gather3A_675 = tpu.vector_load_idx %arg16[%add3A_674] : memref<512xf32, #tpu.memory_space<vmem>>[vector<16xi32>], vector<16xf32>,
    %add3A_676 = arith.addf %broadcast_in_dim3A_1, %gather3A_675 : vector<16xf32>
    %add3A_677 = arith.constant 1 : i32
    %add3A_678 = vector.broadcast %add3A_677 : i32 to vector<16xi32>
    %add3A_679 = arith.addi %mul3A_17, %add3A_678 : vector<16xi32>
    %gather3A_680 = tpu.vector_load_idx %arg16[%add3A_679] : memref<512xf32, #tpu.memory_space<vmem>>[vector<16xi32>], vector<16xf32>,
    %add3A_681 = arith.addf %add3A_676, %gather3A_680 : vector<16xf32>
    %add3A_682 = arith.constant 2 : i32
    %add3A_683 = vector.broadcast %add3A_682 : i32 to vector<16xi32>
    %add3A_684 = arith.addi %mul3A_17, %add3A_683 : vector<16xi32>
    %gather3A_685 = tpu.vector_load_idx %arg16[%add3A_684] : memref<512xf32, #tpu.memory_space<vmem>>[vector<16xi32>], vector<16xf32>,
    %add3A_686 = arith.addf %add3A_681, %gather3A_685 : vector<16xf32>
    %add3A_687 = arith.constant 3 : i32
    %add3A_688 = vector.broadcast %add3A_687 : i32 to vector<16xi32>
    %add3A_689 = arith.addi %mul3A_17, %add3A_688 : vector<16xi32>
    %gather3A_690 = tpu.vector_load_idx %arg16[%add3A_689] : memref<512xf32, #tpu.memory_space<vmem>>[vector<16xi32>], vector<16xf32>,
    %add3A_691 = arith.addf %add3A_686, %gather3A_690 : vector<16xf32>
    %add3A_692 = arith.constant 4 : i32
    %add3A_693 = vector.broadcast %add3A_692 : i32 to vector<16xi32>
    %add3A_694 = arith.addi %mul3A_17, %add3A_693 : vector<16xi32>
    %gather3A_695 = tpu.vector_load_idx %arg16[%add3A_694] : memref<512xf32, #tpu.memory_space<vmem>>[vector<16xi32>], vector<16xf32>,
    %add3A_696 = arith.addf %add3A_691, %gather3A_695 : vector<16xf32>
    %add3A_697 = arith.constant 5 : i32
    %add3A_698 = vector.broadcast %add3A_697 : i32 to vector<16xi32>
    %add3A_699 = arith.addi %mul3A_17, %add3A_698 : vector<16xi32>
    %gather3A_700 = tpu.vector_load_idx %arg16[%add3A_699] : memref<512xf32, #tpu.memory_space<vmem>>[vector<16xi32>], vector<16xf32>,
    %add3A_701 = arith.addf %add3A_696, %gather3A_700 : vector<16xf32>
    %add3A_702 = arith.constant 6 : i32
    %add3A_703 = vector.broadcast %add3A_702 : i32 to vector<16xi32>
    %add3A_704 = arith.addi %mul3A_17, %add3A_703 : vector<16xi32>
    %gather3A_705 = tpu.vector_load_idx %arg16[%add3A_704] : memref<512xf32, #tpu.memory_space<vmem>>[vector<16xi32>], vector<16xf32>,
    %add3A_706 = arith.addf %add3A_701, %gather3A_705 : vector<16xf32>
    %add3A_707 = arith.constant 7 : i32
    %add3A_708 = vector.broadcast %add3A_707 : i32 to vector<16xi32>
    %add3A_709 = arith.addi %mul3A_17, %add3A_708 : vector<16xi32>
    %gather3A_710 = tpu.vector_load_idx %arg16[%add3A_709] : memref<512xf32, #tpu.memory_space<vmem>>[vector<16xi32>], vector<16xf32>,
    %add3A_711 = arith.addf %add3A_706, %gather3A_710 : vector<16xf32>
    %add3A_712 = arith.constant 8 : i32
    %add3A_713 = vector.broadcast %add3A_712 : i32 to vector<16xi32>
    %add3A_714 = arith.addi %mul3A_17, %add3A_713 : vector<16xi32>
    %gather3A_715 = tpu.vector_load_idx %arg16[%add3A_714] : memref<512xf32, #tpu.memory_space<vmem>>[vector<16xi32>], vector<16xf32>,
    %add3A_716 = arith.addf %add3A_711, %gather3A_715 : vector<16xf32>
    %add3A_717 = arith.constant 9 : i32
    %add3A_718 = vector.broadcast %add3A_717 : i32 to vector<16xi32>
    %add3A_719 = arith.addi %mul3A_17, %add3A_718 : vector<16xi32>
    %gather3A_720 = tpu.vector_load_idx %arg16[%add3A_719] : memref<512xf32, #tpu.memory_space<vmem>>[vector<16xi32>], vector<16xf32>,
    %add3A_721 = arith.addf %add3A_716, %gather3A_720 : vector<16xf32>
    %add3A_722 = arith.constant 10 : i32
    %add3A_723 = vector.broadcast %add3A_722 : i32 to vector<16xi32>
    %add3A_724 = arith.addi %mul3A_17, %add3A_723 : vector<16xi32>
    %gather3A_725 = tpu.vector_load_idx %arg16[%add3A_724] : memref<512xf32, #tpu.memory_space<vmem>>[vector<16xi32>], vector<16xf32>,
    %add3A_726 = arith.addf %add3A_721, %gather3A_725 : vector<16xf32>
    %add3A_727 = arith.constant 11 : i32
    %add3A_728 = vector.broadcast %add3A_727 : i32 to vector<16xi32>
    %add3A_729 = arith.addi %mul3A_17, %add3A_728 : vector<16xi32>
    %gather3A_730 = tpu.vector_load_idx %arg16[%add3A_729] : memref<512xf32, #tpu.memory_space<vmem>>[vector<16xi32>], vector<16xf32>,
    %add3A_731 = arith.addf %add3A_726, %gather3A_730 : vector<16xf32>
    %add3A_732 = arith.constant 12 : i32
    %add3A_733 = vector.broadcast %add3A_732 : i32 to vector<16xi32>
    %add3A_734 = arith.addi %mul3A_17, %add3A_733 : vector<16xi32>
    %gather3A_735 = tpu.vector_load_idx %arg16[%add3A_734] : memref<512xf32, #tpu.memory_space<vmem>>[vector<16xi32>], vector<16xf32>,
    %add3A_736 = arith.addf %add3A_731, %gather3A_735 : vector<16xf32>
    %add3A_737 = arith.constant 13 : i32
    %add3A_738 = vector.broadcast %add3A_737 : i32 to vector<16xi32>
    %add3A_739 = arith.addi %mul3A_17, %add3A_738 : vector<16xi32>
    %gather3A_740 = tpu.vector_load_idx %arg16[%add3A_739] : memref<512xf32, #tpu.memory_space<vmem>>[vector<16xi32>], vector<16xf32>,
    %add3A_741 = arith.addf %add3A_736, %gather3A_740 : vector<16xf32>
    %add3A_742 = arith.constant 14 : i32
    %add3A_743 = vector.broadcast %add3A_742 : i32 to vector<16xi32>
    %add3A_744 = arith.addi %mul3A_17, %add3A_743 : vector<16xi32>
    %gather3A_745 = tpu.vector_load_idx %arg16[%add3A_744] : memref<512xf32, #tpu.memory_space<vmem>>[vector<16xi32>], vector<16xf32>,
    %add3A_746 = arith.addf %add3A_741, %gather3A_745 : vector<16xf32>
    %add3A_747 = arith.constant 15 : i32
    %add3A_748 = vector.broadcast %add3A_747 : i32 to vector<16xi32>
    %add3A_749 = arith.addi %mul3A_17, %add3A_748 : vector<16xi32>
    %gather3A_750 = tpu.vector_load_idx %arg16[%add3A_749] : memref<512xf32, #tpu.memory_space<vmem>>[vector<16xi32>], vector<16xf32>,
    %add3A_751 = arith.addf %add3A_746, %gather3A_750 : vector<16xf32>
    %swap3A_752 = arith.constant 128 : index
    %swap3A_753 = tpu.vector_load %arg19[%swap3A_752] {strides = array<i32>} : memref<224xf32, #tpu.memory_space<vmem>>, vector<16xf32>,
    tpu.vector_store %arg19[%swap3A_752], %add3A_751 {strides = array<i32>} : memref<224xf32, #tpu.memory_space<vmem>>, vector<16xf32>,
    %add3A_754 = arith.constant 256 : i32
    %add3A_755 = vector.broadcast %add3A_754 : i32 to vector<16xi32>
    %add3A_756 = arith.addi %mul3A_17, %add3A_755 : vector<16xi32>
    %gather3A_757 = tpu.vector_load_idx %arg16[%add3A_756] : memref<512xf32, #tpu.memory_space<vmem>>[vector<16xi32>], vector<16xf32>,
    %add3A_758 = arith.addf %broadcast_in_dim3A_1, %gather3A_757 : vector<16xf32>
    %add3A_759 = arith.constant 257 : i32
    %add3A_760 = vector.broadcast %add3A_759 : i32 to vector<16xi32>
    %add3A_761 = arith.addi %mul3A_17, %add3A_760 : vector<16xi32>
    %gather3A_762 = tpu.vector_load_idx %arg16[%add3A_761] : memref<512xf32, #tpu.memory_space<vmem>>[vector<16xi32>], vector<16xf32>,
    %add3A_763 = arith.addf %add3A_758, %gather3A_762 : vector<16xf32>
    %add3A_764 = arith.constant 258 : i32
    %add3A_765 = vector.broadcast %add3A_764 : i32 to vector<16xi32>
    %add3A_766 = arith.addi %mul3A_17, %add3A_765 : vector<16xi32>
    %gather3A_767 = tpu.vector_load_idx %arg16[%add3A_766] : memref<512xf32, #tpu.memory_space<vmem>>[vector<16xi32>], vector<16xf32>,
    %add3A_768 = arith.addf %add3A_763, %gather3A_767 : vector<16xf32>
    %add3A_769 = arith.constant 259 : i32
    %add3A_770 = vector.broadcast %add3A_769 : i32 to vector<16xi32>
    %add3A_771 = arith.addi %mul3A_17, %add3A_770 : vector<16xi32>
    %gather3A_772 = tpu.vector_load_idx %arg16[%add3A_771] : memref<512xf32, #tpu.memory_space<vmem>>[vector<16xi32>], vector<16xf32>,
    %add3A_773 = arith.addf %add3A_768, %gather3A_772 : vector<16xf32>
    %add3A_774 = arith.constant 260 : i32
    %add3A_775 = vector.broadcast %add3A_774 : i32 to vector<16xi32>
    %add3A_776 = arith.addi %mul3A_17, %add3A_775 : vector<16xi32>
    %gather3A_777 = tpu.vector_load_idx %arg16[%add3A_776] : memref<512xf32, #tpu.memory_space<vmem>>[vector<16xi32>], vector<16xf32>,
    %add3A_778 = arith.addf %add3A_773, %gather3A_777 : vector<16xf32>
    %add3A_779 = arith.constant 261 : i32
    %add3A_780 = vector.broadcast %add3A_779 : i32 to vector<16xi32>
    %add3A_781 = arith.addi %mul3A_17, %add3A_780 : vector<16xi32>
    %gather3A_782 = tpu.vector_load_idx %arg16[%add3A_781] : memref<512xf32, #tpu.memory_space<vmem>>[vector<16xi32>], vector<16xf32>,
    %add3A_783 = arith.addf %add3A_778, %gather3A_782 : vector<16xf32>
    %add3A_784 = arith.constant 262 : i32
    %add3A_785 = vector.broadcast %add3A_784 : i32 to vector<16xi32>
    %add3A_786 = arith.addi %mul3A_17, %add3A_785 : vector<16xi32>
    %gather3A_787 = tpu.vector_load_idx %arg16[%add3A_786] : memref<512xf32, #tpu.memory_space<vmem>>[vector<16xi32>], vector<16xf32>,
    %add3A_788 = arith.addf %add3A_783, %gather3A_787 : vector<16xf32>
    %add3A_789 = arith.constant 263 : i32
    %add3A_790 = vector.broadcast %add3A_789 : i32 to vector<16xi32>
    %add3A_791 = arith.addi %mul3A_17, %add3A_790 : vector<16xi32>
    %gather3A_792 = tpu.vector_load_idx %arg16[%add3A_791] : memref<512xf32, #tpu.memory_space<vmem>>[vector<16xi32>], vector<16xf32>,
    %add3A_793 = arith.addf %add3A_788, %gather3A_792 : vector<16xf32>
    %add3A_794 = arith.constant 264 : i32
    %add3A_795 = vector.broadcast %add3A_794 : i32 to vector<16xi32>
    %add3A_796 = arith.addi %mul3A_17, %add3A_795 : vector<16xi32>
    %gather3A_797 = tpu.vector_load_idx %arg16[%add3A_796] : memref<512xf32, #tpu.memory_space<vmem>>[vector<16xi32>], vector<16xf32>,
    %add3A_798 = arith.addf %add3A_793, %gather3A_797 : vector<16xf32>
    %add3A_799 = arith.constant 265 : i32
    %add3A_800 = vector.broadcast %add3A_799 : i32 to vector<16xi32>
    %add3A_801 = arith.addi %mul3A_17, %add3A_800 : vector<16xi32>
    %gather3A_802 = tpu.vector_load_idx %arg16[%add3A_801] : memref<512xf32, #tpu.memory_space<vmem>>[vector<16xi32>], vector<16xf32>,
    %add3A_803 = arith.addf %add3A_798, %gather3A_802 : vector<16xf32>
    %add3A_804 = arith.constant 266 : i32
    %add3A_805 = vector.broadcast %add3A_804 : i32 to vector<16xi32>
    %add3A_806 = arith.addi %mul3A_17, %add3A_805 : vector<16xi32>
    %gather3A_807 = tpu.vector_load_idx %arg16[%add3A_806] : memref<512xf32, #tpu.memory_space<vmem>>[vector<16xi32>], vector<16xf32>,
    %add3A_808 = arith.addf %add3A_803, %gather3A_807 : vector<16xf32>
    %add3A_809 = arith.constant 267 : i32
    %add3A_810 = vector.broadcast %add3A_809 : i32 to vector<16xi32>
    %add3A_811 = arith.addi %mul3A_17, %add3A_810 : vector<16xi32>
    %gather3A_812 = tpu.vector_load_idx %arg16[%add3A_811] : memref<512xf32, #tpu.memory_space<vmem>>[vector<16xi32>], vector<16xf32>,
    %add3A_813 = arith.addf %add3A_808, %gather3A_812 : vector<16xf32>
    %add3A_814 = arith.constant 268 : i32
    %add3A_815 = vector.broadcast %add3A_814 : i32 to vector<16xi32>
    %add3A_816 = arith.addi %mul3A_17, %add3A_815 : vector<16xi32>
    %gather3A_817 = tpu.vector_load_idx %arg16[%add3A_816] : memref<512xf32, #tpu.memory_space<vmem>>[vector<16xi32>], vector<16xf32>,
    %add3A_818 = arith.addf %add3A_813, %gather3A_817 : vector<16xf32>
    %add3A_819 = arith.constant 269 : i32
    %add3A_820 = vector.broadcast %add3A_819 : i32 to vector<16xi32>
    %add3A_821 = arith.addi %mul3A_17, %add3A_820 : vector<16xi32>
    %gather3A_822 = tpu.vector_load_idx %arg16[%add3A_821] : memref<512xf32, #tpu.memory_space<vmem>>[vector<16xi32>], vector<16xf32>,
    %add3A_823 = arith.addf %add3A_818, %gather3A_822 : vector<16xf32>
    %add3A_824 = arith.constant 270 : i32
    %add3A_825 = vector.broadcast %add3A_824 : i32 to vector<16xi32>
    %add3A_826 = arith.addi %mul3A_17, %add3A_825 : vector<16xi32>
    %gather3A_827 = tpu.vector_load_idx %arg16[%add3A_826] : memref<512xf32, #tpu.memory_space<vmem>>[vector<16xi32>], vector<16xf32>,
    %add3A_828 = arith.addf %add3A_823, %gather3A_827 : vector<16xf32>
    %add3A_829 = arith.constant 271 : i32
    %add3A_830 = vector.broadcast %add3A_829 : i32 to vector<16xi32>
    %add3A_831 = arith.addi %mul3A_17, %add3A_830 : vector<16xi32>
    %gather3A_832 = tpu.vector_load_idx %arg16[%add3A_831] : memref<512xf32, #tpu.memory_space<vmem>>[vector<16xi32>], vector<16xf32>,
    %add3A_833 = arith.addf %add3A_828, %gather3A_832 : vector<16xf32>
    %swap3A_834 = arith.constant 144 : index
    %swap3A_835 = tpu.vector_load %arg19[%swap3A_834] {strides = array<i32>} : memref<224xf32, #tpu.memory_space<vmem>>, vector<16xf32>,
    tpu.vector_store %arg19[%swap3A_834], %add3A_833 {strides = array<i32>} : memref<224xf32, #tpu.memory_space<vmem>>, vector<16xf32>,
    %add3A_836 = arith.constant 0 : i32
    %add3A_837 = vector.broadcast %add3A_836 : i32 to vector<16xi32>
    %add3A_838 = arith.addi %mul3A_17, %add3A_837 : vector<16xi32>
    %gather3A_839 = tpu.vector_load_idx %arg17[%add3A_838] : memref<512xf32, #tpu.memory_space<vmem>>[vector<16xi32>], vector<16xf32>,
    %add3A_840 = arith.addf %broadcast_in_dim3A_1, %gather3A_839 : vector<16xf32>
    %add3A_841 = arith.constant 1 : i32
    %add3A_842 = vector.broadcast %add3A_841 : i32 to vector<16xi32>
    %add3A_843 = arith.addi %mul3A_17, %add3A_842 : vector<16xi32>
    %gather3A_844 = tpu.vector_load_idx %arg17[%add3A_843] : memref<512xf32, #tpu.memory_space<vmem>>[vector<16xi32>], vector<16xf32>,
    %add3A_845 = arith.addf %add3A_840, %gather3A_844 : vector<16xf32>
    %add3A_846 = arith.constant 2 : i32
    %add3A_847 = vector.broadcast %add3A_846 : i32 to vector<16xi32>
    %add3A_848 = arith.addi %mul3A_17, %add3A_847 : vector<16xi32>
    %gather3A_849 = tpu.vector_load_idx %arg17[%add3A_848] : memref<512xf32, #tpu.memory_space<vmem>>[vector<16xi32>], vector<16xf32>,
    %add3A_850 = arith.addf %add3A_845, %gather3A_849 : vector<16xf32>
    %add3A_851 = arith.constant 3 : i32
    %add3A_852 = vector.broadcast %add3A_851 : i32 to vector<16xi32>
    %add3A_853 = arith.addi %mul3A_17, %add3A_852 : vector<16xi32>
    %gather3A_854 = tpu.vector_load_idx %arg17[%add3A_853] : memref<512xf32, #tpu.memory_space<vmem>>[vector<16xi32>], vector<16xf32>,
    %add3A_855 = arith.addf %add3A_850, %gather3A_854 : vector<16xf32>
    %add3A_856 = arith.constant 4 : i32
    %add3A_857 = vector.broadcast %add3A_856 : i32 to vector<16xi32>
    %add3A_858 = arith.addi %mul3A_17, %add3A_857 : vector<16xi32>
    %gather3A_859 = tpu.vector_load_idx %arg17[%add3A_858] : memref<512xf32, #tpu.memory_space<vmem>>[vector<16xi32>], vector<16xf32>,
    %add3A_860 = arith.addf %add3A_855, %gather3A_859 : vector<16xf32>
    %add3A_861 = arith.constant 5 : i32
    %add3A_862 = vector.broadcast %add3A_861 : i32 to vector<16xi32>
    %add3A_863 = arith.addi %mul3A_17, %add3A_862 : vector<16xi32>
    %gather3A_864 = tpu.vector_load_idx %arg17[%add3A_863] : memref<512xf32, #tpu.memory_space<vmem>>[vector<16xi32>], vector<16xf32>,
    %add3A_865 = arith.addf %add3A_860, %gather3A_864 : vector<16xf32>
    %add3A_866 = arith.constant 6 : i32
    %add3A_867 = vector.broadcast %add3A_866 : i32 to vector<16xi32>
    %add3A_868 = arith.addi %mul3A_17, %add3A_867 : vector<16xi32>
    %gather3A_869 = tpu.vector_load_idx %arg17[%add3A_868] : memref<512xf32, #tpu.memory_space<vmem>>[vector<16xi32>], vector<16xf32>,
    %add3A_870 = arith.addf %add3A_865, %gather3A_869 : vector<16xf32>
    %add3A_871 = arith.constant 7 : i32
    %add3A_872 = vector.broadcast %add3A_871 : i32 to vector<16xi32>
    %add3A_873 = arith.addi %mul3A_17, %add3A_872 : vector<16xi32>
    %gather3A_874 = tpu.vector_load_idx %arg17[%add3A_873] : memref<512xf32, #tpu.memory_space<vmem>>[vector<16xi32>], vector<16xf32>,
    %add3A_875 = arith.addf %add3A_870, %gather3A_874 : vector<16xf32>
    %add3A_876 = arith.constant 8 : i32
    %add3A_877 = vector.broadcast %add3A_876 : i32 to vector<16xi32>
    %add3A_878 = arith.addi %mul3A_17, %add3A_877 : vector<16xi32>
    %gather3A_879 = tpu.vector_load_idx %arg17[%add3A_878] : memref<512xf32, #tpu.memory_space<vmem>>[vector<16xi32>], vector<16xf32>,
    %add3A_880 = arith.addf %add3A_875, %gather3A_879 : vector<16xf32>
    %add3A_881 = arith.constant 9 : i32
    %add3A_882 = vector.broadcast %add3A_881 : i32 to vector<16xi32>
    %add3A_883 = arith.addi %mul3A_17, %add3A_882 : vector<16xi32>
    %gather3A_884 = tpu.vector_load_idx %arg17[%add3A_883] : memref<512xf32, #tpu.memory_space<vmem>>[vector<16xi32>], vector<16xf32>,
    %add3A_885 = arith.addf %add3A_880, %gather3A_884 : vector<16xf32>
    %add3A_886 = arith.constant 10 : i32
    %add3A_887 = vector.broadcast %add3A_886 : i32 to vector<16xi32>
    %add3A_888 = arith.addi %mul3A_17, %add3A_887 : vector<16xi32>
    %gather3A_889 = tpu.vector_load_idx %arg17[%add3A_888] : memref<512xf32, #tpu.memory_space<vmem>>[vector<16xi32>], vector<16xf32>,
    %add3A_890 = arith.addf %add3A_885, %gather3A_889 : vector<16xf32>
    %add3A_891 = arith.constant 11 : i32
    %add3A_892 = vector.broadcast %add3A_891 : i32 to vector<16xi32>
    %add3A_893 = arith.addi %mul3A_17, %add3A_892 : vector<16xi32>
    %gather3A_894 = tpu.vector_load_idx %arg17[%add3A_893] : memref<512xf32, #tpu.memory_space<vmem>>[vector<16xi32>], vector<16xf32>,
    %add3A_895 = arith.addf %add3A_890, %gather3A_894 : vector<16xf32>
    %add3A_896 = arith.constant 12 : i32
    %add3A_897 = vector.broadcast %add3A_896 : i32 to vector<16xi32>
    %add3A_898 = arith.addi %mul3A_17, %add3A_897 : vector<16xi32>
    %gather3A_899 = tpu.vector_load_idx %arg17[%add3A_898] : memref<512xf32, #tpu.memory_space<vmem>>[vector<16xi32>], vector<16xf32>,
    %add3A_900 = arith.addf %add3A_895, %gather3A_899 : vector<16xf32>
    %add3A_901 = arith.constant 13 : i32
    %add3A_902 = vector.broadcast %add3A_901 : i32 to vector<16xi32>
    %add3A_903 = arith.addi %mul3A_17, %add3A_902 : vector<16xi32>
    %gather3A_904 = tpu.vector_load_idx %arg17[%add3A_903] : memref<512xf32, #tpu.memory_space<vmem>>[vector<16xi32>], vector<16xf32>,
    %add3A_905 = arith.addf %add3A_900, %gather3A_904 : vector<16xf32>
    %add3A_906 = arith.constant 14 : i32
    %add3A_907 = vector.broadcast %add3A_906 : i32 to vector<16xi32>
    %add3A_908 = arith.addi %mul3A_17, %add3A_907 : vector<16xi32>
    %gather3A_909 = tpu.vector_load_idx %arg17[%add3A_908] : memref<512xf32, #tpu.memory_space<vmem>>[vector<16xi32>], vector<16xf32>,
    %add3A_910 = arith.addf %add3A_905, %gather3A_909 : vector<16xf32>
    %add3A_911 = arith.constant 15 : i32
    %add3A_912 = vector.broadcast %add3A_911 : i32 to vector<16xi32>
    %add3A_913 = arith.addi %mul3A_17, %add3A_912 : vector<16xi32>
    %gather3A_914 = tpu.vector_load_idx %arg17[%add3A_913] : memref<512xf32, #tpu.memory_space<vmem>>[vector<16xi32>], vector<16xf32>,
    %add3A_915 = arith.addf %add3A_910, %gather3A_914 : vector<16xf32>
    %swap3A_916 = arith.constant 160 : index
    %swap3A_917 = tpu.vector_load %arg19[%swap3A_916] {strides = array<i32>} : memref<224xf32, #tpu.memory_space<vmem>>, vector<16xf32>,
    tpu.vector_store %arg19[%swap3A_916], %add3A_915 {strides = array<i32>} : memref<224xf32, #tpu.memory_space<vmem>>, vector<16xf32>,
    %add3A_918 = arith.constant 256 : i32
    %add3A_919 = vector.broadcast %add3A_918 : i32 to vector<16xi32>
    %add3A_920 = arith.addi %mul3A_17, %add3A_919 : vector<16xi32>
    %gather3A_921 = tpu.vector_load_idx %arg17[%add3A_920] : memref<512xf32, #tpu.memory_space<vmem>>[vector<16xi32>], vector<16xf32>,
    %add3A_922 = arith.addf %broadcast_in_dim3A_1, %gather3A_921 : vector<16xf32>
    %add3A_923 = arith.constant 257 : i32
    %add3A_924 = vector.broadcast %add3A_923 : i32 to vector<16xi32>
    %add3A_925 = arith.addi %mul3A_17, %add3A_924 : vector<16xi32>
    %gather3A_926 = tpu.vector_load_idx %arg17[%add3A_925] : memref<512xf32, #tpu.memory_space<vmem>>[vector<16xi32>], vector<16xf32>,
    %add3A_927 = arith.addf %add3A_922, %gather3A_926 : vector<16xf32>
    %add3A_928 = arith.constant 258 : i32
    %add3A_929 = vector.broadcast %add3A_928 : i32 to vector<16xi32>
    %add3A_930 = arith.addi %mul3A_17, %add3A_929 : vector<16xi32>
    %gather3A_931 = tpu.vector_load_idx %arg17[%add3A_930] : memref<512xf32, #tpu.memory_space<vmem>>[vector<16xi32>], vector<16xf32>,
    %add3A_932 = arith.addf %add3A_927, %gather3A_931 : vector<16xf32>
    %add3A_933 = arith.constant 259 : i32
    %add3A_934 = vector.broadcast %add3A_933 : i32 to vector<16xi32>
    %add3A_935 = arith.addi %mul3A_17, %add3A_934 : vector<16xi32>
    %gather3A_936 = tpu.vector_load_idx %arg17[%add3A_935] : memref<512xf32, #tpu.memory_space<vmem>>[vector<16xi32>], vector<16xf32>,
    %add3A_937 = arith.addf %add3A_932, %gather3A_936 : vector<16xf32>
    %add3A_938 = arith.constant 260 : i32
    %add3A_939 = vector.broadcast %add3A_938 : i32 to vector<16xi32>
    %add3A_940 = arith.addi %mul3A_17, %add3A_939 : vector<16xi32>
    %gather3A_941 = tpu.vector_load_idx %arg17[%add3A_940] : memref<512xf32, #tpu.memory_space<vmem>>[vector<16xi32>], vector<16xf32>,
    %add3A_942 = arith.addf %add3A_937, %gather3A_941 : vector<16xf32>
    %add3A_943 = arith.constant 261 : i32
    %add3A_944 = vector.broadcast %add3A_943 : i32 to vector<16xi32>
    %add3A_945 = arith.addi %mul3A_17, %add3A_944 : vector<16xi32>
    %gather3A_946 = tpu.vector_load_idx %arg17[%add3A_945] : memref<512xf32, #tpu.memory_space<vmem>>[vector<16xi32>], vector<16xf32>,
    %add3A_947 = arith.addf %add3A_942, %gather3A_946 : vector<16xf32>
    %add3A_948 = arith.constant 262 : i32
    %add3A_949 = vector.broadcast %add3A_948 : i32 to vector<16xi32>
    %add3A_950 = arith.addi %mul3A_17, %add3A_949 : vector<16xi32>
    %gather3A_951 = tpu.vector_load_idx %arg17[%add3A_950] : memref<512xf32, #tpu.memory_space<vmem>>[vector<16xi32>], vector<16xf32>,
    %add3A_952 = arith.addf %add3A_947, %gather3A_951 : vector<16xf32>
    %add3A_953 = arith.constant 263 : i32
    %add3A_954 = vector.broadcast %add3A_953 : i32 to vector<16xi32>
    %add3A_955 = arith.addi %mul3A_17, %add3A_954 : vector<16xi32>
    %gather3A_956 = tpu.vector_load_idx %arg17[%add3A_955] : memref<512xf32, #tpu.memory_space<vmem>>[vector<16xi32>], vector<16xf32>,
    %add3A_957 = arith.addf %add3A_952, %gather3A_956 : vector<16xf32>
    %add3A_958 = arith.constant 264 : i32
    %add3A_959 = vector.broadcast %add3A_958 : i32 to vector<16xi32>
    %add3A_960 = arith.addi %mul3A_17, %add3A_959 : vector<16xi32>
    %gather3A_961 = tpu.vector_load_idx %arg17[%add3A_960] : memref<512xf32, #tpu.memory_space<vmem>>[vector<16xi32>], vector<16xf32>,
    %add3A_962 = arith.addf %add3A_957, %gather3A_961 : vector<16xf32>
    %add3A_963 = arith.constant 265 : i32
    %add3A_964 = vector.broadcast %add3A_963 : i32 to vector<16xi32>
    %add3A_965 = arith.addi %mul3A_17, %add3A_964 : vector<16xi32>
    %gather3A_966 = tpu.vector_load_idx %arg17[%add3A_965] : memref<512xf32, #tpu.memory_space<vmem>>[vector<16xi32>], vector<16xf32>,
    %add3A_967 = arith.addf %add3A_962, %gather3A_966 : vector<16xf32>
    %add3A_968 = arith.constant 266 : i32
    %add3A_969 = vector.broadcast %add3A_968 : i32 to vector<16xi32>
    %add3A_970 = arith.addi %mul3A_17, %add3A_969 : vector<16xi32>
    %gather3A_971 = tpu.vector_load_idx %arg17[%add3A_970] : memref<512xf32, #tpu.memory_space<vmem>>[vector<16xi32>], vector<16xf32>,
    %add3A_972 = arith.addf %add3A_967, %gather3A_971 : vector<16xf32>
    %add3A_973 = arith.constant 267 : i32
    %add3A_974 = vector.broadcast %add3A_973 : i32 to vector<16xi32>
    %add3A_975 = arith.addi %mul3A_17, %add3A_974 : vector<16xi32>
    %gather3A_976 = tpu.vector_load_idx %arg17[%add3A_975] : memref<512xf32, #tpu.memory_space<vmem>>[vector<16xi32>], vector<16xf32>,
    %add3A_977 = arith.addf %add3A_972, %gather3A_976 : vector<16xf32>
    %add3A_978 = arith.constant 268 : i32
    %add3A_979 = vector.broadcast %add3A_978 : i32 to vector<16xi32>
    %add3A_980 = arith.addi %mul3A_17, %add3A_979 : vector<16xi32>
    %gather3A_981 = tpu.vector_load_idx %arg17[%add3A_980] : memref<512xf32, #tpu.memory_space<vmem>>[vector<16xi32>], vector<16xf32>,
    %add3A_982 = arith.addf %add3A_977, %gather3A_981 : vector<16xf32>
    %add3A_983 = arith.constant 269 : i32
    %add3A_984 = vector.broadcast %add3A_983 : i32 to vector<16xi32>
    %add3A_985 = arith.addi %mul3A_17, %add3A_984 : vector<16xi32>
    %gather3A_986 = tpu.vector_load_idx %arg17[%add3A_985] : memref<512xf32, #tpu.memory_space<vmem>>[vector<16xi32>], vector<16xf32>,
    %add3A_987 = arith.addf %add3A_982, %gather3A_986 : vector<16xf32>
    %add3A_988 = arith.constant 270 : i32
    %add3A_989 = vector.broadcast %add3A_988 : i32 to vector<16xi32>
    %add3A_990 = arith.addi %mul3A_17, %add3A_989 : vector<16xi32>
    %gather3A_991 = tpu.vector_load_idx %arg17[%add3A_990] : memref<512xf32, #tpu.memory_space<vmem>>[vector<16xi32>], vector<16xf32>,
    %add3A_992 = arith.addf %add3A_987, %gather3A_991 : vector<16xf32>
    %add3A_993 = arith.constant 271 : i32
    %add3A_994 = vector.broadcast %add3A_993 : i32 to vector<16xi32>
    %add3A_995 = arith.addi %mul3A_17, %add3A_994 : vector<16xi32>
    %gather3A_996 = tpu.vector_load_idx %arg17[%add3A_995] : memref<512xf32, #tpu.memory_space<vmem>>[vector<16xi32>], vector<16xf32>,
    %add3A_997 = arith.addf %add3A_992, %gather3A_996 : vector<16xf32>
    %swap3A_998 = arith.constant 176 : index
    %swap3A_999 = tpu.vector_load %arg19[%swap3A_998] {strides = array<i32>} : memref<224xf32, #tpu.memory_space<vmem>>, vector<16xf32>,
    tpu.vector_store %arg19[%swap3A_998], %add3A_997 {strides = array<i32>} : memref<224xf32, #tpu.memory_space<vmem>>, vector<16xf32>,
    %add3A_1000 = arith.constant 0 : i32
    %add3A_1001 = vector.broadcast %add3A_1000 : i32 to vector<16xi32>
    %add3A_1002 = arith.addi %mul3A_17, %add3A_1001 : vector<16xi32>
    %gather3A_1003 = tpu.vector_load_idx %arg18[%add3A_1002] : memref<512xf32, #tpu.memory_space<vmem>>[vector<16xi32>], vector<16xf32>,
    %add3A_1004 = arith.addf %broadcast_in_dim3A_1, %gather3A_1003 : vector<16xf32>
    %add3A_1005 = arith.constant 1 : i32
    %add3A_1006 = vector.broadcast %add3A_1005 : i32 to vector<16xi32>
    %add3A_1007 = arith.addi %mul3A_17, %add3A_1006 : vector<16xi32>
    %gather3A_1008 = tpu.vector_load_idx %arg18[%add3A_1007] : memref<512xf32, #tpu.memory_space<vmem>>[vector<16xi32>], vector<16xf32>,
    %add3A_1009 = arith.addf %add3A_1004, %gather3A_1008 : vector<16xf32>
    %add3A_1010 = arith.constant 2 : i32
    %add3A_1011 = vector.broadcast %add3A_1010 : i32 to vector<16xi32>
    %add3A_1012 = arith.addi %mul3A_17, %add3A_1011 : vector<16xi32>
    %gather3A_1013 = tpu.vector_load_idx %arg18[%add3A_1012] : memref<512xf32, #tpu.memory_space<vmem>>[vector<16xi32>], vector<16xf32>,
    %add3A_1014 = arith.addf %add3A_1009, %gather3A_1013 : vector<16xf32>
    %add3A_1015 = arith.constant 3 : i32
    %add3A_1016 = vector.broadcast %add3A_1015 : i32 to vector<16xi32>
    %add3A_1017 = arith.addi %mul3A_17, %add3A_1016 : vector<16xi32>
    %gather3A_1018 = tpu.vector_load_idx %arg18[%add3A_1017] : memref<512xf32, #tpu.memory_space<vmem>>[vector<16xi32>], vector<16xf32>,
    %add3A_1019 = arith.addf %add3A_1014, %gather3A_1018 : vector<16xf32>
    %add3A_1020 = arith.constant 4 : i32
    %add3A_1021 = vector.broadcast %add3A_1020 : i32 to vector<16xi32>
    %add3A_1022 = arith.addi %mul3A_17, %add3A_1021 : vector<16xi32>
    %gather3A_1023 = tpu.vector_load_idx %arg18[%add3A_1022] : memref<512xf32, #tpu.memory_space<vmem>>[vector<16xi32>], vector<16xf32>,
    %add3A_1024 = arith.addf %add3A_1019, %gather3A_1023 : vector<16xf32>
    %add3A_1025 = arith.constant 5 : i32
    %add3A_1026 = vector.broadcast %add3A_1025 : i32 to vector<16xi32>
    %add3A_1027 = arith.addi %mul3A_17, %add3A_1026 : vector<16xi32>
    %gather3A_1028 = tpu.vector_load_idx %arg18[%add3A_1027] : memref<512xf32, #tpu.memory_space<vmem>>[vector<16xi32>], vector<16xf32>,
    %add3A_1029 = arith.addf %add3A_1024, %gather3A_1028 : vector<16xf32>
    %add3A_1030 = arith.constant 6 : i32
    %add3A_1031 = vector.broadcast %add3A_1030 : i32 to vector<16xi32>
    %add3A_1032 = arith.addi %mul3A_17, %add3A_1031 : vector<16xi32>
    %gather3A_1033 = tpu.vector_load_idx %arg18[%add3A_1032] : memref<512xf32, #tpu.memory_space<vmem>>[vector<16xi32>], vector<16xf32>,
    %add3A_1034 = arith.addf %add3A_1029, %gather3A_1033 : vector<16xf32>
    %add3A_1035 = arith.constant 7 : i32
    %add3A_1036 = vector.broadcast %add3A_1035 : i32 to vector<16xi32>
    %add3A_1037 = arith.addi %mul3A_17, %add3A_1036 : vector<16xi32>
    %gather3A_1038 = tpu.vector_load_idx %arg18[%add3A_1037] : memref<512xf32, #tpu.memory_space<vmem>>[vector<16xi32>], vector<16xf32>,
    %add3A_1039 = arith.addf %add3A_1034, %gather3A_1038 : vector<16xf32>
    %add3A_1040 = arith.constant 8 : i32
    %add3A_1041 = vector.broadcast %add3A_1040 : i32 to vector<16xi32>
    %add3A_1042 = arith.addi %mul3A_17, %add3A_1041 : vector<16xi32>
    %gather3A_1043 = tpu.vector_load_idx %arg18[%add3A_1042] : memref<512xf32, #tpu.memory_space<vmem>>[vector<16xi32>], vector<16xf32>,
    %add3A_1044 = arith.addf %add3A_1039, %gather3A_1043 : vector<16xf32>
    %add3A_1045 = arith.constant 9 : i32
    %add3A_1046 = vector.broadcast %add3A_1045 : i32 to vector<16xi32>
    %add3A_1047 = arith.addi %mul3A_17, %add3A_1046 : vector<16xi32>
    %gather3A_1048 = tpu.vector_load_idx %arg18[%add3A_1047] : memref<512xf32, #tpu.memory_space<vmem>>[vector<16xi32>], vector<16xf32>,
    %add3A_1049 = arith.addf %add3A_1044, %gather3A_1048 : vector<16xf32>
    %add3A_1050 = arith.constant 10 : i32
    %add3A_1051 = vector.broadcast %add3A_1050 : i32 to vector<16xi32>
    %add3A_1052 = arith.addi %mul3A_17, %add3A_1051 : vector<16xi32>
    %gather3A_1053 = tpu.vector_load_idx %arg18[%add3A_1052] : memref<512xf32, #tpu.memory_space<vmem>>[vector<16xi32>], vector<16xf32>,
    %add3A_1054 = arith.addf %add3A_1049, %gather3A_1053 : vector<16xf32>
    %add3A_1055 = arith.constant 11 : i32
    %add3A_1056 = vector.broadcast %add3A_1055 : i32 to vector<16xi32>
    %add3A_1057 = arith.addi %mul3A_17, %add3A_1056 : vector<16xi32>
    %gather3A_1058 = tpu.vector_load_idx %arg18[%add3A_1057] : memref<512xf32, #tpu.memory_space<vmem>>[vector<16xi32>], vector<16xf32>,
    %add3A_1059 = arith.addf %add3A_1054, %gather3A_1058 : vector<16xf32>
    %add3A_1060 = arith.constant 12 : i32
    %add3A_1061 = vector.broadcast %add3A_1060 : i32 to vector<16xi32>
    %add3A_1062 = arith.addi %mul3A_17, %add3A_1061 : vector<16xi32>
    %gather3A_1063 = tpu.vector_load_idx %arg18[%add3A_1062] : memref<512xf32, #tpu.memory_space<vmem>>[vector<16xi32>], vector<16xf32>,
    %add3A_1064 = arith.addf %add3A_1059, %gather3A_1063 : vector<16xf32>
    %add3A_1065 = arith.constant 13 : i32
    %add3A_1066 = vector.broadcast %add3A_1065 : i32 to vector<16xi32>
    %add3A_1067 = arith.addi %mul3A_17, %add3A_1066 : vector<16xi32>
    %gather3A_1068 = tpu.vector_load_idx %arg18[%add3A_1067] : memref<512xf32, #tpu.memory_space<vmem>>[vector<16xi32>], vector<16xf32>,
    %add3A_1069 = arith.addf %add3A_1064, %gather3A_1068 : vector<16xf32>
    %add3A_1070 = arith.constant 14 : i32
    %add3A_1071 = vector.broadcast %add3A_1070 : i32 to vector<16xi32>
    %add3A_1072 = arith.addi %mul3A_17, %add3A_1071 : vector<16xi32>
    %gather3A_1073 = tpu.vector_load_idx %arg18[%add3A_1072] : memref<512xf32, #tpu.memory_space<vmem>>[vector<16xi32>], vector<16xf32>,
    %add3A_1074 = arith.addf %add3A_1069, %gather3A_1073 : vector<16xf32>
    %add3A_1075 = arith.constant 15 : i32
    %add3A_1076 = vector.broadcast %add3A_1075 : i32 to vector<16xi32>
    %add3A_1077 = arith.addi %mul3A_17, %add3A_1076 : vector<16xi32>
    %gather3A_1078 = tpu.vector_load_idx %arg18[%add3A_1077] : memref<512xf32, #tpu.memory_space<vmem>>[vector<16xi32>], vector<16xf32>,
    %add3A_1079 = arith.addf %add3A_1074, %gather3A_1078 : vector<16xf32>
    %swap3A_1080 = arith.constant 192 : index
    %swap3A_1081 = tpu.vector_load %arg19[%swap3A_1080] {strides = array<i32>} : memref<224xf32, #tpu.memory_space<vmem>>, vector<16xf32>,
    tpu.vector_store %arg19[%swap3A_1080], %add3A_1079 {strides = array<i32>} : memref<224xf32, #tpu.memory_space<vmem>>, vector<16xf32>,
    %add3A_1082 = arith.constant 256 : i32
    %add3A_1083 = vector.broadcast %add3A_1082 : i32 to vector<16xi32>
    %add3A_1084 = arith.addi %mul3A_17, %add3A_1083 : vector<16xi32>
    %gather3A_1085 = tpu.vector_load_idx %arg18[%add3A_1084] : memref<512xf32, #tpu.memory_space<vmem>>[vector<16xi32>], vector<16xf32>,
    %add3A_1086 = arith.addf %broadcast_in_dim3A_1, %gather3A_1085 : vector<16xf32>
    %add3A_1087 = arith.constant 257 : i32
    %add3A_1088 = vector.broadcast %add3A_1087 : i32 to vector<16xi32>
    %add3A_1089 = arith.addi %mul3A_17, %add3A_1088 : vector<16xi32>
    %gather3A_1090 = tpu.vector_load_idx %arg18[%add3A_1089] : memref<512xf32, #tpu.memory_space<vmem>>[vector<16xi32>], vector<16xf32>,
    %add3A_1091 = arith.addf %add3A_1086, %gather3A_1090 : vector<16xf32>
    %add3A_1092 = arith.constant 258 : i32
    %add3A_1093 = vector.broadcast %add3A_1092 : i32 to vector<16xi32>
    %add3A_1094 = arith.addi %mul3A_17, %add3A_1093 : vector<16xi32>
    %gather3A_1095 = tpu.vector_load_idx %arg18[%add3A_1094] : memref<512xf32, #tpu.memory_space<vmem>>[vector<16xi32>], vector<16xf32>,
    %add3A_1096 = arith.addf %add3A_1091, %gather3A_1095 : vector<16xf32>
    %add3A_1097 = arith.constant 259 : i32
    %add3A_1098 = vector.broadcast %add3A_1097 : i32 to vector<16xi32>
    %add3A_1099 = arith.addi %mul3A_17, %add3A_1098 : vector<16xi32>
    %gather3A_1100 = tpu.vector_load_idx %arg18[%add3A_1099] : memref<512xf32, #tpu.memory_space<vmem>>[vector<16xi32>], vector<16xf32>,
    %add3A_1101 = arith.addf %add3A_1096, %gather3A_1100 : vector<16xf32>
    %add3A_1102 = arith.constant 260 : i32
    %add3A_1103 = vector.broadcast %add3A_1102 : i32 to vector<16xi32>
    %add3A_1104 = arith.addi %mul3A_17, %add3A_1103 : vector<16xi32>
    %gather3A_1105 = tpu.vector_load_idx %arg18[%add3A_1104] : memref<512xf32, #tpu.memory_space<vmem>>[vector<16xi32>], vector<16xf32>,
    %add3A_1106 = arith.addf %add3A_1101, %gather3A_1105 : vector<16xf32>
    %add3A_1107 = arith.constant 261 : i32
    %add3A_1108 = vector.broadcast %add3A_1107 : i32 to vector<16xi32>
    %add3A_1109 = arith.addi %mul3A_17, %add3A_1108 : vector<16xi32>
    %gather3A_1110 = tpu.vector_load_idx %arg18[%add3A_1109] : memref<512xf32, #tpu.memory_space<vmem>>[vector<16xi32>], vector<16xf32>,
    %add3A_1111 = arith.addf %add3A_1106, %gather3A_1110 : vector<16xf32>
    %add3A_1112 = arith.constant 262 : i32
    %add3A_1113 = vector.broadcast %add3A_1112 : i32 to vector<16xi32>
    %add3A_1114 = arith.addi %mul3A_17, %add3A_1113 : vector<16xi32>
    %gather3A_1115 = tpu.vector_load_idx %arg18[%add3A_1114] : memref<512xf32, #tpu.memory_space<vmem>>[vector<16xi32>], vector<16xf32>,
    %add3A_1116 = arith.addf %add3A_1111, %gather3A_1115 : vector<16xf32>
    %add3A_1117 = arith.constant 263 : i32
    %add3A_1118 = vector.broadcast %add3A_1117 : i32 to vector<16xi32>
    %add3A_1119 = arith.addi %mul3A_17, %add3A_1118 : vector<16xi32>
    %gather3A_1120 = tpu.vector_load_idx %arg18[%add3A_1119] : memref<512xf32, #tpu.memory_space<vmem>>[vector<16xi32>], vector<16xf32>,
    %add3A_1121 = arith.addf %add3A_1116, %gather3A_1120 : vector<16xf32>
    %add3A_1122 = arith.constant 264 : i32
    %add3A_1123 = vector.broadcast %add3A_1122 : i32 to vector<16xi32>
    %add3A_1124 = arith.addi %mul3A_17, %add3A_1123 : vector<16xi32>
    %gather3A_1125 = tpu.vector_load_idx %arg18[%add3A_1124] : memref<512xf32, #tpu.memory_space<vmem>>[vector<16xi32>], vector<16xf32>,
    %add3A_1126 = arith.addf %add3A_1121, %gather3A_1125 : vector<16xf32>
    %add3A_1127 = arith.constant 265 : i32
    %add3A_1128 = vector.broadcast %add3A_1127 : i32 to vector<16xi32>
    %add3A_1129 = arith.addi %mul3A_17, %add3A_1128 : vector<16xi32>
    %gather3A_1130 = tpu.vector_load_idx %arg18[%add3A_1129] : memref<512xf32, #tpu.memory_space<vmem>>[vector<16xi32>], vector<16xf32>,
    %add3A_1131 = arith.addf %add3A_1126, %gather3A_1130 : vector<16xf32>
    %add3A_1132 = arith.constant 266 : i32
    %add3A_1133 = vector.broadcast %add3A_1132 : i32 to vector<16xi32>
    %add3A_1134 = arith.addi %mul3A_17, %add3A_1133 : vector<16xi32>
    %gather3A_1135 = tpu.vector_load_idx %arg18[%add3A_1134] : memref<512xf32, #tpu.memory_space<vmem>>[vector<16xi32>], vector<16xf32>,
    %add3A_1136 = arith.addf %add3A_1131, %gather3A_1135 : vector<16xf32>
    %add3A_1137 = arith.constant 267 : i32
    %add3A_1138 = vector.broadcast %add3A_1137 : i32 to vector<16xi32>
    %add3A_1139 = arith.addi %mul3A_17, %add3A_1138 : vector<16xi32>
    %gather3A_1140 = tpu.vector_load_idx %arg18[%add3A_1139] : memref<512xf32, #tpu.memory_space<vmem>>[vector<16xi32>], vector<16xf32>,
    %add3A_1141 = arith.addf %add3A_1136, %gather3A_1140 : vector<16xf32>
    %add3A_1142 = arith.constant 268 : i32
    %add3A_1143 = vector.broadcast %add3A_1142 : i32 to vector<16xi32>
    %add3A_1144 = arith.addi %mul3A_17, %add3A_1143 : vector<16xi32>
    %gather3A_1145 = tpu.vector_load_idx %arg18[%add3A_1144] : memref<512xf32, #tpu.memory_space<vmem>>[vector<16xi32>], vector<16xf32>,
    %add3A_1146 = arith.addf %add3A_1141, %gather3A_1145 : vector<16xf32>
    %add3A_1147 = arith.constant 269 : i32
    %add3A_1148 = vector.broadcast %add3A_1147 : i32 to vector<16xi32>
    %add3A_1149 = arith.addi %mul3A_17, %add3A_1148 : vector<16xi32>
    %gather3A_1150 = tpu.vector_load_idx %arg18[%add3A_1149] : memref<512xf32, #tpu.memory_space<vmem>>[vector<16xi32>], vector<16xf32>,
    %add3A_1151 = arith.addf %add3A_1146, %gather3A_1150 : vector<16xf32>
    %add3A_1152 = arith.constant 270 : i32
    %add3A_1153 = vector.broadcast %add3A_1152 : i32 to vector<16xi32>
    %add3A_1154 = arith.addi %mul3A_17, %add3A_1153 : vector<16xi32>
    %gather3A_1155 = tpu.vector_load_idx %arg18[%add3A_1154] : memref<512xf32, #tpu.memory_space<vmem>>[vector<16xi32>], vector<16xf32>,
    %add3A_1156 = arith.addf %add3A_1151, %gather3A_1155 : vector<16xf32>
    %add3A_1157 = arith.constant 271 : i32
    %add3A_1158 = vector.broadcast %add3A_1157 : i32 to vector<16xi32>
    %add3A_1159 = arith.addi %mul3A_17, %add3A_1158 : vector<16xi32>
    %gather3A_1160 = tpu.vector_load_idx %arg18[%add3A_1159] : memref<512xf32, #tpu.memory_space<vmem>>[vector<16xi32>], vector<16xf32>,
    %add3A_1161 = arith.addf %add3A_1156, %gather3A_1160 : vector<16xf32>
    %swap3A_1162 = arith.constant 208 : index
    %swap3A_1163 = tpu.vector_load %arg19[%swap3A_1162] {strides = array<i32>} : memref<224xf32, #tpu.memory_space<vmem>>, vector<16xf32>,
    tpu.vector_store %arg19[%swap3A_1162], %add3A_1161 {strides = array<i32>} : memref<224xf32, #tpu.memory_space<vmem>>, vector<16xf32>,
    "tpu.region"() ({
      %run_scoped3A = tpu.sem_alloc : memref<!tpu.dma_semaphore, #tpu.memory_space<semaphore_mem>>
      %dma_start3A = arith.constant 0 : i32
      %dma_start3A_1164 = tpu.memref_slice %arg5[%add3A, %dma_start3A] : memref<32x224xf32, #tpu.memory_space<hbm>> -> memref<1x224xf32, #tpu.memory_space<hbm>>
      %dma_start3A_1165 = tpu.memref_squeeze %dma_start3A_1164 : memref<1x224xf32, #tpu.memory_space<hbm>> -> memref<224xf32, #tpu.memory_space<hbm>>
      %dma_start3A_1166 = arith.constant 0 : i32
      %dma_start3A_1167 = tpu.memref_slice %arg5[%add3A, %dma_start3A_1166] : memref<32x224xf32, #tpu.memory_space<hbm>> -> memref<1x224xf32, #tpu.memory_space<hbm>>
      %dma_start3A_1168 = tpu.memref_squeeze %dma_start3A_1167 : memref<1x224xf32, #tpu.memory_space<hbm>> -> memref<224xf32, #tpu.memory_space<hbm>>
      tpu.enqueue_dma source(%arg19 : memref<224xf32, #tpu.memory_space<vmem>>) target(%dma_start3A_1168 : memref<224xf32, #tpu.memory_space<hbm>>) target_semaphore(%run_scoped3A : memref<!tpu.dma_semaphore, #tpu.memory_space<semaphore_mem>>)
      %dma_wait3A = arith.constant 0 : i32
      %dma_wait3A_1169 = tpu.memref_slice %arg5[%add3A, %dma_wait3A] : memref<32x224xf32, #tpu.memory_space<hbm>> -> memref<1x224xf32, #tpu.memory_space<hbm>>
      %dma_wait3A_1170 = tpu.memref_squeeze %dma_wait3A_1169 : memref<1x224xf32, #tpu.memory_space<hbm>> -> memref<224xf32, #tpu.memory_space<hbm>>
      %dma_wait3A_1171 = arith.constant 0 : i32
      %dma_wait3A_1172 = tpu.memref_slice %arg5[%add3A, %dma_wait3A_1171] : memref<32x224xf32, #tpu.memory_space<hbm>> -> memref<1x224xf32, #tpu.memory_space<hbm>>
      %dma_wait3A_1173 = tpu.memref_squeeze %dma_wait3A_1172 : memref<1x224xf32, #tpu.memory_space<hbm>> -> memref<224xf32, #tpu.memory_space<hbm>>
      tpu.wait_dma2 semaphore(%run_scoped3A : memref<!tpu.dma_semaphore, #tpu.memory_space<semaphore_mem>>) src(%arg19 : memref<224xf32, #tpu.memory_space<vmem>>) dst(%dma_wait3A_1173 : memref<224xf32, #tpu.memory_space<hbm>>)
      tpu.yield
    }) : () -> ()
    return
  }
}

module attributes {stable_mosaic.version = 14 : i64} {
  func.func @_epi_body(%arg0: memref<32x7x32xf32, #tpu.memory_space<vmem>>, %arg1: memref<6x32xf32, #tpu.memory_space<vmem>>) attributes {dimension_semantics = [], scalar_prefetch = 0 : i64, scratch_operands = 0 : i64, tpu.core_type = #tpu.core_type<tc>} {
    %get3A = arith.constant 0 : index
    %get3A_0 = arith.constant 0 : index
    %get3A_1 = arith.constant 0 : index
    %get3A_2 = vector.load %arg0[%get3A, %get3A_0, %get3A_1] : memref<32x7x32xf32, #tpu.memory_space<vmem>>, vector<32x7x32xf32>
    %reduce_sum3A = arith.constant dense<0.000000e+00> : vector<7x32xf32>
    %reduce_sum3A_3 = vector.multi_reduction <add>, %get3A_2, %reduce_sum3A [0] : vector<32x7x32xf32> to vector<7x32xf32>
    %slice3A = vector.extract_strided_slice %reduce_sum3A_3 {offsets = [0, 0], sizes = [1, 32], strides = [1, 1]} : vector<7x32xf32> to vector<1x32xf32>
    %slice3A_4 = vector.extract_strided_slice %reduce_sum3A_3 {offsets = [1, 0], sizes = [1, 32], strides = [1, 1]} : vector<7x32xf32> to vector<1x32xf32>
    %div3A = arith.divf %slice3A_4, %slice3A : vector<1x32xf32>
    %slice3A_5 = vector.extract_strided_slice %reduce_sum3A_3 {offsets = [2, 0], sizes = [1, 32], strides = [1, 1]} : vector<7x32xf32> to vector<1x32xf32>
    %div3A_6 = arith.divf %slice3A_5, %slice3A : vector<1x32xf32>
    %slice3A_7 = vector.extract_strided_slice %reduce_sum3A_3 {offsets = [3, 0], sizes = [1, 32], strides = [1, 1]} : vector<7x32xf32> to vector<1x32xf32>
    %div3A_8 = arith.divf %slice3A_7, %slice3A : vector<1x32xf32>
    %slice3A_9 = vector.extract_strided_slice %reduce_sum3A_3 {offsets = [4, 0], sizes = [1, 32], strides = [1, 1]} : vector<7x32xf32> to vector<1x32xf32>
    %div3A_10 = arith.divf %slice3A_9, %slice3A : vector<1x32xf32>
    %slice3A_11 = vector.extract_strided_slice %reduce_sum3A_3 {offsets = [5, 0], sizes = [1, 32], strides = [1, 1]} : vector<7x32xf32> to vector<1x32xf32>
    %div3A_12 = arith.divf %slice3A_11, %slice3A : vector<1x32xf32>
    %slice3A_13 = vector.extract_strided_slice %reduce_sum3A_3 {offsets = [6, 0], sizes = [1, 32], strides = [1, 1]} : vector<7x32xf32> to vector<1x32xf32>
    %div3A_14 = arith.divf %slice3A_13, %slice3A : vector<1x32xf32>
    %mul3A = arith.mulf %div3A_8, %div3A_8 : vector<1x32xf32>
    %sub3A = arith.subf %div3A_10, %mul3A : vector<1x32xf32>
    %sqrt3A = math.sqrt %sub3A : vector<1x32xf32>
    %mul3A_15 = arith.mulf %div3A, %div3A : vector<1x32xf32>
    %sub3A_16 = arith.subf %div3A_6, %mul3A_15 : vector<1x32xf32>
    %sqrt3A_17 = math.sqrt %sub3A_16 : vector<1x32xf32>
    %mul3A_18 = arith.mulf %div3A_12, %div3A_12 : vector<1x32xf32>
    %sub3A_19 = arith.subf %div3A_14, %mul3A_18 : vector<1x32xf32>
    %sqrt3A_20 = math.sqrt %sub3A_19 : vector<1x32xf32>
    %concatenate3A = tpu.concatenate %div3A_8, %sqrt3A, %div3A, %sqrt3A_17, %div3A_12, %sqrt3A_20 in 0 : vector<1x32xf32>, vector<1x32xf32>, vector<1x32xf32>, vector<1x32xf32>, vector<1x32xf32>, vector<1x32xf32> -> vector<6x32xf32>
    %swap3A = arith.constant 0 : index
    %swap3A_21 = arith.constant 0 : index
    %swap3A_22 = vector.load %arg1[%swap3A, %swap3A_21] : memref<6x32xf32, #tpu.memory_space<vmem>>, vector<6x32xf32>
    tpu.vector_store %arg1[%swap3A, %swap3A_21], %concatenate3A {strides = array<i32>} : memref<6x32xf32, #tpu.memory_space<vmem>>, vector<6x32xf32>,
    return
  }
}

</mosaic_0001>

<sc_bundles>
// kernel: kernel.4.cloned.1.call-start
scs
__scs_entry_jumppad:
0x0: {  	(pc) =	sbr.rel $0x88, $3  }
0x1: {  	(tag) =	ssettag $0x0;
	lr =	simm.s32 $0x1  }
0x2: {  	[smem:$0x3F9E] =	sst lr;
	_ =	strace $0xD0000000  }
0x3: {  	_ = 	snop  }
0x4: {  	_ = 	snop  }
0x5: {  	_ = 	snop  }
0x6: {  	_ = 	snop  }
0x7: {  	_ = 	snop  }
__scs_overlays_trampoline_lowered:
0x8: {  	[smem:$0x3FAD] =	sst s0  }
0x9: {  	[smem:$0x3FAE] =	sst s1  }
0xa: {  	[smem:$0x3FAF] =	sst s2  }
0xb: {  	[smem:$0x3FB0] =	sst s3  }
0xc: {  	[smem:$0x3FB1] =	sst s4  }
0xd: {  	[smem:$0x3FB2] =	sst s5  }
0xe: {  	[smem:$0x3FB3] =	sst s6  }
0xf: {  	[smem:$0x3FB4] =	sst s7  }
0x10: {  	[smem:$0x3FB5] =	sst s8  }
0x11: {  	[smem:$0x3FB6] =	sst s9;
	s0 =	simm.s32 @!p0 $0x0  }
0x12: {  	s1 =	sld [smem:$0x3F9C];
	s0 =	simm.s32 @p0 $0x1  }
0x13: {  	[smem:$0x3FB7] =	sst s0;
	s0 =	simm.s32 @!p1 $0x0  }
0x14: {  	s2 =	sld [smem:$0x3F9B];
	s0 =	simm.s32 @p1 $0x1  }
0x15: {  	[smem:$0x3FB8] =	sst s0;
	s0 =	simm.s32 @!p2 $0x0  }
0x16: {  	s3 =	sld [smem:$0x3FDB];
	s0 =	simm.s32 @p2 $0x1  }
0x17: {  	s4 =	simm.s32 $0x1BF5;
	[smem:$0x3FBA] =	sst s0  }
0x18: {  	s0 =	sld [smem:$0x3F9D];
	_ =	swait.ge [sflag:s4], $0x0  }
0x19: {  	s7 =	sld [smem:$0x3F9E]  }
0x1a: {  	s8 =	sadd.s32 $0xFFFFE003, lr  }
0x1b: {  	s9 =	sadd.s32 $0xFFFFFEF7, lr;
	s5 =	simm.s32 $0xFFFFFFFF;
	p2 =	slt.u32 s8, $0xFFFFF086  }
0x1c: {  	p1 =	slt.u32 s9, $0xF7A;
	s5 =	simm.s32 @!p2 $0x0  }
0x1d: {  	s5 =	simm.s32 @p1 $0x1;
	p0 =	seq.s32 s7, s2  }
0x1e: {  	s7 =	smul.u32 @!p0 $0xF7A, s2;
	p2 =	seq.s32 @!p0 s5, $0x0  }
0x1f: {  	s9 =	smul.u32 $0xF7A, s1;
	s8 =	simm.s32 @!p0 $0x1BF5;
	p2 =	por !p2, p0  }
0x20: {  	[sflag:s8] =	ssyncset.s32 @!p0 $0xFFFFF086;
	s6 =	sadd.s32 @!p0 s3, s7;
	s7 =	simm.s32 @!p0 $0x108  }
0x21: {  	s3 =	sadd.s32 s3, s9;
	s6 =	sadd.s32 @!p0 $0x88, s6;
	s7 =	simm.s32 @p2 $0x1082  }
0x22: {  	[simem:s7], [sflag:s8] =	dma.local @!p0 [hbm:s6], $0xF7A  }
0x23: {  	s9 =	sor.u32 $0xD0000000, s2;
	s6 =	simm.s32 $0x108;
	_ =	swait.ge @!p0 [sflag:s8], $0x0  }
0x24: {  	s3 =	sadd.s32 $0x88, s3;
	s6 =	simm.s32 @!p1 $0x1082;
	[sflag:s4] =	ssyncset.s32 $0xFFFFF086  }
0x25: {  	[simem:s6], [sflag:s4] =	dma.local [hbm:s3], $0xF7A  }
0x26: {  	[smem:$0x3F9E] =	sst s1;
	(tag) =	ssettag s2;
	_ =	strace s9  }
0x27: {  	s1 =	sld [smem:$0x3FAE]  }
0x28: {  	s2 =	sld [smem:$0x3FAF]  }
0x29: {  	s4 =	sld [smem:$0x3FB1]  }
0x2a: {  	p0 =	seq.s32 s5, $0x0;
	s5 =	sld [smem:$0x3FB2]  }
0x2b: {  	s6 =	sld [smem:$0x3FB3]  }
0x2c: {  	s7 =	sld [smem:$0x3FB4]  }
0x2d: {  	s3 =	simm.s32 $0x108;
	s8 =	sld [smem:$0x3FB5]  }
0x2e: {  	s3 =	simm.s32 @!p0 $0x1082;
	s9 =	sld [smem:$0x3FB6]  }
0x2f: {  	lr =	sadd.s32 s0, s3;
	s0 =	sld [smem:$0x3FAD]  }
0x30: {  	s3 =	sld [smem:$0x3FB0]  }
0x31: {  	[smem:$0x3FB9] =	sst s10  }
0x32: {  	s10 =	sld [smem:$0x3FB7];
	_ =	sdelay $0x3  }
0x33: {  	p0 =	seq.s32 s10, $0x1;
	s10 =	sld [smem:$0x3FB9];
	_ =	sdelay $0x3  }
0x34: {  	[smem:$0x3FB9] =	sst s10  }
0x35: {  	s10 =	sld [smem:$0x3FB8];
	_ =	sdelay $0x3  }
0x36: {  	p1 =	seq.s32 s10, $0x1;
	s10 =	sld [smem:$0x3FB9];
	_ =	sdelay $0x3  }
0x37: {  	[smem:$0x3FB9] =	sst s10  }
0x38: {  	s10 =	sld [smem:$0x3FBA]  }
0x39: {  	_ = 	snop;
	(pc) =	sbr.ind lr, $3  }
0x3a: {  	_ = 	snop  }
0x3b: {  	_ = 	snop  }
0x3c: {  	p2 =	seq.s32 s10, $0x1;
	s10 =	sld [smem:$0x3FB9]  }
0x3d: {  	_ =	shalt  }
0x3e: {  	_ =	shalt  }
0x3f: {  	_ =	shalt  }
0x40: {  	_ =	shalt  }
0x41: {  	_ =	shalt  }
0x42: {  	_ =	shalt  }
0x43: {  	_ =	shalt  }
0x44: {  	_ =	shalt  }
0x45: {  	_ =	shalt  }
0x46: {  	_ =	shalt  }
0x47: {  	_ =	shalt  }
0x48: {  	_ =	shalt  }
0x49: {  	_ =	shalt  }
0x4a: {  	_ =	shalt  }
0x4b: {  	_ =	shalt  }
0x4c: {  	_ =	shalt  }
0x4d: {  	_ =	shalt  }
0x4e: {  	_ =	shalt  }
0x4f: {  	_ =	shalt  }
0x50: {  	_ =	shalt  }
0x51: {  	_ =	shalt  }
0x52: {  	_ =	shalt  }
0x53: {  	_ =	shalt  }
0x54: {  	_ =	shalt  }
0x55: {  	_ =	shalt  }
0x56: {  	_ =	shalt  }
0x57: {  	_ =	shalt  }
0x58: {  	_ =	shalt  }
0x59: {  	_ =	shalt  }
0x5a: {  	_ =	shalt  }
0x5b: {  	_ =	shalt  }
0x5c: {  	_ =	shalt  }
0x5d: {  	_ =	shalt  }
0x5e: {  	_ =	shalt  }
0x5f: {  	_ =	shalt  }
0x60: {  	_ =	shalt  }
0x61: {  	_ =	shalt  }
0x62: {  	_ =	shalt  }
0x63: {  	_ =	shalt  }
0x64: {  	_ =	shalt  }
0x65: {  	_ =	shalt  }
0x66: {  	_ =	shalt  }
0x67: {  	_ =	shalt  }
0x68: {  	_ =	shalt  }
0x69: {  	_ =	shalt  }
0x6a: {  	_ =	shalt  }
0x6b: {  	_ =	shalt  }
0x6c: {  	_ =	shalt  }
0x6d: {  	_ =	shalt  }
0x6e: {  	_ =	shalt  }
0x6f: {  	_ =	shalt  }
0x70: {  	_ =	shalt  }
0x71: {  	_ =	shalt  }
0x72: {  	_ =	shalt  }
0x73: {  	_ =	shalt  }
0x74: {  	_ =	shalt  }
0x75: {  	_ =	shalt  }
0x76: {  	_ =	shalt  }
0x77: {  	_ =	shalt  }
0x78: {  	_ =	shalt  }
0x79: {  	_ =	shalt  }
0x7a: {  	_ =	shalt  }
0x7b: {  	_ =	shalt  }
0x7c: {  	_ =	shalt  }
0x7d: {  	_ =	shalt  }
0x7e: {  	_ =	shalt  }
0x7f: {  	_ =	shalt  }
0x80: {  	_ =	shalt  }
0x81: {  	_ =	shalt  }
0x82: {  	_ =	shalt  }
0x83: {  	_ =	shalt  }
0x84: {  	_ =	shalt  }
0x85: {  	_ =	shalt  }
0x86: {  	_ =	shalt  }
0x87: {  	_ =	shalt  }
.Lfunc_end0:
.L_simem_size_0:
called_computation_lowered:
.L_overlay_start_0:
0x88: {  	s2 =	sld [smem:$0x3FD9]  }
0x89: {  	s3 =	sld [smem:$0x3FFE];
	_ =	sdelay $0x1  }
0x8a: {  	s1 =	srdreg.scid  }
0x8b: {  	s0 =	sand.u32 $0x1, s1  }
0x8c: {  	s17 =	sshll.u32 s0, $0xA;
	s2 =	sadd.s32 s3, s2  }
0x8d: {  	s2 =	sadd.s32 s2, s17  }
0x8e: {  	[smem:$0x3FC5] =	sst s2  }
0x8f: {  	_ = 	snop  }
0x90: {  	s2 =	sld [smem:$0x3FC7];
	(tm) =	ssettm $0x1  }
0x91: {  	s18 =	sld [smem:$0x3FFB];
	_ =	sdelay $0x3  }
0x92: {  	_ =	strace s18  }
0x93: {  	s3 =	sld [smem:$0x3FFC];
	_ =	sdelay $0x3  }
0x94: {  	_ =	strace s3  }
0x95: {  	s3 =	sld [smem:$0x3FFD];
	_ =	sdelay $0x3  }
0x96: {  	_ =	strace s3  }
0x97: {  	_ =	strace $0x8FFFFFFF  }
0x98: {  	s19 =	sld [smem:$0x3FDB];
	_ =	sdelay $0x1  }
0x99: {  	s4 =	simm.s32 $_scs_section_size  }
0x9a: {  	s5 =	simm.s32 $_size__tile_overlayer_lowered;
	s6 =	simm.s32 $_tile_overlayer_lowered  }
0x9b: {  	s22 =	simm.s32 $0x1BFF;
	s21 =	sshll.u32 s6, $0x1;
	s3 =	sadd.s32 s4, s19  }
0x9c: {  	s7 =	simm.s32 $0x0;
	s20 =	sshll.u32 s5, $0x1;
	s5 =	sadd.s32 s21, s3  }
0x9d: {  	[timem:s7], [sflag:s22] =	dma.local [hbm:s5], s20  }
0x9e: {  	_ =	swait.ge [sflag:s22], s20  }
0x9f: {  	s4 =	ssub.s32 $0x0, s20;
	[sflag:s22] =	ssyncset.done $0x0  }
0xa0: {  	[sflag:s22] =	ssyncadd.s32 s4;
	_ =	sdelay $0x1  }
0xa1: {  	s23 =	simm.s32 $0x1B8B  }
0xa2: {  	_ =	swait.ge [sflag:s23], $0x1  }
0xa3: {  	[sflag:s23] =	ssyncset.done $0x0  }
0xa4: {  	s25 =	simm.s32 $0x1B8E;
	s24 =	sld [smem:$0x3FFE];
	[sflag:s23] =	ssyncadd.s32 $0xFFFFFFFF  }
0xa5: {  	s26 =	simm.s32 $execute0_lowered;
	[smem:$0x3FD2] =	sst s25  }
0xa6: {  	s5 =	sshll.u32 s26, $0x1;
	_ =	strace $0x80000046;
	[dreg:$0x1] =	wrdreg $0xFFFFFFFF  }
0xa7: {  	s28 =	simm.s32 $_size_execute0_lowered;
	s3 =	sadd.s32 s3, s5;
	[dreg:$0x0] =	wrdreg $0x0  }
0xa8: {  	s5 =	sshll.u32 s28, $0x1;
	[dreg:$0x2] =	wrdreg s3  }
0xa9: {  	[dreg:$0x3] =	wrdreg s5  }
0xaa: {  	[dreg:$0x4] =	wrdreg $0xC0  }
0xab: {  	_ =	task [dreg:s7], $0x5FFFF  }
0xac: {  	[dreg:$0x1] =	wrdreg $0xFFFFFFFF  }
0xad: {  	[dreg:$0x0] =	wrdreg $0x60  }
0xae: {  	[dreg:$0x2] =	wrdreg s24  }
0xaf: {  	[dreg:$0x3] =	wrdreg s2  }
0xb0: {  	[dreg:$0x4] =	wrdreg $0x9  }
0xb1: {  	_ =	task.clear_ibuf [dreg:s7], $0x5FFFF;
	_ =	strace $0x90000046  }
0xb2: {  	s29 =	simm.s32 $0x9;
	_ =	strace $0x80000048  }
0xb3: {  	_ =	swait.ge [sflag:s29], $0x1  }
0xb4: {  	[sflag:s29] =	ssyncadd.s32 $0xFFFFFFFF  }
0xb5: {  	_ =	strace $0x90000048  }
0xb6: {  	_ =	sfence  }
0xb7: {  	s30 =	sld [smem:$0x0];
	_ =	sdelay $0x2  }
0xb8: {  	s31 =	sshll.u32 s1, $0xD;
	s1 =	sshrl.u32 s1, $0x2  }
0xb9: {  	s3 =	sand.u32 $0x4000, s31;
	s1 =	sadd.s32 s1, s30  }
0xba: {  	s0 =	sor.u32 s3, s0;
	s1 =	sshll.u32 s1, $0x11  }
0xbb: {  	s0 =	sor.u32 s1, s0  }
0xbc: {  	s0 =	sadd.s32 $0x8F2B, s0  }
0xbd: {  	[sflag:s0] =	ssyncadd.remote.s32 $0x1  }
0xbe: {  	_ =	sfence.sel $0xFFFF  }
0xbf: {  	[dreg:$0x0] =	wrdreg $0xFFFFFFFF;
	(pc) =	sbr.abs _section_cstart, $3  }
0xc0: {  	[dreg:$0x1] =	wrdreg $0xFFFFFFFF  }
0xc1: {  	_ =	task.clear_ibuf [dreg:s7], $0x2FFFF;
	_ =	strace $0x9FFFFFFF  }
0xc2: {  	(tm) =	ssettm $0x7FFFFFFF  }
0xc3: {  	_ =	shalt  }
tec
execute0_lowered:
.L_overlay_start_1:
0x0: {  	(tag) =	ssettag $0x1  }
0x1: {  	s0 =	rddreg [dreg:$0x0]  }
0x2: {  	s1 =	rddreg [dreg:$0x1];
	s2 =	simm.s32 $0x0  }
0x3: {  	s3 =	stileid.u32;
	s25 =	srdreg.scid;
	s14 =	simm.s32 $0x1  }
0x4: {  	s15 =	simm.s32 $0x15E00;
	s16 =	simm.s32 $0x16000;
	s17 =	simm.s32 $0x16200  }
0x5: {  	s18 =	simm.s32 $0x16400;
	s19 =	simm.s32 $0x16600;
	s20 =	simm.s32 $0x16800  }
0x6: {  	[smem:$0x7FF] =	sst s2;
	s4 =	sadd.s32 $0x400, s0;
	s6 =	sshll.u32 s3, $0x6  }
0x7: {  	s2 =	sand.u32 $0x1, s25;
	s7 =	sshll.u32 s3, $0x1;
	s5 =	sadd.s32 $0x16E800, s0  }
0x8: {  	s3 =	smov.u32 s1;
	s8 =	sand.u32 $0x300, s6;
	s6 =	sor.u32 s2, s7  }
0x9: {  	_ =	strace $0x80000047;
	s2 =	ssub.s32 $0x2, s2;
	s7 =	smul.u32 $0x960, s6  }
0xa: {  	s0 =	sadd.s32 s8, s0;
	s26 =	sshrl.u32 s2, $0x1;
	s9 =	smul.u32 $0x320, s6  }
0xb: {  	s10 =	sshll.u32 s6, $0x4;
	s2 =	ssub.s32 s2, s26;
	s28 =	sadd.s32 s4, s7  }
.Ltmp0:
0xc: {  	s30 =	sadd.s32 s5, s7;
	[dreg:$0x3] =	wrdreg s28;
	(pc) =	sbr.rel .LBB2_1-.Ltmp0, $4  }
0xd: {  	s29 =	sand.u32 $0x70, s10;
	s1 =	sadd.s32 s1, s9;
	[dreg:$0x4] =	wrdreg s30  }
0xe: {  	s0 =	sadd.s32 s29, s0;
	s31 =	smax.u32 s2, $0x1;
	[dreg:$0x5] =	wrdreg s1  }
0xf: {  	s21 =	simm.s32 $0x16A00;
	s0 =	sadd.s32 $0x2DCC00, s0;
	[dreg:$0x7] =	wrdreg s31  }
0x10: {  	s22 =	simm.s32 $0x2;
	v0 =	vimm.f32 $0.0e+00;
	v1 =	vimm.s32 $0x0;
	v2 =	vlaneseq.u32;
	s2 =	simm.s32 $0x0;
	[dreg:$0x6] =	wrdreg s0  }
.LBB2_13:
0x11: {  	v3 =	vmul.u32 $0x10, v2;
	_ =	sdelay $0x2  }
0x12: {  	v4 =	vor.u32 $0x1, v3;
	_ =	sdelay $0x1  }
0x13: {  	v5 =	vor.u32 $0x2, v3  }
0x14: {  	v8 =	vld.idx.msk [tilespmem:v3+s15+$0x0], $0xffff  }
0x15: {  	v6 =	vor.u32 $0x3, v3  }
0x16: {  	v9 =	vld.idx.msk [tilespmem:v4+s15+$0x0], $0xffff  }
0x17: {  	v7 =	vor.u32 $0x4, v3  }
0x18: {  	v10 =	vld.idx.msk [tilespmem:v5+s15+$0x0], $0xffff  }
0x19: {  	v11 =	vadd.f32 $0.0e+00, v8;
	v8 =	vor.u32 $0x5, v3  }
0x1a: {  	v12 =	vld.idx.msk [tilespmem:v6+s15+$0x0], $0xffff  }
0x1b: {  	v11 =	vadd.f32 v9, v11;
	v9 =	vor.u32 $0x6, v3  }
0x1c: {  	v13 =	vld.idx.msk [tilespmem:v7+s15+$0x0], $0xffff  }
0x1d: {  	v11 =	vadd.f32 v10, v11;
	v10 =	vor.u32 $0x7, v3  }
0x1e: {  	v14 =	vld.idx.msk [tilespmem:v8+s15+$0x0], $0xffff  }
0x1f: {  	v12 =	vadd.f32 v12, v11;
	v11 =	vor.u32 $0x8, v3  }
0x20: {  	v15 =	vld.idx.msk [tilespmem:v9+s15+$0x0], $0xffff  }
0x21: {  	v13 =	vadd.f32 v13, v12;
	v12 =	vor.u32 $0x9, v3  }
0x22: {  	v16 =	vld.idx.msk [tilespmem:v10+s15+$0x0], $0xffff  }
0x23: {  	v14 =	vadd.f32 v14, v13;
	v13 =	vor.u32 $0xA, v3  }
0x24: {  	v17 =	vld.idx.msk [tilespmem:v11+s15+$0x0], $0xffff  }
0x25: {  	v15 =	vadd.f32 v15, v14;
	v14 =	vor.u32 $0xB, v3  }
0x26: {  	v18 =	vld.idx.msk [tilespmem:v12+s15+$0x0], $0xffff  }
0x27: {  	v16 =	vadd.f32 v16, v15;
	v15 =	vor.u32 $0xC, v3  }
0x28: {  	v19 =	vld.idx.msk [tilespmem:v13+s15+$0x0], $0xffff  }
0x29: {  	v17 =	vadd.f32 v17, v16;
	v16 =	vor.u32 $0xD, v3  }
0x2a: {  	v20 =	vld.idx.msk [tilespmem:v14+s15+$0x0], $0xffff  }
0x2b: {  	v18 =	vadd.f32 v18, v17;
	v17 =	vor.u32 $0xE, v3  }
0x2c: {  	v21 =	vld.idx.msk [tilespmem:v15+s15+$0x0], $0xffff  }
0x2d: {  	v19 =	vadd.f32 v19, v18;
	v18 =	vor.u32 $0xF, v3  }
0x2e: {  	v22 =	vld.idx.msk [tilespmem:v16+s15+$0x0], $0xffff  }
0x2f: {  	v19 =	vadd.f32 v20, v19  }
0x30: {  	v54 =	vld.idx.msk [tilespmem:v17+s15+$0x0], $0xffff  }
0x31: {  	v19 =	vadd.f32 v21, v19  }
0x32: {  	v55 =	vld.idx.msk [tilespmem:v18+s15+$0x0], $0xffff  }
0x33: {  	v19 =	vadd.f32 v22, v19;
	_ =	sdelay $0x1  }
0x34: {  	v20 =	vadd.f32 v54, v19;
	v19 =	vor.u32 $0x100, v3;
	_ =	sdelay $0x1  }
0x35: {  	v21 =	vadd.f32 v55, v20;
	v20 =	vor.u32 $0x101, v3;
	_ =	sdelay $0x1  }
0x36: {  	[tilespmem:$0x16C00] =	vst v21;
	v21 =	vor.u32 $0x102, v3  }
0x37: {  	v24 =	vld.idx.msk [tilespmem:v19+s15+$0x0], $0xffff  }
0x38: {  	v22 =	vor.u32 $0x103, v3  }
0x39: {  	v25 =	vld.idx.msk [tilespmem:v20+s15+$0x0], $0xffff  }
0x3a: {  	v23 =	vor.u32 $0x104, v3  }
0x3b: {  	v26 =	vld.idx.msk [tilespmem:v21+s15+$0x0], $0xffff  }
0x3c: {  	v27 =	vadd.f32 $0.0e+00, v24;
	v24 =	vor.u32 $0x105, v3  }
0x3d: {  	v28 =	vld.idx.msk [tilespmem:v22+s15+$0x0], $0xffff  }
0x3e: {  	v27 =	vadd.f32 v25, v27;
	v25 =	vor.u32 $0x106, v3  }
0x3f: {  	v29 =	vld.idx.msk [tilespmem:v23+s15+$0x0], $0xffff  }
0x40: {  	v27 =	vadd.f32 v26, v27;
	v26 =	vor.u32 $0x107, v3  }
0x41: {  	v30 =	vld.idx.msk [tilespmem:v24+s15+$0x0], $0xffff  }
0x42: {  	v28 =	vadd.f32 v28, v27;
	v27 =	vor.u32 $0x108, v3  }
0x43: {  	v31 =	vld.idx.msk [tilespmem:v25+s15+$0x0], $0xffff  }
0x44: {  	v29 =	vadd.f32 v29, v28;
	v28 =	vor.u32 $0x109, v3  }
0x45: {  	v32 =	vld.idx.msk [tilespmem:v26+s15+$0x0], $0xffff  }
0x46: {  	v30 =	vadd.f32 v30, v29;
	v29 =	vor.u32 $0x10A, v3  }
0x47: {  	v33 =	vld.idx.msk [tilespmem:v27+s15+$0x0], $0xffff  }
0x48: {  	v31 =	vadd.f32 v31, v30;
	v30 =	vor.u32 $0x10B, v3  }
0x49: {  	v34 =	vld.idx.msk [tilespmem:v28+s15+$0x0], $0xffff  }
0x4a: {  	v32 =	vadd.f32 v32, v31;
	v31 =	vor.u32 $0x10C, v3  }
0x4b: {  	v35 =	vld.idx.msk [tilespmem:v29+s15+$0x0], $0xffff  }
0x4c: {  	v33 =	vadd.f32 v33, v32;
	v32 =	vor.u32 $0x10D, v3  }
0x4d: {  	v36 =	vld.idx.msk [tilespmem:v30+s15+$0x0], $0xffff  }
0x4e: {  	v34 =	vadd.f32 v34, v33;
	v33 =	vor.u32 $0x10E, v3  }
0x4f: {  	v37 =	vld.idx.msk [tilespmem:v31+s15+$0x0], $0xffff  }
0x50: {  	v35 =	vadd.f32 v35, v34;
	v34 =	vor.u32 $0x10F, v3  }
0x51: {  	v38 =	vld.idx.msk [tilespmem:v32+s15+$0x0], $0xffff  }
0x52: {  	v35 =	vadd.f32 v36, v35  }
0x53: {  	v56 =	vld.idx.msk [tilespmem:v33+s15+$0x0], $0xffff  }
0x54: {  	v35 =	vadd.f32 v37, v35  }
0x55: {  	v57 =	vld.idx.msk [tilespmem:v34+s15+$0x0], $0xffff  }
0x56: {  	v35 =	vadd.f32 v38, v35;
	_ =	sdelay $0x1  }
0x57: {  	v35 =	vadd.f32 v56, v35;
	_ =	sdelay $0x1  }
0x58: {  	v35 =	vadd.f32 v57, v35;
	_ =	sdelay $0x1  }
0x59: {  	[tilespmem:$0x16C10] =	vst v35  }
0x5a: {  	v35 =	vld.idx.msk [tilespmem:v3+s16+$0x0], $0xffff;
	_ =	sdelay $0x1  }
0x5b: {  	v58 =	vld.idx.msk [tilespmem:v4+s16+$0x0], $0xffff;
	_ =	sdelay $0x1  }
0x5c: {  	v59 =	vld.idx.msk [tilespmem:v5+s16+$0x0], $0xffff  }
0x5d: {  	v35 =	vadd.f32 $0.0e+00, v35  }
0x5e: {  	v60 =	vld.idx.msk [tilespmem:v6+s16+$0x0], $0xffff  }
0x5f: {  	v35 =	vadd.f32 v58, v35  }
0x60: {  	v61 =	vld.idx.msk [tilespmem:v7+s16+$0x0], $0xffff  }
0x61: {  	v35 =	vadd.f32 v59, v35  }
0x62: {  	v62 =	vld.idx.msk [tilespmem:v8+s16+$0x0], $0xffff  }
0x63: {  	v35 =	vadd.f32 v60, v35  }
0x64: {  	v63 =	vld.idx.msk [tilespmem:v9+s16+$0x0], $0xffff  }
0x65: {  	v35 =	vadd.f32 v61, v35  }
0x66: {  	v40 =	vld.idx.msk [tilespmem:v10+s16+$0x0], $0xffff  }
0x67: {  	v35 =	vadd.f32 v62, v35  }
0x68: {  	v41 =	vld.idx.msk [tilespmem:v11+s16+$0x0], $0xffff  }
0x69: {  	v35 =	vadd.f32 v63, v35  }
0x6a: {  	v42 =	vld.idx.msk [tilespmem:v12+s16+$0x0], $0xffff  }
0x6b: {  	v35 =	vadd.f32 v40, v35  }
0x6c: {  	v43 =	vld.idx.msk [tilespmem:v13+s16+$0x0], $0xffff  }
0x6d: {  	v35 =	vadd.f32 v41, v35  }
0x6e: {  	v44 =	vld.idx.msk [tilespmem:v14+s16+$0x0], $0xffff  }
0x6f: {  	v35 =	vadd.f32 v42, v35  }
0x70: {  	v45 =	vld.idx.msk [tilespmem:v15+s16+$0x0], $0xffff  }
0x71: {  	v35 =	vadd.f32 v43, v35  }
0x72: {  	v46 =	vld.idx.msk [tilespmem:v16+s16+$0x0], $0xffff  }
0x73: {  	v35 =	vadd.f32 v44, v35  }
0x74: {  	v47 =	vld.idx.msk [tilespmem:v17+s16+$0x0], $0xffff  }
0x75: {  	v35 =	vadd.f32 v45, v35  }
0x76: {  	v48 =	vld.idx.msk [tilespmem:v18+s16+$0x0], $0xffff  }
0x77: {  	v35 =	vadd.f32 v46, v35;
	_ =	sdelay $0x1  }
0x78: {  	v35 =	vadd.f32 v47, v35;
	_ =	sdelay $0x1  }
0x79: {  	v35 =	vadd.f32 v48, v35;
	_ =	sdelay $0x1  }
0x7a: {  	[tilespmem:$0x16C20] =	vst v35  }
0x7b: {  	v35 =	vld.idx.msk [tilespmem:v19+s16+$0x0], $0xffff;
	_ =	sdelay $0x1  }
0x7c: {  	v49 =	vld.idx.msk [tilespmem:v20+s16+$0x0], $0xffff;
	_ =	sdelay $0x1  }
0x7d: {  	v50 =	vld.idx.msk [tilespmem:v21+s16+$0x0], $0xffff  }
0x7e: {  	v35 =	vadd.f32 $0.0e+00, v35  }
0x7f: {  	v51 =	vld.idx.msk [tilespmem:v22+s16+$0x0], $0xffff  }
0x80: {  	v35 =	vadd.f32 v49, v35  }
0x81: {  	v52 =	vld.idx.msk [tilespmem:v23+s16+$0x0], $0xffff  }
0x82: {  	v35 =	vadd.f32 v50, v35  }
0x83: {  	v53 =	vld.idx.msk [tilespmem:v24+s16+$0x0], $0xffff  }
0x84: {  	v35 =	vadd.f32 v51, v35  }
0x85: {  	v54 =	vld.idx.msk [tilespmem:v25+s16+$0x0], $0xffff  }
0x86: {  	v35 =	vadd.f32 v52, v35  }
0x87: {  	v55 =	vld.idx.msk [tilespmem:v26+s16+$0x0], $0xffff  }
0x88: {  	v35 =	vadd.f32 v53, v35  }
0x89: {  	v56 =	vld.idx.msk [tilespmem:v27+s16+$0x0], $0xffff  }
0x8a: {  	v35 =	vadd.f32 v54, v35  }
0x8b: {  	v57 =	vld.idx.msk [tilespmem:v28+s16+$0x0], $0xffff  }
0x8c: {  	v35 =	vadd.f32 v55, v35  }
0x8d: {  	v58 =	vld.idx.msk [tilespmem:v29+s16+$0x0], $0xffff  }
0x8e: {  	v35 =	vadd.f32 v56, v35  }
0x8f: {  	v59 =	vld.idx.msk [tilespmem:v30+s16+$0x0], $0xffff  }
0x90: {  	v35 =	vadd.f32 v57, v35  }
0x91: {  	v60 =	vld.idx.msk [tilespmem:v31+s16+$0x0], $0xffff  }
0x92: {  	v35 =	vadd.f32 v58, v35  }
0x93: {  	v61 =	vld.idx.msk [tilespmem:v32+s16+$0x0], $0xffff  }
0x94: {  	v35 =	vadd.f32 v59, v35  }
0x95: {  	v62 =	vld.idx.msk [tilespmem:v33+s16+$0x0], $0xffff  }
0x96: {  	v35 =	vadd.f32 v60, v35  }
0x97: {  	v63 =	vld.idx.msk [tilespmem:v34+s16+$0x0], $0xffff  }
0x98: {  	v35 =	vadd.f32 v61, v35;
	_ =	sdelay $0x1  }
0x99: {  	v35 =	vadd.f32 v62, v35;
	_ =	sdelay $0x1  }
0x9a: {  	v35 =	vadd.f32 v63, v35;
	_ =	sdelay $0x1  }
0x9b: {  	[tilespmem:$0x16C30] =	vst v35  }
0x9c: {  	v35 =	vld.idx.msk [tilespmem:v3+s17+$0x0], $0xffff;
	_ =	sdelay $0x1  }
0x9d: {  	v40 =	vld.idx.msk [tilespmem:v4+s17+$0x0], $0xffff;
	_ =	sdelay $0x1  }
0x9e: {  	v41 =	vld.idx.msk [tilespmem:v5+s17+$0x0], $0xffff  }
0x9f: {  	v35 =	vadd.f32 $0.0e+00, v35  }
0xa0: {  	v42 =	vld.idx.msk [tilespmem:v6+s17+$0x0], $0xffff  }
0xa1: {  	v35 =	vadd.f32 v40, v35  }
0xa2: {  	v43 =	vld.idx.msk [tilespmem:v7+s17+$0x0], $0xffff  }
0xa3: {  	v35 =	vadd.f32 v41, v35  }
0xa4: {  	v44 =	vld.idx.msk [tilespmem:v8+s17+$0x0], $0xffff  }
0xa5: {  	v35 =	vadd.f32 v42, v35  }
0xa6: {  	v45 =	vld.idx.msk [tilespmem:v9+s17+$0x0], $0xffff  }
0xa7: {  	v35 =	vadd.f32 v43, v35  }
0xa8: {  	v46 =	vld.idx.msk [tilespmem:v10+s17+$0x0], $0xffff  }
0xa9: {  	v35 =	vadd.f32 v44, v35  }
0xaa: {  	v47 =	vld.idx.msk [tilespmem:v11+s17+$0x0], $0xffff  }
0xab: {  	v35 =	vadd.f32 v45, v35  }
0xac: {  	v48 =	vld.idx.msk [tilespmem:v12+s17+$0x0], $0xffff  }
0xad: {  	v35 =	vadd.f32 v46, v35  }
0xae: {  	v49 =	vld.idx.msk [tilespmem:v13+s17+$0x0], $0xffff  }
0xaf: {  	v35 =	vadd.f32 v47, v35  }
0xb0: {  	v50 =	vld.idx.msk [tilespmem:v14+s17+$0x0], $0xffff  }
0xb1: {  	v35 =	vadd.f32 v48, v35  }
0xb2: {  	v51 =	vld.idx.msk [tilespmem:v15+s17+$0x0], $0xffff  }
0xb3: {  	v35 =	vadd.f32 v49, v35  }
0xb4: {  	v52 =	vld.idx.msk [tilespmem:v16+s17+$0x0], $0xffff  }
0xb5: {  	v35 =	vadd.f32 v50, v35  }
0xb6: {  	v53 =	vld.idx.msk [tilespmem:v17+s17+$0x0], $0xffff  }
0xb7: {  	v35 =	vadd.f32 v51, v35  }
0xb8: {  	v54 =	vld.idx.msk [tilespmem:v18+s17+$0x0], $0xffff  }
0xb9: {  	v35 =	vadd.f32 v52, v35;
	_ =	sdelay $0x1  }
0xba: {  	v35 =	vadd.f32 v53, v35;
	_ =	sdelay $0x1  }
0xbb: {  	v35 =	vadd.f32 v54, v35;
	_ =	sdelay $0x1  }
0xbc: {  	[tilespmem:$0x16C40] =	vst v35  }
0xbd: {  	v35 =	vld.idx.msk [tilespmem:v19+s17+$0x0], $0xffff;
	_ =	sdelay $0x1  }
0xbe: {  	v55 =	vld.idx.msk [tilespmem:v20+s17+$0x0], $0xffff;
	_ =	sdelay $0x1  }
0xbf: {  	v56 =	vld.idx.msk [tilespmem:v21+s17+$0x0], $0xffff  }
0xc0: {  	v35 =	vadd.f32 $0.0e+00, v35  }
0xc1: {  	v57 =	vld.idx.msk [tilespmem:v22+s17+$0x0], $0xffff  }
0xc2: {  	v35 =	vadd.f32 v55, v35  }
0xc3: {  	v58 =	vld.idx.msk [tilespmem:v23+s17+$0x0], $0xffff  }
0xc4: {  	v35 =	vadd.f32 v56, v35  }
0xc5: {  	v59 =	vld.idx.msk [tilespmem:v24+s17+$0x0], $0xffff  }
0xc6: {  	v35 =	vadd.f32 v57, v35  }
0xc7: {  	v60 =	vld.idx.msk [tilespmem:v25+s17+$0x0], $0xffff  }
0xc8: {  	v35 =	vadd.f32 v58, v35  }
0xc9: {  	v61 =	vld.idx.msk [tilespmem:v26+s17+$0x0], $0xffff  }
0xca: {  	v35 =	vadd.f32 v59, v35  }
0xcb: {  	v62 =	vld.idx.msk [tilespmem:v27+s17+$0x0], $0xffff  }
0xcc: {  	v35 =	vadd.f32 v60, v35  }
0xcd: {  	v63 =	vld.idx.msk [tilespmem:v28+s17+$0x0], $0xffff  }
0xce: {  	v35 =	vadd.f32 v61, v35  }
0xcf: {  	v40 =	vld.idx.msk [tilespmem:v29+s17+$0x0], $0xffff  }
0xd0: {  	v35 =	vadd.f32 v62, v35  }
0xd1: {  	v41 =	vld.idx.msk [tilespmem:v30+s17+$0x0], $0xffff  }
0xd2: {  	v35 =	vadd.f32 v63, v35  }
0xd3: {  	v42 =	vld.idx.msk [tilespmem:v31+s17+$0x0], $0xffff  }
0xd4: {  	v35 =	vadd.f32 v40, v35  }
0xd5: {  	v43 =	vld.idx.msk [tilespmem:v32+s17+$0x0], $0xffff  }
0xd6: {  	v35 =	vadd.f32 v41, v35  }
0xd7: {  	v44 =	vld.idx.msk [tilespmem:v33+s17+$0x0], $0xffff  }
0xd8: {  	v35 =	vadd.f32 v42, v35  }
0xd9: {  	v45 =	vld.idx.msk [tilespmem:v34+s17+$0x0], $0xffff  }
0xda: {  	v35 =	vadd.f32 v43, v35;
	_ =	sdelay $0x1  }
0xdb: {  	v35 =	vadd.f32 v44, v35;
	_ =	sdelay $0x1  }
0xdc: {  	v35 =	vadd.f32 v45, v35;
	_ =	sdelay $0x1  }
0xdd: {  	[tilespmem:$0x16C50] =	vst v35  }
0xde: {  	v35 =	vld.idx.msk [tilespmem:v3+s18+$0x0], $0xffff;
	_ =	sdelay $0x1  }
0xdf: {  	v46 =	vld.idx.msk [tilespmem:v4+s18+$0x0], $0xffff;
	_ =	sdelay $0x1  }
0xe0: {  	v47 =	vld.idx.msk [tilespmem:v5+s18+$0x0], $0xffff  }
0xe1: {  	v35 =	vadd.f32 $0.0e+00, v35  }
0xe2: {  	v48 =	vld.idx.msk [tilespmem:v6+s18+$0x0], $0xffff  }
0xe3: {  	v35 =	vadd.f32 v46, v35  }
0xe4: {  	v49 =	vld.idx.msk [tilespmem:v7+s18+$0x0], $0xffff  }
0xe5: {  	v35 =	vadd.f32 v47, v35  }
0xe6: {  	v50 =	vld.idx.msk [tilespmem:v8+s18+$0x0], $0xffff  }
0xe7: {  	v35 =	vadd.f32 v48, v35  }
0xe8: {  	v51 =	vld.idx.msk [tilespmem:v9+s18+$0x0], $0xffff  }
0xe9: {  	v35 =	vadd.f32 v49, v35  }
0xea: {  	v52 =	vld.idx.msk [tilespmem:v10+s18+$0x0], $0xffff  }
0xeb: {  	v35 =	vadd.f32 v50, v35  }
0xec: {  	v53 =	vld.idx.msk [tilespmem:v11+s18+$0x0], $0xffff  }
0xed: {  	v35 =	vadd.f32 v51, v35  }
0xee: {  	v54 =	vld.idx.msk [tilespmem:v12+s18+$0x0], $0xffff  }
0xef: {  	v35 =	vadd.f32 v52, v35  }
0xf0: {  	v55 =	vld.idx.msk [tilespmem:v13+s18+$0x0], $0xffff  }
0xf1: {  	v35 =	vadd.f32 v53, v35  }
0xf2: {  	v56 =	vld.idx.msk [tilespmem:v14+s18+$0x0], $0xffff  }
0xf3: {  	v35 =	vadd.f32 v54, v35  }
0xf4: {  	v57 =	vld.idx.msk [tilespmem:v15+s18+$0x0], $0xffff  }
0xf5: {  	v35 =	vadd.f32 v55, v35  }
0xf6: {  	v58 =	vld.idx.msk [tilespmem:v16+s18+$0x0], $0xffff  }
0xf7: {  	v35 =	vadd.f32 v56, v35  }
0xf8: {  	v59 =	vld.idx.msk [tilespmem:v17+s18+$0x0], $0xffff  }
0xf9: {  	v35 =	vadd.f32 v57, v35  }
0xfa: {  	v60 =	vld.idx.msk [tilespmem:v18+s18+$0x0], $0xffff  }
0xfb: {  	v35 =	vadd.f32 v58, v35;
	_ =	sdelay $0x1  }
0xfc: {  	v35 =	vadd.f32 v59, v35;
	_ =	sdelay $0x1  }
0xfd: {  	v35 =	vadd.f32 v60, v35;
	_ =	sdelay $0x1  }
0xfe: {  	[tilespmem:$0x16C60] =	vst v35  }
0xff: {  	v35 =	vld.idx.msk [tilespmem:v19+s18+$0x0], $0xffff;
	_ =	sdelay $0x1  }
0x100: {  	v61 =	vld.idx.msk [tilespmem:v20+s18+$0x0], $0xffff;
	_ =	sdelay $0x1  }
0x101: {  	v62 =	vld.idx.msk [tilespmem:v21+s18+$0x0], $0xffff  }
0x102: {  	v35 =	vadd.f32 $0.0e+00, v35  }
0x103: {  	v63 =	vld.idx.msk [tilespmem:v22+s18+$0x0], $0xffff  }
0x104: {  	v35 =	vadd.f32 v61, v35  }
0x105: {  	v40 =	vld.idx.msk [tilespmem:v23+s18+$0x0], $0xffff  }
0x106: {  	v35 =	vadd.f32 v62, v35  }
0x107: {  	v41 =	vld.idx.msk [tilespmem:v24+s18+$0x0], $0xffff  }
0x108: {  	v35 =	vadd.f32 v63, v35  }
0x109: {  	v42 =	vld.idx.msk [tilespmem:v25+s18+$0x0], $0xffff  }
0x10a: {  	v35 =	vadd.f32 v40, v35  }
0x10b: {  	v43 =	vld.idx.msk [tilespmem:v26+s18+$0x0], $0xffff  }
0x10c: {  	v35 =	vadd.f32 v41, v35  }
0x10d: {  	v44 =	vld.idx.msk [tilespmem:v27+s18+$0x0], $0xffff  }
0x10e: {  	v35 =	vadd.f32 v42, v35  }
0x10f: {  	v45 =	vld.idx.msk [tilespmem:v28+s18+$0x0], $0xffff  }
0x110: {  	v35 =	vadd.f32 v43, v35  }
0x111: {  	v46 =	vld.idx.msk [tilespmem:v29+s18+$0x0], $0xffff  }
0x112: {  	v35 =	vadd.f32 v44, v35  }
0x113: {  	v47 =	vld.idx.msk [tilespmem:v30+s18+$0x0], $0xffff  }
0x114: {  	v35 =	vadd.f32 v45, v35  }
0x115: {  	v48 =	vld.idx.msk [tilespmem:v31+s18+$0x0], $0xffff  }
0x116: {  	v35 =	vadd.f32 v46, v35  }
0x117: {  	v49 =	vld.idx.msk [tilespmem:v32+s18+$0x0], $0xffff  }
0x118: {  	v35 =	vadd.f32 v47, v35  }
0x119: {  	v50 =	vld.idx.msk [tilespmem:v33+s18+$0x0], $0xffff  }
0x11a: {  	v35 =	vadd.f32 v48, v35  }
0x11b: {  	v51 =	vld.idx.msk [tilespmem:v34+s18+$0x0], $0xffff  }
0x11c: {  	v35 =	vadd.f32 v49, v35;
	_ =	sdelay $0x1  }
0x11d: {  	v35 =	vadd.f32 v50, v35;
	_ =	sdelay $0x1  }
0x11e: {  	v35 =	vadd.f32 v51, v35;
	_ =	sdelay $0x1  }
0x11f: {  	[tilespmem:$0x16C70] =	vst v35  }
0x120: {  	v35 =	vld.idx.msk [tilespmem:v3+s19+$0x0], $0xffff;
	_ =	sdelay $0x1  }
0x121: {  	v52 =	vld.idx.msk [tilespmem:v4+s19+$0x0], $0xffff;
	_ =	sdelay $0x1  }
0x122: {  	v53 =	vld.idx.msk [tilespmem:v5+s19+$0x0], $0xffff  }
0x123: {  	v35 =	vadd.f32 $0.0e+00, v35  }
0x124: {  	v54 =	vld.idx.msk [tilespmem:v6+s19+$0x0], $0xffff  }
0x125: {  	v35 =	vadd.f32 v52, v35  }
0x126: {  	v55 =	vld.idx.msk [tilespmem:v7+s19+$0x0], $0xffff  }
0x127: {  	v35 =	vadd.f32 v53, v35  }
0x128: {  	v56 =	vld.idx.msk [tilespmem:v8+s19+$0x0], $0xffff  }
0x129: {  	v35 =	vadd.f32 v54, v35  }
0x12a: {  	v57 =	vld.idx.msk [tilespmem:v9+s19+$0x0], $0xffff  }
0x12b: {  	v35 =	vadd.f32 v55, v35  }
0x12c: {  	v58 =	vld.idx.msk [tilespmem:v10+s19+$0x0], $0xffff  }
0x12d: {  	v35 =	vadd.f32 v56, v35  }
0x12e: {  	v59 =	vld.idx.msk [tilespmem:v11+s19+$0x0], $0xffff  }
0x12f: {  	v35 =	vadd.f32 v57, v35  }
0x130: {  	v60 =	vld.idx.msk [tilespmem:v12+s19+$0x0], $0xffff  }
0x131: {  	v35 =	vadd.f32 v58, v35  }
0x132: {  	v61 =	vld.idx.msk [tilespmem:v13+s19+$0x0], $0xffff  }
0x133: {  	v35 =	vadd.f32 v59, v35  }
0x134: {  	v62 =	vld.idx.msk [tilespmem:v14+s19+$0x0], $0xffff  }
0x135: {  	v35 =	vadd.f32 v60, v35  }
0x136: {  	v63 =	vld.idx.msk [tilespmem:v15+s19+$0x0], $0xffff  }
0x137: {  	v35 =	vadd.f32 v61, v35  }
0x138: {  	v40 =	vld.idx.msk [tilespmem:v16+s19+$0x0], $0xffff  }
0x139: {  	v35 =	vadd.f32 v62, v35  }
0x13a: {  	v41 =	vld.idx.msk [tilespmem:v17+s19+$0x0], $0xffff  }
0x13b: {  	v35 =	vadd.f32 v63, v35  }
0x13c: {  	v42 =	vld.idx.msk [tilespmem:v18+s19+$0x0], $0xffff  }
0x13d: {  	v35 =	vadd.f32 v40, v35;
	_ =	sdelay $0x1  }
0x13e: {  	v35 =	vadd.f32 v41, v35;
	_ =	sdelay $0x1  }
0x13f: {  	v35 =	vadd.f32 v42, v35;
	_ =	sdelay $0x1  }
0x140: {  	[tilespmem:$0x16C80] =	vst v35  }
0x141: {  	v35 =	vld.idx.msk [tilespmem:v19+s19+$0x0], $0xffff;
	_ =	sdelay $0x1  }
0x142: {  	v43 =	vld.idx.msk [tilespmem:v20+s19+$0x0], $0xffff;
	_ =	sdelay $0x1  }
0x143: {  	v44 =	vld.idx.msk [tilespmem:v21+s19+$0x0], $0xffff  }
0x144: {  	v35 =	vadd.f32 $0.0e+00, v35  }
0x145: {  	v45 =	vld.idx.msk [tilespmem:v22+s19+$0x0], $0xffff  }
0x146: {  	v35 =	vadd.f32 v43, v35  }
0x147: {  	v46 =	vld.idx.msk [tilespmem:v23+s19+$0x0], $0xffff  }
0x148: {  	v35 =	vadd.f32 v44, v35  }
0x149: {  	v47 =	vld.idx.msk [tilespmem:v24+s19+$0x0], $0xffff  }
0x14a: {  	v35 =	vadd.f32 v45, v35  }
0x14b: {  	v48 =	vld.idx.msk [tilespmem:v25+s19+$0x0], $0xffff  }
0x14c: {  	v35 =	vadd.f32 v46, v35  }
0x14d: {  	v49 =	vld.idx.msk [tilespmem:v26+s19+$0x0], $0xffff  }
0x14e: {  	v35 =	vadd.f32 v47, v35  }
0x14f: {  	v50 =	vld.idx.msk [tilespmem:v27+s19+$0x0], $0xffff  }
0x150: {  	v35 =	vadd.f32 v48, v35  }
0x151: {  	v51 =	vld.idx.msk [tilespmem:v28+s19+$0x0], $0xffff  }
0x152: {  	v35 =	vadd.f32 v49, v35  }
0x153: {  	v52 =	vld.idx.msk [tilespmem:v29+s19+$0x0], $0xffff  }
0x154: {  	v35 =	vadd.f32 v50, v35  }
0x155: {  	v53 =	vld.idx.msk [tilespmem:v30+s19+$0x0], $0xffff  }
0x156: {  	v35 =	vadd.f32 v51, v35  }
0x157: {  	v54 =	vld.idx.msk [tilespmem:v31+s19+$0x0], $0xffff  }
0x158: {  	v35 =	vadd.f32 v52, v35  }
0x159: {  	v55 =	vld.idx.msk [tilespmem:v32+s19+$0x0], $0xffff  }
0x15a: {  	v35 =	vadd.f32 v53, v35  }
0x15b: {  	v56 =	vld.idx.msk [tilespmem:v33+s19+$0x0], $0xffff  }
0x15c: {  	v35 =	vadd.f32 v54, v35  }
0x15d: {  	v57 =	vld.idx.msk [tilespmem:v34+s19+$0x0], $0xffff  }
0x15e: {  	v35 =	vadd.f32 v55, v35;
	_ =	sdelay $0x1  }
0x15f: {  	v35 =	vadd.f32 v56, v35;
	_ =	sdelay $0x1  }
0x160: {  	v35 =	vadd.f32 v57, v35;
	_ =	sdelay $0x1  }
0x161: {  	[tilespmem:$0x16C90] =	vst v35  }
0x162: {  	v35 =	vld.idx.msk [tilespmem:v3+s20+$0x0], $0xffff;
	_ =	sdelay $0x1  }
0x163: {  	v58 =	vld.idx.msk [tilespmem:v4+s20+$0x0], $0xffff;
	_ =	sdelay $0x1  }
0x164: {  	v59 =	vld.idx.msk [tilespmem:v5+s20+$0x0], $0xffff  }
0x165: {  	v35 =	vadd.f32 $0.0e+00, v35  }
0x166: {  	v60 =	vld.idx.msk [tilespmem:v6+s20+$0x0], $0xffff  }
0x167: {  	v35 =	vadd.f32 v58, v35  }
0x168: {  	v61 =	vld.idx.msk [tilespmem:v7+s20+$0x0], $0xffff  }
0x169: {  	v35 =	vadd.f32 v59, v35  }
0x16a: {  	v62 =	vld.idx.msk [tilespmem:v8+s20+$0x0], $0xffff  }
0x16b: {  	v35 =	vadd.f32 v60, v35  }
0x16c: {  	v63 =	vld.idx.msk [tilespmem:v9+s20+$0x0], $0xffff  }
0x16d: {  	v35 =	vadd.f32 v61, v35  }
0x16e: {  	v40 =	vld.idx.msk [tilespmem:v10+s20+$0x0], $0xffff  }
0x16f: {  	v35 =	vadd.f32 v62, v35  }
0x170: {  	v41 =	vld.idx.msk [tilespmem:v11+s20+$0x0], $0xffff  }
0x171: {  	v35 =	vadd.f32 v63, v35  }
0x172: {  	v42 =	vld.idx.msk [tilespmem:v12+s20+$0x0], $0xffff  }
0x173: {  	v35 =	vadd.f32 v40, v35  }
0x174: {  	v43 =	vld.idx.msk [tilespmem:v13+s20+$0x0], $0xffff  }
0x175: {  	v35 =	vadd.f32 v41, v35  }
0x176: {  	v44 =	vld.idx.msk [tilespmem:v14+s20+$0x0], $0xffff  }
0x177: {  	v35 =	vadd.f32 v42, v35  }
0x178: {  	v45 =	vld.idx.msk [tilespmem:v15+s20+$0x0], $0xffff  }
0x179: {  	v35 =	vadd.f32 v43, v35  }
0x17a: {  	v46 =	vld.idx.msk [tilespmem:v16+s20+$0x0], $0xffff  }
0x17b: {  	v35 =	vadd.f32 v44, v35  }
0x17c: {  	v47 =	vld.idx.msk [tilespmem:v17+s20+$0x0], $0xffff  }
0x17d: {  	v35 =	vadd.f32 v45, v35  }
0x17e: {  	v48 =	vld.idx.msk [tilespmem:v18+s20+$0x0], $0xffff  }
0x17f: {  	v35 =	vadd.f32 v46, v35;
	_ =	sdelay $0x1  }
0x180: {  	v35 =	vadd.f32 v47, v35;
	_ =	sdelay $0x1  }
0x181: {  	v35 =	vadd.f32 v48, v35;
	_ =	sdelay $0x1  }
0x182: {  	[tilespmem:$0x16CA0] =	vst v35  }
0x183: {  	v35 =	vld.idx.msk [tilespmem:v19+s20+$0x0], $0xffff;
	_ =	sdelay $0x1  }
0x184: {  	v49 =	vld.idx.msk [tilespmem:v20+s20+$0x0], $0xffff;
	_ =	sdelay $0x1  }
0x185: {  	v50 =	vld.idx.msk [tilespmem:v21+s20+$0x0], $0xffff  }
0x186: {  	v35 =	vadd.f32 $0.0e+00, v35  }
0x187: {  	v51 =	vld.idx.msk [tilespmem:v22+s20+$0x0], $0xffff  }
0x188: {  	v35 =	vadd.f32 v49, v35  }
0x189: {  	v52 =	vld.idx.msk [tilespmem:v23+s20+$0x0], $0xffff  }
0x18a: {  	v35 =	vadd.f32 v50, v35  }
0x18b: {  	v53 =	vld.idx.msk [tilespmem:v24+s20+$0x0], $0xffff  }
0x18c: {  	v35 =	vadd.f32 v51, v35  }
0x18d: {  	v54 =	vld.idx.msk [tilespmem:v25+s20+$0x0], $0xffff  }
0x18e: {  	v35 =	vadd.f32 v52, v35  }
0x18f: {  	v55 =	vld.idx.msk [tilespmem:v26+s20+$0x0], $0xffff  }
0x190: {  	v35 =	vadd.f32 v53, v35  }
0x191: {  	v56 =	vld.idx.msk [tilespmem:v27+s20+$0x0], $0xffff  }
0x192: {  	v35 =	vadd.f32 v54, v35  }
0x193: {  	v57 =	vld.idx.msk [tilespmem:v28+s20+$0x0], $0xffff  }
0x194: {  	v35 =	vadd.f32 v55, v35  }
0x195: {  	v58 =	vld.idx.msk [tilespmem:v29+s20+$0x0], $0xffff  }
0x196: {  	v35 =	vadd.f32 v56, v35  }
0x197: {  	v59 =	vld.idx.msk [tilespmem:v30+s20+$0x0], $0xffff  }
0x198: {  	v35 =	vadd.f32 v57, v35  }
0x199: {  	v60 =	vld.idx.msk [tilespmem:v31+s20+$0x0], $0xffff  }
0x19a: {  	v35 =	vadd.f32 v58, v35  }
0x19b: {  	v61 =	vld.idx.msk [tilespmem:v32+s20+$0x0], $0xffff  }
0x19c: {  	v35 =	vadd.f32 v59, v35  }
0x19d: {  	v62 =	vld.idx.msk [tilespmem:v33+s20+$0x0], $0xffff  }
0x19e: {  	v35 =	vadd.f32 v60, v35  }
0x19f: {  	v63 =	vld.idx.msk [tilespmem:v34+s20+$0x0], $0xffff  }
0x1a0: {  	v35 =	vadd.f32 v61, v35;
	_ =	sdelay $0x1  }
0x1a1: {  	v35 =	vadd.f32 v62, v35;
	_ =	sdelay $0x1  }
0x1a2: {  	v35 =	vadd.f32 v63, v35;
	_ =	sdelay $0x1  }
0x1a3: {  	[tilespmem:$0x16CB0] =	vst v35  }
0x1a4: {  	v3 =	vld.idx.msk [tilespmem:v3+s21+$0x0], $0xffff;
	_ =	sdelay $0x1  }
0x1a5: {  	v4 =	vld.idx.msk [tilespmem:v4+s21+$0x0], $0xffff;
	_ =	sdelay $0x1  }
0x1a6: {  	v5 =	vld.idx.msk [tilespmem:v5+s21+$0x0], $0xffff  }
0x1a7: {  	v3 =	vadd.f32 $0.0e+00, v3  }
0x1a8: {  	v6 =	vld.idx.msk [tilespmem:v6+s21+$0x0], $0xffff  }
0x1a9: {  	v3 =	vadd.f32 v4, v3  }
0x1aa: {  	v37 =	vld.idx.msk [tilespmem:v7+s21+$0x0], $0xffff  }
0x1ab: {  	v3 =	vadd.f32 v5, v3  }
0x1ac: {  	v38 =	vld.idx.msk [tilespmem:v8+s21+$0x0], $0xffff  }
0x1ad: {  	v3 =	vadd.f32 v6, v3  }
0x1ae: {  	v39 =	vld.idx.msk [tilespmem:v9+s21+$0x0], $0xffff  }
0x1af: {  	v3 =	vadd.f32 v37, v3  }
0x1b0: {  	v40 =	vld.idx.msk [tilespmem:v10+s21+$0x0], $0xffff  }
0x1b1: {  	v3 =	vadd.f32 v38, v3  }
0x1b2: {  	v41 =	vld.idx.msk [tilespmem:v11+s21+$0x0], $0xffff  }
0x1b3: {  	v3 =	vadd.f32 v39, v3  }
0x1b4: {  	v42 =	vld.idx.msk [tilespmem:v12+s21+$0x0], $0xffff  }
0x1b5: {  	v3 =	vadd.f32 v40, v3  }
0x1b6: {  	v43 =	vld.idx.msk [tilespmem:v13+s21+$0x0], $0xffff  }
0x1b7: {  	v3 =	vadd.f32 v41, v3  }
0x1b8: {  	v44 =	vld.idx.msk [tilespmem:v14+s21+$0x0], $0xffff  }
0x1b9: {  	v3 =	vadd.f32 v42, v3  }
0x1ba: {  	v45 =	vld.idx.msk [tilespmem:v15+s21+$0x0], $0xffff  }
0x1bb: {  	v3 =	vadd.f32 v43, v3  }
0x1bc: {  	v46 =	vld.idx.msk [tilespmem:v16+s21+$0x0], $0xffff  }
0x1bd: {  	v3 =	vadd.f32 v44, v3  }
0x1be: {  	v47 =	vld.idx.msk [tilespmem:v17+s21+$0x0], $0xffff  }
0x1bf: {  	v3 =	vadd.f32 v45, v3  }
0x1c0: {  	v48 =	vld.idx.msk [tilespmem:v18+s21+$0x0], $0xffff  }
0x1c1: {  	v3 =	vadd.f32 v46, v3;
	_ =	sdelay $0x1  }
0x1c2: {  	v3 =	vadd.f32 v47, v3;
	_ =	sdelay $0x1  }
0x1c3: {  	v3 =	vadd.f32 v48, v3;
	_ =	sdelay $0x1  }
0x1c4: {  	[tilespmem:$0x16CC0] =	vst v3  }
0x1c5: {  	v3 =	vld.idx.msk [tilespmem:v19+s21+$0x0], $0xffff;
	_ =	sdelay $0x1  }
0x1c6: {  	v49 =	vld.idx.msk [tilespmem:v20+s21+$0x0], $0xffff;
	_ =	sdelay $0x1  }
0x1c7: {  	v50 =	vld.idx.msk [tilespmem:v21+s21+$0x0], $0xffff  }
0x1c8: {  	v3 =	vadd.f32 $0.0e+00, v3  }
0x1c9: {  	v51 =	vld.idx.msk [tilespmem:v22+s21+$0x0], $0xffff  }
0x1ca: {  	v3 =	vadd.f32 v49, v3  }
0x1cb: {  	v52 =	vld.idx.msk [tilespmem:v23+s21+$0x0], $0xffff  }
0x1cc: {  	v3 =	vadd.f32 v50, v3  }
0x1cd: {  	v53 =	vld.idx.msk [tilespmem:v24+s21+$0x0], $0xffff  }
0x1ce: {  	v3 =	vadd.f32 v51, v3  }
0x1cf: {  	v54 =	vld.idx.msk [tilespmem:v25+s21+$0x0], $0xffff  }
0x1d0: {  	v3 =	vadd.f32 v52, v3  }
0x1d1: {  	v55 =	vld.idx.msk [tilespmem:v26+s21+$0x0], $0xffff  }
0x1d2: {  	v3 =	vadd.f32 v53, v3  }
0x1d3: {  	v56 =	vld.idx.msk [tilespmem:v27+s21+$0x0], $0xffff  }
0x1d4: {  	v3 =	vadd.f32 v54, v3  }
0x1d5: {  	v57 =	vld.idx.msk [tilespmem:v28+s21+$0x0], $0xffff  }
0x1d6: {  	v3 =	vadd.f32 v55, v3  }
0x1d7: {  	v58 =	vld.idx.msk [tilespmem:v29+s21+$0x0], $0xffff  }
0x1d8: {  	v3 =	vadd.f32 v56, v3  }
0x1d9: {  	v59 =	vld.idx.msk [tilespmem:v30+s21+$0x0], $0xffff  }
0x1da: {  	v3 =	vadd.f32 v57, v3  }
0x1db: {  	v60 =	vld.idx.msk [tilespmem:v31+s21+$0x0], $0xffff  }
0x1dc: {  	v3 =	vadd.f32 v58, v3  }
0x1dd: {  	v61 =	vld.idx.msk [tilespmem:v32+s21+$0x0], $0xffff  }
0x1de: {  	v3 =	vadd.f32 v59, v3  }
0x1df: {  	v62 =	vld.idx.msk [tilespmem:v33+s21+$0x0], $0xffff  }
0x1e0: {  	v3 =	vadd.f32 v60, v3  }
0x1e1: {  	v63 =	vld.idx.msk [tilespmem:v34+s21+$0x0], $0xffff  }
0x1e2: {  	v3 =	vadd.f32 v61, v3;
	_ =	sdelay $0x1  }
0x1e3: {  	v3 =	vadd.f32 v62, v3;
	_ =	sdelay $0x1  }
0x1e4: {  	v3 =	vadd.f32 v63, v3  }
0x1e5: {  	s0 =	rddreg [dreg:$0x6];
	s1 =	simm.s32 $0x80  }
0x1e6: {  	s2 =	simm.s32 $0x400;
	s7 =	simm.s32 $0x16C00;
	s29 =	simm.s32 $0x3;
	[tilespmem:$0x16CD0] =	vst v3  }
0x1e7: {  	[hbm4b:s0+s1] =	stream.strided.scatter [tilespmem:s7], [sflag:$0x3], $0x100, s2, s1, $0x38;
	[tilespmem:$0x16D00] =	vst v63  }
0x1e8: {  	_ =	swait.ge [sflag:s29], $0x100  }
0x1e9: {  	s30 =	rddreg [dreg:$0x8]  }
0x1ea: {  	s31 =	rddreg [dreg:$0x7];
	s2 =	sadd.s32 $0x1, s30  }
0x1eb: {  	p0 =	sne.s32 s2, s31  }
.Ltmp1:
0x1ec: {  	_ = 	snop;
	(pc) =	sbr.rel @!p0 .LBB2_14-.Ltmp1, $3  }
0x1ed: {  	_ =	sdelay $0x1  }
0x1ee: {  	[sflag:s29] =	ssyncset.done $0x0  }
0x1ef: {  	[sflag:s29] =	ssyncadd.s32 $0xFFFFFF00  }
.LBB2_1:
0x1f0: {  	[dreg:$0x8] =	wrdreg s2;
	s0 =	simm.s32 $0x0;
	s2 =	simm.s32 $0x40  }
.LBB2_2:
0x1f1: {  	p0 =	sne.s32 s2, $0x7C0;
	[tilespmem:s0+$0x16A00] =	vst v0  }
0x1f2: {  	[tilespmem:s0+$0x15E00] =	vst v0  }
.Ltmp2:
0x1f3: {  	[tilespmem:s0+$0x16000] =	vst v0;
	(pc) =	sbr.rel @p0 .LBB2_2-.Ltmp2, $4  }
0x1f4: {  	[tilespmem:s0+$0x16200] =	vst v0  }
0x1f5: {  	[tilespmem:s0+$0x16400] =	vst v0  }
0x1f6: {  	[tilespmem:s0+$0x16600] =	vst v0  }
0x1f7: {  	[tilespmem:s0+$0x16800] =	vst v0;
	s0 =	sshra.s32 s2, $0x2;
	s2 =	sadd.s32 $0x40, s2  }
0x1f8: {  	[tilespmem:s0+$0x16A00] =	vst v0  }
0x1f9: {  	[tilespmem:s0+$0x15E00] =	vst v0  }
0x1fa: {  	[tilespmem:s0+$0x16000] =	vst v0  }
0x1fb: {  	[tilespmem:s0+$0x16200] =	vst v0  }
0x1fc: {  	[tilespmem:s0+$0x16400] =	vst v0  }
0x1fd: {  	[tilespmem:s0+$0x16600] =	vst v0  }
0x1fe: {  	[tilespmem:s0+$0x16800] =	vst v0;
	s29 =	simm.s32 $0x0;
	s26 =	rddreg [dreg:$0x3]  }
0x1ff: {  	[tilespmem:s29], [sflag:$0x1] =	stream.linear.gather [hbm4b:s26+s29], $0x4B00, $0x38;
	[tilespmem:$0x16D00] =	vst v63  }
.Ltmp3:
0x200: {  	_ = 	snop;
	(pc) =	sbr.rel .LBB2_4-.Ltmp3, $4  }
0x201: {  	s28 =	rddreg [dreg:$0x4];
	s1 =	simm.s32 $0x4B00  }
0x202: {  	[tilespmem:s1], [sflag:$0x1] =	stream.linear.gather [hbm4b:s28+s29], $0x4B00, $0x38;
	[tilespmem:$0x16D00] =	vst v63  }
0x203: {  	s30 =	rddreg [dreg:$0x5];
	s31 =	simm.s32 $0x9600  }
0x204: {  	[tilespmem:s31], [sflag:$0x1] =	stream.linear.gather [hbm4b:s30+s29], $0x1900, $0x38;
	[tilespmem:$0x16D00] =	vst v63  }
.LBB2_12:
0x205: {  	s29 =	sadd.s32 $0x1, s29  }
0x206: {  	p0 =	sne.s32 s29, $0xA  }
.Ltmp4:
0x207: {  	_ = 	snop;
	(pc) =	sbr.rel @!p0 .LBB2_13-.Ltmp4, $1  }
0x208: {  	_ =	sdelay $0x3  }
.LBB2_4:
0x209: {  	s0 =	sshll.u32 s29, $0x6  }
0x20a: {  	s30 =	sor.u32 s6, s0  }
0x20b: {  	s0 =	sor.u32 $0x20, s30  }
0x20c: {  	p0 =	sgt.u32 s0, $0x270  }
0x20d: {  	s2 =	smul.u32 @!p0 $0x960, s0;
	_ =	sdelay $0x1  }
0x20e: {  	s8 =	simm.s32 @!p0 $0x0;
	s9 =	simm.s32 @!p0 $0xAF00;
	s7 =	sadd.s32 @!p0 s4, s2  }
0x20f: {  	[tilespmem:s9], [sflag:$0x2] =	stream.linear.gather @!p0 [hbm4b:s7+s8], $0x4B00, $0x38;
	[tilespmem:$0x16D00] =	vst v63  }
0x210: {  	s0 =	smul.u32 @!p0 $0x320, s0;
	s2 =	sadd.s32 @!p0 s5, s2;
	s7 =	simm.s32 @!p0 $0xFA00  }
0x211: {  	[tilespmem:s7], [sflag:$0x2] =	stream.linear.gather @!p0 [hbm4b:s2+s8], $0x4B00, $0x38;
	[tilespmem:$0x16D00] =	vst v63  }
0x212: {  	s0 =	sadd.s32 @!p0 s3, s0;
	s2 =	simm.s32 @!p0 $0x14500  }
0x213: {  	[tilespmem:s2], [sflag:$0x2] =	stream.linear.gather @!p0 [hbm4b:s0+s8], $0x1900, $0x38;
	[tilespmem:$0x16D00] =	vst v63  }
0x214: {  	_ =	swait.ge [sflag:s14], $0x4B00  }
0x215: {  	[sflag:s14] =	ssyncset.done $0x0  }
0x216: {  	[sflag:s14] =	ssyncadd.s32 $0xFFFFB500  }
0x217: {  	_ =	swait.ge [sflag:s14], $0x4B00  }
0x218: {  	[sflag:s14] =	ssyncset.done $0x0  }
0x219: {  	s7 =	simm.s32 $0x0;
	[sflag:s14] =	ssyncadd.s32 $0xFFFFB500  }
0x21a: {  	s31 =	simm.s32 $0x30;
	s10 =	smul.u32 $0x180, s7;
	_ =	swait.ge [sflag:s14], $0x1900  }
0x21b: {  	s28 =	simm.s32 $0x10;
	s8 =	sand.u32 $0x70, s31;
	[sflag:s14] =	ssyncset.done $0x0  }
0x21c: {  	s11 =	sadd.s32 $0x80, s10;
	s0 =	sor.u32 s10, s8;
	[sflag:s14] =	ssyncadd.s32 $0xFFFFE700  }
0x21d: {  	s12 =	simm.s32 $0x20;
	s7 =	sand.u32 $0x50, s28;
	s25 =	sor.u32 s8, s11;
	v9 =	vld [tilespmem:s0+$0x0]  }
0x21e: {  	s26 =	simm.s32 $0x0;
	s2 =	sand.u32 $0x60, s12;
	s28 =	sor.u32 s7, s11;
	v10 =	vld [tilespmem:s25+$0x0]  }
0x21f: {  	s1 =	sand.u32 $0x40, s26;
	s24 =	sor.u32 s2, s11;
	v11 =	vld [tilespmem:s28+$0x0]  }
0x220: {  	s12 =	sor.u32 s1, s10;
	v8 =	vld [tilespmem:s24+$0x0]  }
0x221: {  	s13 =	sor.u32 s10, s7;
	v7 =	vld [tilespmem:s12+$0x0]  }
0x222: {  	s26 =	sor.u32 s1, s11;
	v5 =	vld [tilespmem:s13+$0x0]  }
0x223: {  	v3 =	vld [tilespmem:s26+$0x0]  }
0x224: {  	s23 =	sor.u32 s10, s2;
	v22 =	vld [tilespmem:s26+$0x4B00];
	v4 =	vmul.f32 v9, v9;
	v12 =	vmul.f32 v10, v10  }
0x225: {  	v6 =	vld [tilespmem:s23+$0x0]  }
0x226: {  	v52 =	vld [tilespmem:s28+$0x4B00];
	v13 =	vmul.f32 v11, v11;
	v14 =	vmul.f32 v7, v7;
	v12 =	vadd.f32 v12, v4  }
0x227: {  	v17 =	vmul.f32 v8, v8;
	v18 =	vmul.f32 v5, v5  }
0x228: {  	v4 =	vmul.f32 v3, v3;
	v15 =	vshra.s32 v12, $0x1;
	v16 =	vmul.f32 $-5.000000000e-01, v12  }
0x229: {  	v27 =	vmul.f32 v22, v3;
	v13 =	vadd.f32 v13, v18;
	v15 =	vsub.s32 $0x5F3759DF, v15  }
0x22a: {  	v14 =	vadd.f32 v4, v14;
	v4 =	vmul.f32 v6, v6;
	v19 =	vmul.f32 v15, v16  }
0x22b: {  	v22 =	vmul.f32 v22, v7;
	v55 =	vmul.f32 v52, v11  }
0x22c: {  	v20 =	vshra.s32 v13, $0x1;
	v17 =	vadd.f32 v17, v4;
	v4 =	vmul.f32 v15, v19  }
0x22d: {  	v21 =	vmul.f32 $-5.000000000e-01, v13;
	v18 =	vshra.s32 v14, $0x1;
	v19 =	vmul.f32 $-5.000000000e-01, v14  }
0x22e: {  	v58 =	vld [tilespmem:s24+$0x4B00];
	v20 =	vsub.s32 $0x5F3759DF, v20;
	v18 =	vsub.s32 $0x5F3759DF, v18;
	v4 =	vadd.f32 $1.500000000e+00, v4  }
0x22f: {  	v23 =	vshra.s32 v17, $0x1;
	v24 =	vmul.f32 $-5.000000000e-01, v17;
	v25 =	vmul.f32 v18, v19  }
0x230: {  	v23 =	vsub.s32 $0x5F3759DF, v23;
	v4 =	vmul.f32 v15, v4;
	v15 =	vmul.f32 v20, v21  }
0x231: {  	v26 =	vmul.f32 v23, v24;
	v25 =	vmul.f32 v18, v25  }
0x232: {  	v16 =	vmul.f32 v4, v16;
	v15 =	vmul.f32 v20, v15  }
0x233: {  	v62 =	vmul.f32 v58, v8;
	v26 =	vmul.f32 v23, v26;
	v25 =	vadd.f32 $1.500000000e+00, v25  }
0x234: {  	v51 =	vmul.f32 $6.400000000e+01, v13;
	v16 =	vmul.f32 v16, v4;
	v15 =	vadd.f32 $1.500000000e+00, v15  }
0x235: {  	v28 =	vmul.f32 $6.400000000e+01, v14;
	v26 =	vadd.f32 $1.500000000e+00, v26;
	v18 =	vmul.f32 v18, v25  }
0x236: {  	v29 =	vmul.f32 $6.400000000e+01, v17;
	v16 =	vadd.f32 $1.500000000e+00, v16;
	v15 =	vmul.f32 v20, v15  }
0x237: {  	v23 =	vmul.f32 v23, v26;
	v20 =	vld [tilespmem:s12+$0x4B00];
	v19 =	vmul.f32 v18, v19  }
0x238: {  	v16 =	vmul.f32 v16, v4;
	v4 =	vmul.f32 v15, v21  }
0x239: {  	v53 =	vmul.f32 v23, v24;
	v19 =	vmul.f32 v19, v18  }
0x23a: {  	v54 =	vmul.f32 v16, v12;
	v4 =	vmul.f32 v4, v15  }
0x23b: {  	v26 =	vmul.f32 v52, v5;
	v21 =	vmul.f32 v53, v23;
	v19 =	vadd.f32 $1.500000000e+00, v19  }
0x23c: {  	v30 =	vmul.f32 v20, v3;
	v3 =	vmul.f32 $8.000160210e+00, v54;
	v4 =	vadd.f32 $1.500000000e+00, v4  }
0x23d: {  	v12 =	vmul.f32 $6.400000000e+01, v12;
	v31 =	vmul.f32 v19, v18;
	v19 =	vld [tilespmem:s13+$0x4B00]  }
0x23e: {  	v18 =	vadd.f32 $1.500000000e+00, v21;
	v3 =	vtrunc.f32 v3;
	v4 =	vmul.f32 v4, v15  }
0x23f: {  	v14 =	vmul.f32 v31, v14;
	v15 =	vcvt.f32.s32 v3  }
0x240: {  	v3 =	vmul.f32 v18, v23;
	v13 =	vmul.f32 v4, v13  }
0x241: {  	v56 =	vld [tilespmem:s0+$0x4B00];
	v14 =	vmul.f32 $8.000160210e+00, v14;
	v18 =	vcvt.s32.f32 v15  }
0x242: {  	v57 =	vld [tilespmem:s25+$0x4B00];
	v17 =	vmul.f32 v3, v17;
	v11 =	vmul.f32 v19, v11  }
0x243: {  	v13 =	vmul.f32 $8.000160210e+00, v13;
	v18 =	vmul.f32 v18, v18  }
0x244: {  	v5 =	vmul.f32 v19, v5;
	v17 =	vmul.f32 $8.000160210e+00, v17  }
0x245: {  	v14 =	vtrunc.f32 v14;
	vm0 =	vlt.f32 v12, v18;
	v12 =	vtrunc.f32 v13  }
0x246: {  	v13 =	vtrunc.f32 v17;
	v18 =	vcvt.f32.s32 v14  }
0x247: {  	v14 =	vmul.f32 v56, v9;
	v9 =	vmul.f32 v57, v9;
	v17 =	vsel vm0, $0xFFFFFFFF, v1  }
0x248: {  	s0 =	simm.s32 $0x9620;
	v32 =	vcvt.f32.s32 v12;
	v12 =	vadd.s32 v15, v17;
	v17 =	vmul.f32 v57, v10  }
0x249: {  	v33 =	vcvt.f32.s32 v13;
	v15 =	vld [tilespmem:s0+$0x10];
	v10 =	vmul.f32 v56, v10;
	vm0 =	vlt.s32 v12, $0x1F  }
0x24a: {  	s10 =	sadd.s32 $0x4C00, s10;
	v13 =	vnsel vm0, $0x1F, v12;
	v14 =	vadd.f32 v17, v14;
	v17 =	vcvt.s32.f32 v18  }
0x24b: {  	s9 =	sor.u32 s8, s10;
	v19 =	vld [tilespmem:s0+$0xFFFFFFE0];
	v35 =	vcvt.s32.f32 v33;
	v9 =	vsub.f32 v10, v9;
	v13 =	vshll.u32 v13, $0x4  }
0x24c: {  	v10 =	vld [tilespmem:s9+$0x0];
	v34 =	vor.u32 v2, v13;
	v13 =	vmul.f32 v16, v14;
	v14 =	vmul.f32 v17, v17  }
0x24d: {  	s8 =	sor.u32 s1, s10;
	v7 =	vmul.f32 v20, v7;
	v21 =	vmul.f32 v58, v6;
	vm0 =	vlt.s32 v12, $0x20;
	v17 =	vld [tilespmem:s23+$0x4B00]  }
0x24e: {  	s7 =	sor.u32 s7, s10;
	v12 =	vld [tilespmem:s8+$0x0];
	v15 =	vnsel vm0, $0x0, v15;
	vm0 =	vlt.f32 v28, v14;
	v14 =	vmul.f32 v35, v35  }
0x24f: {  	v22 =	vsub.f32 v30, v22;
	v16 =	vmul.f32 v16, v9;
	v9 =	vld [tilespmem:s7+$0x0];
	v60 =	vmul.f32 v15, v13  }
0x250: {  	v7 =	vadd.f32 v27, v7;
	v59 =	vcvt.s32.f32 v32;
	vm1 =	vlt.f32 v29, v14;
	v14 =	vld [tilespmem:s0+$0xFFFFFFF0]  }
0x251: {  	s2 =	sor.u32 s2, s10;
	v61 =	vmul.f32 v15, v16;
	v13 =	vmul.f32 v60, v13;
	[tilespmem:v34+s15+$0x0] =	vst.idx.add.f32.msk $0xffff, v15  }
0x252: {  	v8 =	vmul.f32 v17, v8;
	v6 =	vmul.f32 v17, v6;
	v17 =	vsub.f32 v11, v26;
	v11 =	vld [tilespmem:s2+$0x0]  }
0x253: {  	v23 =	vmul.f32 v59, v59;
	v15 =	vmul.f32 v15, v10;
	[tilespmem:v34+s16+$0x0] =	vst.idx.add.f32.msk $0xffff, v60  }
0x254: {  	v7 =	vmul.f32 v31, v7;
	[tilespmem:v34+s17+$0x0] =	vst.idx.add.f32.msk $0xffff, v13;
	v13 =	vmul.f32 v61, v16  }
0x255: {  	v16 =	vsel vm0, $0xFFFFFFFF, v1;
	v20 =	vmul.f32 v15, v10;
	vm0 =	vlt.f32 v51, v23;
	v10 =	vld [tilespmem:s0+$0x0]  }
0x256: {  	v63 =	vsel vm1, $0xFFFFFFFF, v1;
	v8 =	vsub.f32 v8, v21;
	[tilespmem:v34+s18+$0x0] =	vst.idx.add.f32.msk $0xffff, v61;
	v16 =	vadd.s32 v18, v16  }
0x257: {  	v18 =	vadd.f32 v55, v5;
	v5 =	vadd.s32 v33, v63;
	[tilespmem:v34+s19+$0x0] =	vst.idx.add.f32.msk $0xffff, v13;
	v13 =	vsel vm0, $0xFFFFFFFF, v1  }
0x258: {  	vm2 =	vlt.s32 v16, $0x20;
	vm0 =	vlt.s32 v5, $0x20;
	[tilespmem:v34+s20+$0x0] =	vst.idx.add.f32.msk $0xffff, v15;
	v15 =	vadd.s32 v32, v13  }
0x259: {  	s2 =	simm.s32 $0x0;
	v13 =	vadd.f32 v62, v6;
	v6 =	vmul.f32 v31, v22;
	vm1 =	vlt.s32 v15, $0x20;
	[tilespmem:v34+s21+$0x0] =	vst.idx.add.f32.msk $0xffff, v20  }
.LBB2_5:
0x25a: {  	s2 =	sadd.s32 $0x4, s2;
	v22 =	vnsel vm2, $0x0, v19;
	v18 =	vmul.f32 v4, v18;
	v17 =	vmul.f32 v4, v17  }
0x25b: {  	v20 =	vnsel vm1, $0x0, v14;
	v13 =	vmul.f32 v3, v13;
	v26 =	vmul.f32 v3, v8;
	s7 =	sshrl.u32 s2, $0x3  }
0x25c: {  	vm1 =	vlt.s32 v16, $0x1F;
	vm2 =	vlt.s32 v15, $0x1F;
	v3 =	vnsel vm0, $0x0, v10;
	s31 =	sadd.s32 $0x40, s31;
	s23 =	smul.u32 $0x180, s7  }
0x25d: {  	vm0 =	vlt.s32 v5, $0x1F;
	s8 =	sadd.s32 $0xFFFFFFE0, s31;
	s24 =	sand.u32 $0x70, s31;
	v27 =	vmul.f32 v22, v7;
	v28 =	vmul.f32 v22, v6;
	s7 =	sadd.s32 $0xFFFFFFD0, s31  }
0x25e: {  	s12 =	sadd.s32 $0xFFFFFFF0, s31;
	v8 =	vnsel vm1, $0x1F, v16;
	v29 =	vmul.f32 v22, v12;
	v30 =	vmul.f32 v20, v18;
	s11 =	sadd.s32 $0x80, s23;
	s9 =	sor.u32 s23, s24  }
0x25f: {  	v15 =	vnsel vm2, $0x1F, v15;
	v25 =	vmul.f32 v20, v9;
	v31 =	vmul.f32 v20, v17;
	s25 =	sand.u32 $0x40, s7;
	s7 =	sand.u32 $0x50, s8;
	v10 =	vld [tilespmem:s9+$0x0];
	s10 =	sor.u32 s24, s11  }
0x260: {  	v5 =	vnsel vm0, $0x1F, v5;
	v23 =	vmul.f32 v3, v13;
	v4 =	vmul.f32 v3, v26;
	s8 =	sand.u32 $0x60, s12;
	s26 =	sor.u32 s25, s11;
	s28 =	sor.u32 s7, s11;
	v14 =	vld [tilespmem:s10+$0x0]  }
0x261: {  	v21 =	vmul.f32 v3, v11;
	v8 =	vshll.u32 v8, $0x4;
	v15 =	vshll.u32 v15, $0x4;
	s12 =	sor.u32 s25, s23;
	s13 =	sor.u32 s23, s7;
	s11 =	sor.u32 s8, s11;
	v24 =	vld [tilespmem:s26+$0x0]  }
0x262: {  	p1 =	slt.u32 s2, $0x18C;
	v16 =	vshll.u32 v5, $0x4;
	v32 =	vmul.f32 v27, v7;
	v33 =	vmul.f32 v28, v6;
	s1 =	sor.u32 s23, s8;
	v19 =	vld [tilespmem:s28+$0x0]  }
0x263: {  	v34 =	vor.u32 v2, v8;
	v12 =	vmul.f32 v29, v12;
	v35 =	vmul.f32 v30, v18;
	v5 =	vld [tilespmem:s11+$0x0]  }
0x264: {  	v36 =	vor.u32 v2, v15;
	v9 =	vmul.f32 v25, v9;
	v37 =	vmul.f32 v31, v17;
	v6 =	vld [tilespmem:s12+$0x0]  }
0x265: {  	v38 =	vor.u32 v2, v16;
	v15 =	vmul.f32 v10, v10;
	v7 =	vld [tilespmem:s13+$0x0];
	v17 =	vmul.f32 v14, v14  }
0x266: {  	v39 =	vmul.f32 v23, v13;
	v16 =	vmul.f32 v24, v24;
	v8 =	vld [tilespmem:s1+$0x0]  }
0x267: {  	v26 =	vmul.f32 v4, v26;
	v18 =	vld [tilespmem:s26+$0x4B00];
	v40 =	vmul.f32 v19, v19;
	v41 =	vadd.f32 v17, v15  }
0x268: {  	v43 =	vmul.f32 v21, v11;
	v17 =	vld [tilespmem:s28+$0x4B00];
	v42 =	vmul.f32 v5, v5  }
0x269: {  	v11 =	vmul.f32 v6, v6;
	v13 =	vld [tilespmem:s11+$0x4B00];
	v44 =	vshra.s32 v41, $0x1;
	v45 =	vmul.f32 $-5.000000000e-01, v41  }
0x26a: {  	v15 =	vld [tilespmem:s12+$0x4B00];
	v46 =	vmul.f32 v7, v7;
	v44 =	vsub.s32 $0x5F3759DF, v44  }
0x26b: {  	v47 =	vadd.f32 v16, v11;
	v16 =	vld [tilespmem:s13+$0x4B00];
	v48 =	vmul.f32 v8, v8;
	v49 =	vmul.f32 v44, v45  }
0x26c: {  	v11 =	vmul.f32 v18, v24;
	v50 =	vmul.f32 v18, v6;
	v40 =	vadd.f32 v40, v46;
	v18 =	vld [tilespmem:s1+$0x4B00]  }
0x26d: {  	v46 =	vshra.s32 v47, $0x1;
	v42 =	vadd.f32 v42, v48;
	v48 =	vmul.f32 v44, v49;
	[tilespmem:v34+s15+$0x0] =	vst.idx.add.f32.msk $0xffff, v22  }
0x26e: {  	v49 =	vmul.f32 $-5.000000000e-01, v47;
	v22 =	vshra.s32 v40, $0x1;
	v51 =	vmul.f32 $-5.000000000e-01, v40;
	[tilespmem:v34+s16+$0x0] =	vst.idx.add.f32.msk $0xffff, v27  }
0x26f: {  	v27 =	vshra.s32 v42, $0x1;
	v52 =	vmul.f32 $-5.000000000e-01, v42;
	v48 =	vadd.f32 $1.500000000e+00, v48;
	[tilespmem:v34+s17+$0x0] =	vst.idx.add.f32.msk $0xffff, v32  }
0x270: {  	v32 =	vsub.s32 $0x5F3759DF, v46;
	v46 =	vsub.s32 $0x5F3759DF, v22;
	v27 =	vsub.s32 $0x5F3759DF, v27;
	[tilespmem:v34+s18+$0x0] =	vst.idx.add.f32.msk $0xffff, v28  }
0x271: {  	v22 =	vmul.f32 v32, v49;
	v28 =	vmul.f32 v44, v48;
	[tilespmem:v34+s19+$0x0] =	vst.idx.add.f32.msk $0xffff, v33  }
0x272: {  	v33 =	vmul.f32 v46, v51;
	v44 =	vmul.f32 v27, v52;
	[tilespmem:v34+s20+$0x0] =	vst.idx.add.f32.msk $0xffff, v29  }
0x273: {  	v22 =	vmul.f32 v32, v22;
	v29 =	vmul.f32 v28, v45;
	[tilespmem:v34+s21+$0x0] =	vst.idx.add.f32.msk $0xffff, v12  }
0x274: {  	v12 =	vmul.f32 v46, v33;
	v33 =	vmul.f32 v27, v44;
	[tilespmem:v36+s15+$0x0] =	vst.idx.add.f32.msk $0xffff, v20  }
0x275: {  	v34 =	vmul.f32 $6.400000000e+01, v47;
	v22 =	vadd.f32 $1.500000000e+00, v22;
	v29 =	vmul.f32 v29, v28;
	[tilespmem:v36+s16+$0x0] =	vst.idx.add.f32.msk $0xffff, v30  }
0x276: {  	v20 =	vmul.f32 $6.400000000e+01, v40;
	v12 =	vadd.f32 $1.500000000e+00, v12;
	v30 =	vadd.f32 $1.500000000e+00, v33;
	[tilespmem:v36+s17+$0x0] =	vst.idx.add.f32.msk $0xffff, v35  }
0x277: {  	v32 =	vmul.f32 v32, v22;
	v22 =	vmul.f32 $6.400000000e+01, v42;
	v29 =	vadd.f32 $1.500000000e+00, v29;
	[tilespmem:v36+s18+$0x0] =	vst.idx.add.f32.msk $0xffff, v31  }
0x278: {  	v12 =	vmul.f32 v46, v12;
	v27 =	vmul.f32 v27, v30;
	[tilespmem:v36+s19+$0x0] =	vst.idx.add.f32.msk $0xffff, v37  }
0x279: {  	v30 =	vmul.f32 v32, v49;
	v28 =	vmul.f32 v29, v28;
	[tilespmem:v36+s20+$0x0] =	vst.idx.add.f32.msk $0xffff, v25  }
0x27a: {  	v25 =	vmul.f32 v12, v51;
	v29 =	vmul.f32 v27, v52;
	[tilespmem:v36+s21+$0x0] =	vst.idx.add.f32.msk $0xffff, v9  }
0x27b: {  	v9 =	vmul.f32 v30, v32;
	v30 =	vmul.f32 v28, v41;
	[tilespmem:v38+s15+$0x0] =	vst.idx.add.f32.msk $0xffff, v3  }
0x27c: {  	v3 =	vmul.f32 v25, v12;
	v25 =	vmul.f32 v29, v27;
	[tilespmem:v38+s16+$0x0] =	vst.idx.add.f32.msk $0xffff, v23  }
0x27d: {  	v24 =	vmul.f32 v15, v24;
	v9 =	vadd.f32 $1.500000000e+00, v9;
	v29 =	vmul.f32 $8.000160210e+00, v30;
	[tilespmem:v38+s17+$0x0] =	vst.idx.add.f32.msk $0xffff, v39  }
0x27e: {  	v3 =	vadd.f32 $1.500000000e+00, v3;
	v30 =	vmul.f32 v17, v19;
	v25 =	vadd.f32 $1.500000000e+00, v25;
	[tilespmem:v38+s18+$0x0] =	vst.idx.add.f32.msk $0xffff, v4  }
0x27f: {  	v24 =	vsub.f32 v24, v50;
	v23 =	vmul.f32 v9, v32;
	v9 =	vtrunc.f32 v29;
	[tilespmem:v38+s19+$0x0] =	vst.idx.add.f32.msk $0xffff, v26  }
0x280: {  	v4 =	vmul.f32 v3, v12;
	v9 =	vcvt.f32.s32 v9;
	[tilespmem:v38+s20+$0x0] =	vst.idx.add.f32.msk $0xffff, v21  }
0x281: {  	v3 =	vmul.f32 v25, v27;
	v12 =	vmul.f32 v23, v47;
	[tilespmem:v38+s21+$0x0] =	vst.idx.add.f32.msk $0xffff, v43  }
0x282: {  	v21 =	vmul.f32 v4, v40;
	v25 =	vcvt.s32.f32 v9  }
0x283: {  	v26 =	vmul.f32 v3, v42;
	v12 =	vmul.f32 $8.000160210e+00, v12;
	v27 =	vld [tilespmem:s9+$0x4B00]  }
0x284: {  	v31 =	vmul.f32 $6.400000000e+01, v41;
	v29 =	vld [tilespmem:s10+$0x4B00];
	v25 =	vmul.f32 v25, v25  }
0x285: {  	v21 =	vmul.f32 $8.000160210e+00, v21;
	v26 =	vmul.f32 $8.000160210e+00, v26  }
0x286: {  	v32 =	vmul.f32 v16, v19;
	v12 =	vtrunc.f32 v12;
	vm0 =	vlt.f32 v31, v25  }
0x287: {  	v19 =	vtrunc.f32 v21;
	v21 =	vtrunc.f32 v26;
	v25 =	vsel vm0, $0xFFFFFFFF, v1  }
0x288: {  	s0 =	sadd.s32 $0x40, s0;
	v26 =	vcvt.f32.s32 v12;
	v31 =	vcvt.f32.s32 v19;
	v9 =	vadd.s32 v9, v25  }
0x289: {  	v25 =	vmul.f32 v27, v10;
	v12 =	vld [tilespmem:s0+$0x10];
	vm0 =	vlt.s32 v9, $0x1F;
	v33 =	vmul.f32 v29, v14  }
0x28a: {  	v21 =	vcvt.f32.s32 v21;
	v27 =	vmul.f32 v27, v14;
	v19 =	vld [tilespmem:s0+$0xFFFFFFE0];
	v35 =	vnsel vm0, $0x1F, v9  }
0x28b: {  	v29 =	vmul.f32 v29, v10;
	v14 =	vld [tilespmem:s0+$0xFFFFFFF0];
	v25 =	vadd.f32 v33, v25;
	v33 =	vshll.u32 v35, $0x4  }
0x28c: {  	s1 =	sadd.s32 $0x4C00, s23;
	v36 =	vcvt.s32.f32 v31;
	v35 =	vcvt.s32.f32 v26;
	v10 =	vld [tilespmem:s0+$0x0];
	v33 =	vor.u32 v2, v33  }
0x28d: {  	s7 =	sor.u32 s7, s1;
	s9 =	sor.u32 s25, s1;
	s10 =	sor.u32 s24, s1;
	vm0 =	vlt.s32 v9, $0x20;
	v9 =	vsub.f32 v27, v29;
	v25 =	vmul.f32 v28, v25  }
0x28e: {  	s1 =	sor.u32 s8, s1;
	v29 =	vcvt.s32.f32 v21;
	v27 =	vmul.f32 v35, v35;
	v35 =	vld [tilespmem:s10+$0x0];
	v37 =	vnsel vm0, $0x0, v12  }
0x28f: {  	v28 =	vmul.f32 v28, v9;
	v12 =	vld [tilespmem:s9+$0x0];
	v38 =	vmul.f32 v37, v25  }
0x290: {  	v29 =	vmul.f32 v29, v29;
	vm0 =	vlt.f32 v34, v27;
	v27 =	vmul.f32 v36, v36;
	v9 =	vld [tilespmem:s7+$0x0]  }
0x291: {  	v36 =	vmul.f32 v37, v28;
	v34 =	vsel vm0, $0xFFFFFFFF, v1;
	[tilespmem:v33+s15+$0x0] =	vst.idx.add.f32.msk $0xffff, v37;
	v25 =	vmul.f32 v38, v25  }
0x292: {  	v17 =	vmul.f32 v17, v7;
	v39 =	vmul.f32 v13, v5;
	[tilespmem:v33+s16+$0x0] =	vst.idx.add.f32.msk $0xffff, v38  }
0x293: {  	v37 =	vmul.f32 v37, v35;
	[tilespmem:v33+s17+$0x0] =	vst.idx.add.f32.msk $0xffff, v25;
	v25 =	vmul.f32 v36, v28  }
0x294: {  	v5 =	vmul.f32 v18, v5;
	v28 =	vmul.f32 v13, v8;
	[tilespmem:v33+s18+$0x0] =	vst.idx.add.f32.msk $0xffff, v36  }
0x295: {  	v6 =	vmul.f32 v15, v6;
	[tilespmem:v33+s19+$0x0] =	vst.idx.add.f32.msk $0xffff, v25;
	v13 =	vmul.f32 v37, v35  }
0x296: {  	v7 =	vmul.f32 v16, v7;
	v8 =	vmul.f32 v18, v8;
	[tilespmem:v33+s20+$0x0] =	vst.idx.add.f32.msk $0xffff, v37  }
0x297: {  	vm1 =	vlt.f32 v22, v29;
	vm0 =	vlt.f32 v20, v27;
	[tilespmem:v33+s21+$0x0] =	vst.idx.add.f32.msk $0xffff, v13  }
.Ltmp5:
0x298: {  	v6 =	vadd.f32 v11, v6;
	v20 =	vsel vm1, $0xFFFFFFFF, v1;
	v13 =	vsel vm0, $0xFFFFFFFF, v1;
	v11 =	vld [tilespmem:s1+$0x0];
	(pc) =	sbr.rel @p1 .LBB2_5-.Ltmp5, $4  }
0x299: {  	v17 =	vsub.f32 v32, v17;
	v16 =	vadd.s32 v26, v34;
	v18 =	vadd.f32 v30, v7  }
0x29a: {  	v15 =	vadd.s32 v31, v13;
	v13 =	vadd.f32 v39, v8;
	v8 =	vsub.f32 v5, v28  }
0x29b: {  	vm2 =	vlt.s32 v16, $0x20;
	v5 =	vadd.s32 v21, v20;
	vm1 =	vlt.s32 v15, $0x20  }
0x29c: {  	v7 =	vmul.f32 v23, v6;
	v6 =	vmul.f32 v23, v24;
	vm0 =	vlt.s32 v5, $0x20  }
0x29d: {  	vm3 =	vlt.s32 v16, $0x1F  }
0x29e: {  	vm14 =	vlt.s32 v15, $0x1F;
	v16 =	vnsel vm3, $0x1F, v16  }
0x29f: {  	vm15 =	vlt.s32 v5, $0x1F;
	v15 =	vnsel vm14, $0x1F, v15;
	v16 =	vshll.u32 v16, $0x4  }
0x2a0: {  	v5 =	vnsel vm15, $0x1F, v5;
	v15 =	vshll.u32 v15, $0x4;
	v16 =	vor.u32 v2, v16  }
0x2a1: {  	v5 =	vshll.u32 v5, $0x4;
	v15 =	vor.u32 v2, v15  }
0x2a2: {  	v5 =	vor.u32 v2, v5;
	_ =	sdelay $0x1  }
0x2a3: {  	v19 =	vnsel vm2, $0x0, v19  }
0x2a4: {  	v55 =	vmul.f32 v4, v18;
	v14 =	vnsel vm1, $0x0, v14;
	[tilespmem:v16+s15+$0x0] =	vst.idx.add.f32.msk $0xffff, v19  }
0x2a5: {  	v59 =	vmul.f32 v3, v13;
	v60 =	vnsel vm0, $0x0, v10;
	v20 =	vmul.f32 v19, v7;
	[tilespmem:v15+s15+$0x0] =	vst.idx.add.f32.msk $0xffff, v14  }
0x2a6: {  	v57 =	vmul.f32 v14, v55;
	[tilespmem:v5+s15+$0x0] =	vst.idx.add.f32.msk $0xffff, v60  }
0x2a7: {  	v61 =	vmul.f32 v60, v59;
	[tilespmem:v16+s16+$0x0] =	vst.idx.add.f32.msk $0xffff, v20  }
0x2a8: {  	v21 =	vmul.f32 v19, v6;
	v7 =	vmul.f32 v20, v7;
	[tilespmem:v15+s16+$0x0] =	vst.idx.add.f32.msk $0xffff, v57  }
0x2a9: {  	[tilespmem:v5+s16+$0x0] =	vst.idx.add.f32.msk $0xffff, v61  }
0x2aa: {  	v6 =	vmul.f32 v21, v6;
	[tilespmem:v16+s17+$0x0] =	vst.idx.add.f32.msk $0xffff, v7  }
0x2ab: {  	v56 =	vmul.f32 v4, v17;
	v7 =	vmul.f32 v57, v55;
	[tilespmem:v16+s18+$0x0] =	vst.idx.add.f32.msk $0xffff, v21  }
0x2ac: {  	v19 =	vmul.f32 v19, v12;
	[tilespmem:v16+s19+$0x0] =	vst.idx.add.f32.msk $0xffff, v6  }
0x2ad: {  	v58 =	vmul.f32 v14, v56;
	[tilespmem:v15+s17+$0x0] =	vst.idx.add.f32.msk $0xffff, v7  }
0x2ae: {  	v12 =	vmul.f32 v19, v12;
	[tilespmem:v16+s20+$0x0] =	vst.idx.add.f32.msk $0xffff, v19  }
0x2af: {  	v4 =	vmul.f32 v58, v56;
	[tilespmem:v15+s18+$0x0] =	vst.idx.add.f32.msk $0xffff, v58  }
0x2b0: {  	v3 =	vmul.f32 v3, v8;
	v6 =	vmul.f32 v61, v59;
	[tilespmem:v16+s21+$0x0] =	vst.idx.add.f32.msk $0xffff, v12  }
0x2b1: {  	v14 =	vmul.f32 v14, v9;
	[tilespmem:v15+s19+$0x0] =	vst.idx.add.f32.msk $0xffff, v4  }
0x2b2: {  	v8 =	vmul.f32 v60, v3;
	[tilespmem:v5+s17+$0x0] =	vst.idx.add.f32.msk $0xffff, v6  }
0x2b3: {  	p1 =	sgt.u32 s30, $0x230;
	v9 =	vmul.f32 v14, v9;
	[tilespmem:v15+s20+$0x0] =	vst.idx.add.f32.msk $0xffff, v14  }
.Ltmp6:
0x2b4: {  	v62 =	vmul.f32 v60, v11;
	v3 =	vmul.f32 v8, v3;
	[tilespmem:v5+s18+$0x0] =	vst.idx.add.f32.msk $0xffff, v8;
	(pc) =	sbr.rel @p1 .LBB2_8-.Ltmp6, $4  }
0x2b5: {  	[tilespmem:v15+s21+$0x0] =	vst.idx.add.f32.msk $0xffff, v9  }
0x2b6: {  	v63 =	vmul.f32 v62, v11;
	[tilespmem:v5+s19+$0x0] =	vst.idx.add.f32.msk $0xffff, v3  }
0x2b7: {  	[tilespmem:v5+s20+$0x0] =	vst.idx.add.f32.msk $0xffff, v62  }
0x2b8: {  	[tilespmem:v5+s21+$0x0] =	vst.idx.add.f32.msk $0xffff, v63  }
0x2b9: {  	s0 =	sadd.s32 $0x40, s30  }
0x2ba: {  	s1 =	smul.u32 $0x960, s0;
	_ =	sdelay $0x1  }
0x2bb: {  	s7 =	simm.s32 $0x0;
	s2 =	sadd.s32 s4, s1  }
0x2bc: {  	[tilespmem:s7], [sflag:$0x1] =	stream.linear.gather [hbm4b:s2+s7], $0x4B00, $0x38;
	[tilespmem:$0x16D00] =	vst v63  }
.Ltmp7:
0x2bd: {  	_ = 	snop;
	(pc) =	sbr.rel .LBB2_9-.Ltmp7, $4  }
0x2be: {  	s30 =	simm.s32 $0x4B00;
	s0 =	smul.u32 $0x320, s0;
	s1 =	sadd.s32 s5, s1  }
0x2bf: {  	[tilespmem:s30], [sflag:$0x1] =	stream.linear.gather [hbm4b:s1+s7], $0x4B00, $0x38;
	[tilespmem:$0x16D00] =	vst v63  }
0x2c0: {  	s31 =	simm.s32 $0x9600;
	s0 =	sadd.s32 s3, s0  }
0x2c1: {  	[tilespmem:s31], [sflag:$0x1] =	stream.linear.gather [hbm4b:s0+s7], $0x1900, $0x38;
	[tilespmem:$0x16D00] =	vst v63  }
.LBB2_8:
.Ltmp8:
0x2c2: {  	(pc) =	sbr.rel @p0 .LBB2_12-.Ltmp8, $1  }
0x2c3: {  	_ =	sdelay $0x3  }
.LBB2_9:
0x2c4: {  	_ =	swait.ge [sflag:s22], $0x4B00  }
0x2c5: {  	[sflag:s22] =	ssyncset.done $0x0  }
0x2c6: {  	[sflag:s22] =	ssyncadd.s32 $0xFFFFB500  }
0x2c7: {  	_ =	swait.ge [sflag:s22], $0x4B00  }
0x2c8: {  	[sflag:s22] =	ssyncset.done $0x0  }
0x2c9: {  	s0 =	simm.s32 $0x0;
	[sflag:s22] =	ssyncadd.s32 $0xFFFFB500  }
0x2ca: {  	s30 =	simm.s32 $0x30;
	s10 =	smul.u32 $0x180, s0;
	_ =	swait.ge [sflag:s22], $0x1900  }
0x2cb: {  	s2 =	simm.s32 $0x10;
	s9 =	sand.u32 $0x70, s30;
	[sflag:s22] =	ssyncset.done $0x0  }
0x2cc: {  	s11 =	sadd.s32 $0x80, s10;
	s0 =	sor.u32 s10, s9;
	[sflag:s22] =	ssyncadd.s32 $0xFFFFE700  }
0x2cd: {  	s1 =	simm.s32 $0x0;
	s7 =	sand.u32 $0x50, s2;
	s25 =	sor.u32 s9, s11;
	v9 =	vld [tilespmem:s0+$0xAF00]  }
0x2ce: {  	s8 =	sand.u32 $0x40, s1;
	s13 =	sor.u32 s7, s11;
	v10 =	vld [tilespmem:s25+$0xAF00]  }
0x2cf: {  	s26 =	sor.u32 s8, s10;
	v11 =	vld [tilespmem:s13+$0xAF00]  }
0x2d0: {  	s24 =	simm.s32 $0x20;
	s28 =	sor.u32 s10, s7;
	v7 =	vld [tilespmem:s26+$0xAF00]  }
0x2d1: {  	s2 =	sand.u32 $0x60, s24;
	s12 =	sor.u32 s8, s11;
	v5 =	vld [tilespmem:s28+$0xAF00]  }
0x2d2: {  	s24 =	sor.u32 s2, s11;
	v3 =	vld [tilespmem:s12+$0xAF00]  }
0x2d3: {  	s23 =	sor.u32 s10, s2;
	v8 =	vld [tilespmem:s24+$0xAF00];
	v4 =	vmul.f32 v9, v9;
	v12 =	vmul.f32 v10, v10  }
0x2d4: {  	v6 =	vld [tilespmem:s23+$0xAF00]  }
0x2d5: {  	v22 =	vld [tilespmem:s12+$0xFA00];
	v13 =	vmul.f32 v11, v11;
	v12 =	vadd.f32 v12, v4  }
0x2d6: {  	v14 =	vmul.f32 v7, v7;
	v18 =	vmul.f32 v5, v5  }
0x2d7: {  	v4 =	vmul.f32 v3, v3;
	v15 =	vshra.s32 v12, $0x1;
	v16 =	vmul.f32 $-5.000000000e-01, v12  }
0x2d8: {  	v17 =	vmul.f32 v8, v8;
	v13 =	vadd.f32 v13, v18;
	v15 =	vsub.s32 $0x5F3759DF, v15  }
0x2d9: {  	v14 =	vadd.f32 v4, v14;
	v4 =	vmul.f32 v6, v6;
	v19 =	vmul.f32 v15, v16  }
0x2da: {  	v27 =	vmul.f32 v22, v3  }
0x2db: {  	v20 =	vshra.s32 v13, $0x1;
	v17 =	vadd.f32 v17, v4;
	v4 =	vmul.f32 v15, v19  }
0x2dc: {  	v22 =	vmul.f32 v22, v7;
	v21 =	vmul.f32 $-5.000000000e-01, v13;
	v20 =	vsub.s32 $0x5F3759DF, v20  }
0x2dd: {  	v18 =	vshra.s32 v14, $0x1;
	v19 =	vmul.f32 $-5.000000000e-01, v14;
	v4 =	vadd.f32 $1.500000000e+00, v4  }
0x2de: {  	v53 =	vld [tilespmem:s13+$0xFA00];
	v18 =	vsub.s32 $0x5F3759DF, v18;
	v23 =	vshra.s32 v17, $0x1;
	v24 =	vmul.f32 $-5.000000000e-01, v17  }
0x2df: {  	v57 =	vld [tilespmem:s28+$0xFA00];
	v23 =	vsub.s32 $0x5F3759DF, v23;
	v25 =	vmul.f32 v18, v19;
	v4 =	vmul.f32 v15, v4  }
0x2e0: {  	v26 =	vmul.f32 v23, v24;
	v15 =	vmul.f32 v20, v21  }
0x2e1: {  	v25 =	vmul.f32 v18, v25;
	v16 =	vmul.f32 v4, v16  }
0x2e2: {  	v26 =	vmul.f32 v23, v26;
	v15 =	vmul.f32 v20, v15  }
0x2e3: {  	v56 =	vmul.f32 v53, v11;
	v25 =	vadd.f32 $1.500000000e+00, v25;
	v16 =	vmul.f32 v16, v4  }
0x2e4: {  	v11 =	vmul.f32 v57, v11;
	v26 =	vadd.f32 $1.500000000e+00, v26;
	v15 =	vadd.f32 $1.500000000e+00, v15  }
0x2e5: {  	v52 =	vmul.f32 $6.400000000e+01, v13;
	v18 =	vmul.f32 v18, v25;
	v16 =	vadd.f32 $1.500000000e+00, v16  }
0x2e6: {  	v23 =	vmul.f32 v23, v26;
	v15 =	vmul.f32 v20, v15;
	v20 =	vld [tilespmem:s26+$0xFA00]  }
0x2e7: {  	v19 =	vmul.f32 v18, v19;
	v16 =	vmul.f32 v16, v4  }
0x2e8: {  	v54 =	vmul.f32 v23, v24;
	v4 =	vmul.f32 v15, v21  }
0x2e9: {  	v19 =	vmul.f32 v19, v18;
	v55 =	vmul.f32 v16, v12  }
0x2ea: {  	v21 =	vmul.f32 v54, v23;
	v4 =	vmul.f32 v4, v15  }
0x2eb: {  	v19 =	vadd.f32 $1.500000000e+00, v19;
	v30 =	vmul.f32 v20, v3;
	v3 =	vmul.f32 $8.000160210e+00, v55  }
0x2ec: {  	v28 =	vmul.f32 $6.400000000e+01, v14;
	v29 =	vmul.f32 $6.400000000e+01, v17;
	v4 =	vadd.f32 $1.500000000e+00, v4  }
0x2ed: {  	v31 =	vmul.f32 v19, v18;
	v18 =	vadd.f32 $1.500000000e+00, v21;
	v3 =	vtrunc.f32 v3  }
0x2ee: {  	v4 =	vmul.f32 v4, v15;
	v15 =	vcvt.f32.s32 v3  }
0x2ef: {  	v59 =	vld [tilespmem:s24+$0xFA00];
	v12 =	vmul.f32 $6.400000000e+01, v12;
	v3 =	vmul.f32 v18, v23  }
0x2f0: {  	v14 =	vmul.f32 v31, v14;
	v18 =	vcvt.s32.f32 v15  }
0x2f1: {  	v58 =	vld [tilespmem:s25+$0xFA00];
	v13 =	vmul.f32 v4, v13;
	v17 =	vmul.f32 v3, v17  }
0x2f2: {  	v19 =	vld [tilespmem:s0+$0xFA00];
	v14 =	vmul.f32 $8.000160210e+00, v14;
	v18 =	vmul.f32 v18, v18  }
0x2f3: {  	v13 =	vmul.f32 $8.000160210e+00, v13;
	v17 =	vmul.f32 $8.000160210e+00, v17  }
0x2f4: {  	v62 =	vmul.f32 v59, v8;
	v14 =	vtrunc.f32 v14;
	vm0 =	vlt.f32 v12, v18  }
0x2f5: {  	v12 =	vtrunc.f32 v13;
	v13 =	vtrunc.f32 v17;
	v17 =	vsel vm0, $0xFFFFFFFF, v1  }
0x2f6: {  	s0 =	simm.s32 $0x14520;
	v14 =	vcvt.f32.s32 v14;
	v32 =	vcvt.f32.s32 v12;
	v12 =	vadd.s32 v15, v17  }
0x2f7: {  	v18 =	vmul.f32 v58, v10;
	v15 =	vmul.f32 v19, v9;
	v17 =	vld [tilespmem:s0+$0x10];
	vm0 =	vlt.s32 v12, $0x1F  }
0x2f8: {  	v10 =	vmul.f32 v19, v10;
	v33 =	vcvt.f32.s32 v13;
	v13 =	vnsel vm0, $0x1F, v12  }
0x2f9: {  	s31 =	sadd.s32 $0xFB00, s10;
	v9 =	vmul.f32 v58, v9;
	v15 =	vadd.f32 v18, v15;
	v13 =	vshll.u32 v13, $0x4  }
0x2fa: {  	s9 =	sor.u32 s9, s31;
	v26 =	vmul.f32 v53, v5;
	v18 =	vcvt.s32.f32 v14;
	v35 =	vor.u32 v2, v13  }
0x2fb: {  	v9 =	vsub.f32 v10, v9;
	vm0 =	vlt.s32 v12, $0x20;
	v10 =	vmul.f32 v16, v15;
	v15 =	vld [tilespmem:s9+$0x0]  }
0x2fc: {  	v7 =	vmul.f32 v20, v7;
	v13 =	vmul.f32 v18, v18;
	v18 =	vld [tilespmem:s23+$0xFA00];
	v17 =	vnsel vm0, $0x0, v17  }
0x2fd: {  	v19 =	vld [tilespmem:s0+$0xFFFFFFE0];
	v9 =	vmul.f32 v16, v9;
	v16 =	vmul.f32 v17, v10  }
0x2fe: {  	v5 =	vmul.f32 v57, v5;
	v7 =	vadd.f32 v27, v7;
	v36 =	vcvt.s32.f32 v33;
	v12 =	vld [tilespmem:s0+$0xFFFFFFF0]  }
0x2ff: {  	v34 =	vcvt.s32.f32 v32;
	vm0 =	vlt.f32 v28, v13;
	v10 =	vmul.f32 v16, v10;
	[tilespmem:v35+s15+$0x0] =	vst.idx.add.f32.msk $0xffff, v17  }
0x300: {  	v13 =	vmul.f32 v36, v36;
	v61 =	vmul.f32 v17, v9;
	[tilespmem:v35+s16+$0x0] =	vst.idx.add.f32.msk $0xffff, v16  }
0x301: {  	s8 =	sor.u32 s8, s31;
	v8 =	vmul.f32 v18, v8;
	v16 =	vmul.f32 v17, v15;
	[tilespmem:v35+s17+$0x0] =	vst.idx.add.f32.msk $0xffff, v10  }
0x302: {  	s7 =	sor.u32 s7, s31;
	v17 =	vsel vm0, $0xFFFFFFFF, v1;
	v10 =	vmul.f32 v59, v6;
	v6 =	vmul.f32 v18, v6;
	v18 =	vld [tilespmem:s8+$0x0]  }
0x303: {  	v60 =	vmul.f32 v34, v34;
	v9 =	vmul.f32 v61, v9;
	v14 =	vadd.s32 v14, v17;
	v17 =	vld [tilespmem:s7+$0x0]  }
0x304: {  	v22 =	vsub.f32 v30, v22;
	vm1 =	vlt.f32 v29, v13;
	[tilespmem:v35+s18+$0x0] =	vst.idx.add.f32.msk $0xffff, v61  }
0x305: {  	v7 =	vmul.f32 v31, v7;
	v63 =	vsel vm1, $0xFFFFFFFF, v1;
	vm0 =	vlt.f32 v52, v60;
	[tilespmem:v35+s19+$0x0] =	vst.idx.add.f32.msk $0xffff, v9  }
0x306: {  	s1 =	sor.u32 s2, s31;
	v13 =	vsel vm0, $0xFFFFFFFF, v1;
	v20 =	vmul.f32 v16, v15;
	v15 =	vsub.f32 v11, v26;
	v9 =	vld [tilespmem:s0+$0x0]  }
0x307: {  	v13 =	vadd.s32 v32, v13;
	v11 =	vadd.f32 v62, v6;
	v8 =	vsub.f32 v8, v10;
	v10 =	vld [tilespmem:s1+$0x0]  }
0x308: {  	vm2 =	vlt.s32 v14, $0x20;
	[tilespmem:v35+s20+$0x0] =	vst.idx.add.f32.msk $0xffff, v16;
	v16 =	vadd.f32 v56, v5;
	v5 =	vadd.s32 v33, v63  }
0x309: {  	s2 =	simm.s32 $0x0;
	vm1 =	vlt.s32 v13, $0x20;
	v6 =	vmul.f32 v31, v22;
	[tilespmem:v35+s21+$0x0] =	vst.idx.add.f32.msk $0xffff, v20;
	vm0 =	vlt.s32 v5, $0x20  }
.LBB2_10:
0x30a: {  	s2 =	sadd.s32 $0x4, s2;
	v22 =	vnsel vm2, $0x0, v19;
	v16 =	vmul.f32 v4, v16;
	v15 =	vmul.f32 v4, v15  }
0x30b: {  	v20 =	vnsel vm1, $0x0, v12;
	v11 =	vmul.f32 v3, v11;
	v26 =	vmul.f32 v3, v8;
	s1 =	sshrl.u32 s2, $0x3  }
0x30c: {  	vm1 =	vlt.s32 v14, $0x1F;
	vm2 =	vlt.s32 v13, $0x1F;
	v3 =	vnsel vm0, $0x0, v9;
	s30 =	sadd.s32 $0x40, s30;
	s23 =	smul.u32 $0x180, s1  }
0x30d: {  	vm0 =	vlt.s32 v5, $0x1F;
	s8 =	sadd.s32 $0xFFFFFFE0, s30;
	s24 =	sand.u32 $0x70, s30;
	v27 =	vmul.f32 v22, v7;
	v28 =	vmul.f32 v22, v6;
	s1 =	sadd.s32 $0xFFFFFFD0, s30  }
0x30e: {  	s12 =	sadd.s32 $0xFFFFFFF0, s30;
	v8 =	vnsel vm1, $0x1F, v14;
	v29 =	vmul.f32 v22, v18;
	v30 =	vmul.f32 v20, v16;
	s11 =	sadd.s32 $0x80, s23;
	s9 =	sor.u32 s23, s24  }
0x30f: {  	v13 =	vnsel vm2, $0x1F, v13;
	v25 =	vmul.f32 v20, v17;
	s25 =	sand.u32 $0x50, s8;
	v31 =	vmul.f32 v20, v15;
	s7 =	sand.u32 $0x40, s1;
	v9 =	vld [tilespmem:s9+$0xAF00];
	s10 =	sor.u32 s24, s11  }
0x310: {  	v5 =	vnsel vm0, $0x1F, v5;
	s8 =	sand.u32 $0x60, s12;
	v23 =	vmul.f32 v3, v11;
	v4 =	vmul.f32 v3, v26;
	s1 =	sor.u32 s7, s11;
	s13 =	sor.u32 s25, s11;
	v12 =	vld [tilespmem:s10+$0xAF00]  }
0x311: {  	v21 =	vmul.f32 v3, v10;
	v8 =	vshll.u32 v8, $0x4;
	v13 =	vshll.u32 v13, $0x4;
	s12 =	sor.u32 s7, s23;
	s26 =	sor.u32 s23, s25;
	s11 =	sor.u32 s8, s11;
	v24 =	vld [tilespmem:s1+$0xAF00]  }
0x312: {  	p0 =	slt.u32 s2, $0x18C;
	v14 =	vshll.u32 v5, $0x4;
	v32 =	vmul.f32 v27, v7;
	v33 =	vmul.f32 v28, v6;
	s28 =	sor.u32 s23, s8;
	v19 =	vld [tilespmem:s13+$0xAF00]  }
0x313: {  	v34 =	vor.u32 v2, v8;
	v18 =	vmul.f32 v29, v18;
	v35 =	vmul.f32 v30, v16;
	v5 =	vld [tilespmem:s11+$0xAF00]  }
0x314: {  	v36 =	vor.u32 v2, v13;
	v17 =	vmul.f32 v25, v17;
	v37 =	vmul.f32 v31, v15;
	v6 =	vld [tilespmem:s12+$0xAF00]  }
0x315: {  	v38 =	vor.u32 v2, v14;
	v13 =	vmul.f32 v9, v9;
	v7 =	vld [tilespmem:s26+$0xAF00];
	v15 =	vmul.f32 v12, v12  }
0x316: {  	v39 =	vmul.f32 v23, v11;
	v14 =	vmul.f32 v24, v24;
	v8 =	vld [tilespmem:s28+$0xAF00]  }
0x317: {  	v26 =	vmul.f32 v4, v26;
	v16 =	vld [tilespmem:s1+$0xFA00];
	v40 =	vmul.f32 v19, v19;
	v41 =	vadd.f32 v15, v13  }
0x318: {  	v43 =	vmul.f32 v21, v10;
	v15 =	vld [tilespmem:s13+$0xFA00];
	v42 =	vmul.f32 v5, v5  }
0x319: {  	v10 =	vmul.f32 v6, v6;
	v11 =	vld [tilespmem:s11+$0xFA00];
	v44 =	vshra.s32 v41, $0x1;
	v45 =	vmul.f32 $-5.000000000e-01, v41  }
0x31a: {  	v13 =	vld [tilespmem:s12+$0xFA00];
	v46 =	vmul.f32 v7, v7;
	v44 =	vsub.s32 $0x5F3759DF, v44  }
0x31b: {  	v47 =	vadd.f32 v14, v10;
	v14 =	vld [tilespmem:s26+$0xFA00];
	v48 =	vmul.f32 v8, v8;
	v49 =	vmul.f32 v44, v45  }
0x31c: {  	v10 =	vmul.f32 v16, v24;
	v50 =	vmul.f32 v16, v6;
	v40 =	vadd.f32 v40, v46;
	v16 =	vld [tilespmem:s28+$0xFA00]  }
0x31d: {  	v46 =	vshra.s32 v47, $0x1;
	v42 =	vadd.f32 v42, v48;
	v48 =	vmul.f32 v44, v49;
	[tilespmem:v34+s15+$0x0] =	vst.idx.add.f32.msk $0xffff, v22  }
0x31e: {  	v49 =	vmul.f32 $-5.000000000e-01, v47;
	v22 =	vshra.s32 v40, $0x1;
	v51 =	vmul.f32 $-5.000000000e-01, v40;
	[tilespmem:v34+s16+$0x0] =	vst.idx.add.f32.msk $0xffff, v27  }
0x31f: {  	v27 =	vshra.s32 v42, $0x1;
	v52 =	vmul.f32 $-5.000000000e-01, v42;
	v48 =	vadd.f32 $1.500000000e+00, v48;
	[tilespmem:v34+s17+$0x0] =	vst.idx.add.f32.msk $0xffff, v32  }
0x320: {  	v32 =	vsub.s32 $0x5F3759DF, v46;
	v46 =	vsub.s32 $0x5F3759DF, v22;
	v27 =	vsub.s32 $0x5F3759DF, v27;
	[tilespmem:v34+s18+$0x0] =	vst.idx.add.f32.msk $0xffff, v28  }
0x321: {  	v22 =	vmul.f32 v32, v49;
	v28 =	vmul.f32 v44, v48;
	[tilespmem:v34+s19+$0x0] =	vst.idx.add.f32.msk $0xffff, v33  }
0x322: {  	v33 =	vmul.f32 v46, v51;
	v44 =	vmul.f32 v27, v52;
	[tilespmem:v34+s20+$0x0] =	vst.idx.add.f32.msk $0xffff, v29  }
0x323: {  	v22 =	vmul.f32 v32, v22;
	v29 =	vmul.f32 v28, v45;
	[tilespmem:v34+s21+$0x0] =	vst.idx.add.f32.msk $0xffff, v18  }
0x324: {  	v18 =	vmul.f32 v46, v33;
	v33 =	vmul.f32 v27, v44;
	[tilespmem:v36+s15+$0x0] =	vst.idx.add.f32.msk $0xffff, v20  }
0x325: {  	v34 =	vmul.f32 $6.400000000e+01, v47;
	v22 =	vadd.f32 $1.500000000e+00, v22;
	v29 =	vmul.f32 v29, v28;
	[tilespmem:v36+s16+$0x0] =	vst.idx.add.f32.msk $0xffff, v30  }
0x326: {  	v20 =	vmul.f32 $6.400000000e+01, v40;
	v18 =	vadd.f32 $1.500000000e+00, v18;
	v30 =	vadd.f32 $1.500000000e+00, v33;
	[tilespmem:v36+s17+$0x0] =	vst.idx.add.f32.msk $0xffff, v35  }
0x327: {  	v32 =	vmul.f32 v32, v22;
	v22 =	vmul.f32 $6.400000000e+01, v42;
	v29 =	vadd.f32 $1.500000000e+00, v29;
	[tilespmem:v36+s18+$0x0] =	vst.idx.add.f32.msk $0xffff, v31  }
0x328: {  	v18 =	vmul.f32 v46, v18;
	v27 =	vmul.f32 v27, v30;
	[tilespmem:v36+s19+$0x0] =	vst.idx.add.f32.msk $0xffff, v37  }
0x329: {  	v30 =	vmul.f32 v32, v49;
	v28 =	vmul.f32 v29, v28;
	[tilespmem:v36+s20+$0x0] =	vst.idx.add.f32.msk $0xffff, v25  }
0x32a: {  	v25 =	vmul.f32 v18, v51;
	v29 =	vmul.f32 v27, v52;
	[tilespmem:v36+s21+$0x0] =	vst.idx.add.f32.msk $0xffff, v17  }
0x32b: {  	v17 =	vmul.f32 v30, v32;
	v30 =	vmul.f32 v28, v41;
	[tilespmem:v38+s15+$0x0] =	vst.idx.add.f32.msk $0xffff, v3  }
0x32c: {  	v3 =	vmul.f32 v25, v18;
	v25 =	vmul.f32 v29, v27;
	[tilespmem:v38+s16+$0x0] =	vst.idx.add.f32.msk $0xffff, v23  }
0x32d: {  	v24 =	vmul.f32 v13, v24;
	v17 =	vadd.f32 $1.500000000e+00, v17;
	v29 =	vmul.f32 $8.000160210e+00, v30;
	[tilespmem:v38+s17+$0x0] =	vst.idx.add.f32.msk $0xffff, v39  }
0x32e: {  	v3 =	vadd.f32 $1.500000000e+00, v3;
	v30 =	vmul.f32 v15, v19;
	v25 =	vadd.f32 $1.500000000e+00, v25;
	[tilespmem:v38+s18+$0x0] =	vst.idx.add.f32.msk $0xffff, v4  }
0x32f: {  	v24 =	vsub.f32 v24, v50;
	v23 =	vmul.f32 v17, v32;
	v17 =	vtrunc.f32 v29;
	[tilespmem:v38+s19+$0x0] =	vst.idx.add.f32.msk $0xffff, v26  }
0x330: {  	v4 =	vmul.f32 v3, v18;
	v17 =	vcvt.f32.s32 v17;
	[tilespmem:v38+s20+$0x0] =	vst.idx.add.f32.msk $0xffff, v21  }
0x331: {  	v3 =	vmul.f32 v25, v27;
	v18 =	vmul.f32 v23, v47;
	[tilespmem:v38+s21+$0x0] =	vst.idx.add.f32.msk $0xffff, v43  }
0x332: {  	v21 =	vmul.f32 v4, v40;
	v25 =	vcvt.s32.f32 v17  }
0x333: {  	v26 =	vmul.f32 v3, v42;
	v18 =	vmul.f32 $8.000160210e+00, v18;
	v27 =	vld [tilespmem:s9+$0xFA00]  }
0x334: {  	v31 =	vmul.f32 $6.400000000e+01, v41;
	v29 =	vld [tilespmem:s10+$0xFA00];
	v25 =	vmul.f32 v25, v25  }
0x335: {  	v21 =	vmul.f32 $8.000160210e+00, v21;
	v26 =	vmul.f32 $8.000160210e+00, v26  }
0x336: {  	v32 =	vmul.f32 v14, v19;
	v18 =	vtrunc.f32 v18;
	vm0 =	vlt.f32 v31, v25  }
0x337: {  	v19 =	vtrunc.f32 v21;
	v21 =	vtrunc.f32 v26;
	v25 =	vsel vm0, $0xFFFFFFFF, v1  }
0x338: {  	s0 =	sadd.s32 $0x40, s0;
	v26 =	vcvt.f32.s32 v18;
	v31 =	vcvt.f32.s32 v19;
	v17 =	vadd.s32 v17, v25  }
0x339: {  	v25 =	vmul.f32 v27, v9;
	v18 =	vld [tilespmem:s0+$0x10];
	vm0 =	vlt.s32 v17, $0x1F;
	v33 =	vmul.f32 v29, v12  }
0x33a: {  	v21 =	vcvt.f32.s32 v21;
	v27 =	vmul.f32 v27, v12;
	v19 =	vld [tilespmem:s0+$0xFFFFFFE0];
	v35 =	vnsel vm0, $0x1F, v17  }
0x33b: {  	v29 =	vmul.f32 v29, v9;
	v12 =	vld [tilespmem:s0+$0xFFFFFFF0];
	v25 =	vadd.f32 v33, v25;
	v33 =	vshll.u32 v35, $0x4  }
0x33c: {  	s1 =	sadd.s32 $0xFB00, s23;
	v36 =	vcvt.s32.f32 v31;
	v35 =	vcvt.s32.f32 v26;
	v9 =	vld [tilespmem:s0+$0x0];
	v33 =	vor.u32 v2, v33  }
0x33d: {  	s7 =	sor.u32 s7, s1;
	s9 =	sor.u32 s25, s1;
	s10 =	sor.u32 s24, s1;
	vm0 =	vlt.s32 v17, $0x20;
	v17 =	vsub.f32 v27, v29;
	v25 =	vmul.f32 v28, v25  }
0x33e: {  	s1 =	sor.u32 s8, s1;
	v29 =	vcvt.s32.f32 v21;
	v27 =	vmul.f32 v35, v35;
	v35 =	vld [tilespmem:s10+$0x0];
	v37 =	vnsel vm0, $0x0, v18  }
0x33f: {  	v28 =	vmul.f32 v28, v17;
	v18 =	vld [tilespmem:s7+$0x0];
	v38 =	vmul.f32 v37, v25  }
0x340: {  	v29 =	vmul.f32 v29, v29;
	vm0 =	vlt.f32 v34, v27;
	v27 =	vmul.f32 v36, v36;
	v17 =	vld [tilespmem:s9+$0x0]  }
0x341: {  	v36 =	vmul.f32 v37, v28;
	v34 =	vsel vm0, $0xFFFFFFFF, v1;
	[tilespmem:v33+s15+$0x0] =	vst.idx.add.f32.msk $0xffff, v37;
	v25 =	vmul.f32 v38, v25  }
0x342: {  	v15 =	vmul.f32 v15, v7;
	v39 =	vmul.f32 v11, v5;
	[tilespmem:v33+s16+$0x0] =	vst.idx.add.f32.msk $0xffff, v38  }
0x343: {  	v37 =	vmul.f32 v37, v35;
	[tilespmem:v33+s17+$0x0] =	vst.idx.add.f32.msk $0xffff, v25;
	v25 =	vmul.f32 v36, v28  }
0x344: {  	v5 =	vmul.f32 v16, v5;
	v28 =	vmul.f32 v11, v8;
	[tilespmem:v33+s18+$0x0] =	vst.idx.add.f32.msk $0xffff, v36  }
0x345: {  	v6 =	vmul.f32 v13, v6;
	[tilespmem:v33+s19+$0x0] =	vst.idx.add.f32.msk $0xffff, v25;
	v11 =	vmul.f32 v37, v35  }
0x346: {  	v7 =	vmul.f32 v14, v7;
	v8 =	vmul.f32 v16, v8;
	[tilespmem:v33+s20+$0x0] =	vst.idx.add.f32.msk $0xffff, v37  }
0x347: {  	vm1 =	vlt.f32 v22, v29;
	vm0 =	vlt.f32 v20, v27;
	[tilespmem:v33+s21+$0x0] =	vst.idx.add.f32.msk $0xffff, v11  }
.Ltmp9:
0x348: {  	v6 =	vadd.f32 v10, v6;
	v20 =	vsel vm1, $0xFFFFFFFF, v1;
	v11 =	vsel vm0, $0xFFFFFFFF, v1;
	v10 =	vld [tilespmem:s1+$0x0];
	(pc) =	sbr.rel @p0 .LBB2_10-.Ltmp9, $4  }
0x349: {  	v15 =	vsub.f32 v32, v15;
	v14 =	vadd.s32 v26, v34;
	v16 =	vadd.f32 v30, v7  }
0x34a: {  	v13 =	vadd.s32 v31, v11;
	v11 =	vadd.f32 v39, v8;
	v8 =	vsub.f32 v5, v28  }
0x34b: {  	vm2 =	vlt.s32 v14, $0x20;
	v5 =	vadd.s32 v21, v20;
	vm1 =	vlt.s32 v13, $0x20  }
0x34c: {  	v7 =	vmul.f32 v23, v6;
	v6 =	vmul.f32 v23, v24;
	vm0 =	vlt.s32 v5, $0x20  }
0x34d: {  	vm3 =	vlt.s32 v14, $0x1F  }
0x34e: {  	vm14 =	vlt.s32 v13, $0x1F;
	v14 =	vnsel vm3, $0x1F, v14  }
0x34f: {  	vm15 =	vlt.s32 v5, $0x1F;
	v13 =	vnsel vm14, $0x1F, v13;
	v14 =	vshll.u32 v14, $0x4  }
0x350: {  	v5 =	vnsel vm15, $0x1F, v5;
	v13 =	vshll.u32 v13, $0x4;
	v14 =	vor.u32 v2, v14  }
0x351: {  	v5 =	vshll.u32 v5, $0x4;
	v13 =	vor.u32 v2, v13  }
0x352: {  	v5 =	vor.u32 v2, v5;
	_ =	sdelay $0x1  }
0x353: {  	v19 =	vnsel vm2, $0x0, v19  }
0x354: {  	v53 =	vmul.f32 v4, v16;
	v12 =	vnsel vm1, $0x0, v12;
	[tilespmem:v14+s15+$0x0] =	vst.idx.add.f32.msk $0xffff, v19  }
0x355: {  	v58 =	vmul.f32 v3, v11;
	v59 =	vnsel vm0, $0x0, v9;
	v20 =	vmul.f32 v19, v7;
	[tilespmem:v13+s15+$0x0] =	vst.idx.add.f32.msk $0xffff, v12  }
0x356: {  	v56 =	vmul.f32 v12, v53;
	[tilespmem:v5+s15+$0x0] =	vst.idx.add.f32.msk $0xffff, v59  }
0x357: {  	v61 =	vmul.f32 v59, v58;
	[tilespmem:v14+s16+$0x0] =	vst.idx.add.f32.msk $0xffff, v20  }
0x358: {  	v21 =	vmul.f32 v19, v6;
	v7 =	vmul.f32 v20, v7;
	[tilespmem:v13+s16+$0x0] =	vst.idx.add.f32.msk $0xffff, v56  }
0x359: {  	[tilespmem:v5+s16+$0x0] =	vst.idx.add.f32.msk $0xffff, v61  }
0x35a: {  	v6 =	vmul.f32 v21, v6;
	[tilespmem:v14+s17+$0x0] =	vst.idx.add.f32.msk $0xffff, v7  }
0x35b: {  	v55 =	vmul.f32 v4, v15;
	v7 =	vmul.f32 v56, v53;
	[tilespmem:v14+s18+$0x0] =	vst.idx.add.f32.msk $0xffff, v21  }
0x35c: {  	v19 =	vmul.f32 v19, v18;
	[tilespmem:v14+s19+$0x0] =	vst.idx.add.f32.msk $0xffff, v6  }
0x35d: {  	v57 =	vmul.f32 v12, v55;
	[tilespmem:v13+s17+$0x0] =	vst.idx.add.f32.msk $0xffff, v7  }
0x35e: {  	v54 =	vmul.f32 v19, v18;
	[tilespmem:v14+s20+$0x0] =	vst.idx.add.f32.msk $0xffff, v19  }
0x35f: {  	v4 =	vmul.f32 v57, v55;
	[tilespmem:v13+s18+$0x0] =	vst.idx.add.f32.msk $0xffff, v57  }
0x360: {  	v3 =	vmul.f32 v3, v8;
	v6 =	vmul.f32 v61, v58;
	[tilespmem:v14+s21+$0x0] =	vst.idx.add.f32.msk $0xffff, v54  }
0x361: {  	v12 =	vmul.f32 v12, v17;
	[tilespmem:v13+s19+$0x0] =	vst.idx.add.f32.msk $0xffff, v4  }
0x362: {  	v8 =	vmul.f32 v59, v3;
	[tilespmem:v5+s17+$0x0] =	vst.idx.add.f32.msk $0xffff, v6  }
0x363: {  	v60 =	vmul.f32 v12, v17;
	[tilespmem:v13+s20+$0x0] =	vst.idx.add.f32.msk $0xffff, v12  }
.Ltmp10:
0x364: {  	v62 =	vmul.f32 v59, v10;
	v3 =	vmul.f32 v8, v3;
	[tilespmem:v5+s18+$0x0] =	vst.idx.add.f32.msk $0xffff, v8;
	(pc) =	sbr.rel .LBB2_12-.Ltmp10, $4  }
0x365: {  	[tilespmem:v13+s21+$0x0] =	vst.idx.add.f32.msk $0xffff, v60  }
0x366: {  	v63 =	vmul.f32 v62, v10;
	[tilespmem:v5+s19+$0x0] =	vst.idx.add.f32.msk $0xffff, v3  }
0x367: {  	[tilespmem:v5+s20+$0x0] =	vst.idx.add.f32.msk $0xffff, v62  }
0x368: {  	[tilespmem:v5+s21+$0x0] =	vst.idx.add.f32.msk $0xffff, v63  }
.LBB2_14:
0x369: {  	_ =	sfence.sel $0x180000  }
0x36a: {  	[bflag:$0x0] =	sbarrier.arrive $0xFFFF  }
0x36b: {  	_ =	strace $0x90000047  }
0x36c: {  	s0 =	stileid.u32;
	[bflag:$0x2] =	sbarrier.arrive $0xFFFF  }
0x36d: {  	p0 =	sne.s32 s0, $0x0;
	s0 =	rddreg [dreg:$0x2]  }
0x36e: {  	s0 =	sadd.s32 @!p0 $0x100000, s0  }
0x36f: {  	[sflag:s0] =	ssyncadd.tile.s32 @!p0 $0x1;
	_ =	shalt  }
.Lfunc_end2:
_tile_overlayer_lowered:
.L_overlay_start_2:
0x370: {  	(tag) =	ssettag $0x2  }
0x371: {  	s0 =	rddreg [dreg:$0x0];
	s2 =	stileid.u32  }
0x372: {  	s1 =	rddreg [dreg:$0x1];
	p0 =	sne.s32 s2, $0x0  }
0x373: {  	s3 =	rddreg [dreg:$0x2];
	[bflag:$0x3] =	sbarrier.arrive $0xFFFF;
	s2 =	simm.s32 @!p0 $0x1C03  }
0x374: {  	[timem:s3], [sflag:s2] =	dma.local @!p0 [hbm:s0], s1  }
0x375: {  	s0 =	simm.s32 @!p0 $0x3  }
0x376: {  	_ =	swait.ge @!p0 [sflag:s0], s1  }
0x377: {  	s1 =	ssub.s32 @!p0 $0x0, s1;
	[sflag:s0] =	ssyncset.done @!p0 $0x0  }
0x378: {  	[sflag:s0] =	ssyncadd.s32 @!p0 s1  }
0x379: {  	[bflag:$0x3] =	sbarrier.arrive $0xFFFF  }
0x37a: {  	_ =	shalt  }

</sc_bundles>
